<compile_context>
chip_gen: v7x
topology: tpu7x:2x2x1
jax: 0.10.2.dev20260603
libtpu: 0.0.44.dev20260713+nightly
codegen_flags: <defaults>
</compile_context>

<pallas_src>
import jax
import jax.numpy as jnp
from jax import lax
from jax.experimental import pallas as pl
from jax.experimental.pallas import tpu as pltpu
from jax.experimental.pallas import tpu_sc as plsc

_B, _S, _C = 4096, 50, 256
_NC, _NS = 2, 16
_NW = _NC * _NS
_RPW = _B // _NW
_T = 4
_STEPS = _RPW // _T
_IPS = _T * _S
_L = 16
_NVEC = (_IPS + _L - 1) // _L


def _sc_body(x_hbm, out_hbm, obuf, idxbuf, semo):
    c = lax.axis_index("c")
    s = lax.axis_index("s")
    wid = s * _NC + c
    base_row = wid * _RPW

    pltpu.sync_copy(x_hbm.at[pl.ds(wid * _RPW * _S, _RPW * _S)],
                    idxbuf.at[pl.ds(0, _RPW * _S)])

    lane = lax.iota(jnp.int32, _L)
    idxbuf[pl.ds(_RPW * _S, _L)] = lane * 0
    s50 = jnp.full((_L,), _S, jnp.int32)
    ones = jnp.full((_L,), 1.0, jnp.float32)
    zeros = jnp.full((_L,), 0.0, jnp.float32)
    tail = lane < jnp.full((_L,), _IPS - (_NVEC - 1) * _L, jnp.int32)

    for b in range(2):
        for a in range(_T):
            def _zrow(r, _, b=b, a=a):
                for k in range(_C // _L):
                    obuf[b, a, r, pl.ds(k * _L, _L)] = zeros
                return _
            lax.fori_loop(0, _S, _zrow, None)

    def _scatter(step, b, value):
        for v in range(_NVEC):
            k = lane + (v * _L)
            i0 = lax.div(k, s50)
            i1 = lax.rem(k, s50)
            i2 = idxbuf[pl.ds(step * _IPS + v * _L, _L)]
            mask = tail if v == _NVEC - 1 else None
            plsc.store_scatter(obuf.at[b], [i0, i1, i2], value, mask=mask)

    def _out_copy(j, b):
        return pltpu.make_async_copy(
            obuf.at[b], out_hbm.at[pl.ds(base_row + j * _T, _T)], semo.at[b]
        )

    def _do_step(j, b):
        @pl.when(j >= 2)
        def _reclaim():
            _out_copy(j - 2, b).wait()
            _scatter(j - 2, b, zeros)

        _scatter(j, b, ones)
        _out_copy(j, b).start()

    def _step(jj, _):
        _do_step(jj * 2, 0)
        _do_step(jj * 2 + 1, 1)
        return _

    lax.fori_loop(0, _STEPS // 2, _step, None)
    _out_copy(_STEPS - 2, 0).wait()
    _out_copy(_STEPS - 1, 1).wait()


def kernel(x):
    mesh = plsc.VectorSubcoreMesh(
        core_axis_name="c", subcore_axis_name="s",
        num_cores=_NC, num_subcores=_NS,
    )
    sc_onehot = pl.kernel(
        _sc_body,
        out_type=jax.ShapeDtypeStruct((_B, _S, _C), jnp.float32),
        mesh=mesh,
        scratch_types=[
            pltpu.VMEM((2, _T, _S, _C), jnp.float32),
            pltpu.VMEM((_RPW * _S + _L,), jnp.int32),
            pltpu.SemaphoreType.DMA((2,)),
        ],
        compiler_params=pltpu.CompilerParams(
            use_tc_tiling_on_sc=True, needs_layout_passes=False,
        ),
    )
    return sc_onehot(x.reshape(-1).astype(jnp.int32))

# --- scband reference (transcript-rebuilt; emitter-appended) ---
"""Pipeline reference for scband-to-one-hot-13228499271817 (READ-ONLY COPY).

The authoritative reference and input builder live on the scoring server;
editing this copy changes nothing except your own understanding.
"""

import jax, jax.numpy as jnp
import numpy as np


def setup_inputs(seed: int = 0) -> dict:
    key = jax.random.key(seed)
    x = jax.random.randint(key, (4096, 50), 0, 256, dtype=jnp.int64 if jax.config.jax_enable_x64 else jnp.int32)
    return {"x": x}


def reference(x) -> jnp.ndarray:
    # Faithful translation of nn.functional.one_hot(x, num_classes=256).to(torch.float)
    return jax.nn.one_hot(x, num_classes=256, dtype=jnp.float32)

if __name__ == "__main__":
    import jax
    _d = setup_inputs()
    print(jax.jit(kernel)(*tuple(_d.values())))

</pallas_src>

<mosaic_0001>
#map = affine_map<(d0, d1) -> (0)>
#map1 = affine_map<(d0, d1) -> (0, 0, 0)>
module attributes {stable_mosaic.version = 14 : i64} {
  func.func @_sc_body(%arg0: i32, %arg1: i32, %arg2: memref<204800xi32, #tpu.memory_space<hbm>>, %arg3: memref<4096x50x256xf32, #tpu.memory_space<hbm>>, %arg4: memref<2x4x50x256xf32, #tpu.memory_space<vmem>>, %arg5: memref<6416xi32, #tpu.memory_space<vmem>>, %arg6: memref<2x!tpu.dma_semaphore, #tpu.memory_space<semaphore_mem>>) attributes {dimension_semantics = [#tpu.dimension_semantics<core_parallel>, #tpu.dimension_semantics<subcore_parallel>], iteration_bounds = array<i64: 2, 16>, scalar_prefetch = 0 : i64, scratch_operands = 3 : i64, tpu.core_type = #tpu.core_type<sc_vector_subcore>, window_params = [{transform_indices = #map}, {transform_indices = #map1}]} {
    %mul3A = arith.constant 2 : i32
    %mul3A_0 = arith.muli %arg1, %mul3A : i32
    %add3A = arith.addi %mul3A_0, %arg0 : i32
    %mul3A_1 = arith.constant 128 : i32
    %mul3A_2 = arith.muli %add3A, %mul3A_1 : i32
    %mul3A_3 = arith.constant 128 : i32
    %mul3A_4 = arith.muli %add3A, %mul3A_3 : i32
    %mul3A_5 = arith.constant 50 : i32
    %mul3A_6 = arith.muli %mul3A_4, %mul3A_5 : i32
    "tpu.region"() ({
      %run_scoped3A = tpu.sem_alloc : memref<!tpu.dma_semaphore, #tpu.memory_space<semaphore_mem>>
      %dma_start3A = arith.constant 0 : i32
      %dma_start3A_105 = tpu.memref_slice %arg5[%dma_start3A] : memref<6416xi32, #tpu.memory_space<vmem>> -> memref<6400xi32, #tpu.memory_space<vmem>>
      %dma_start3A_106 = tpu.memref_slice %arg2[%mul3A_6] : memref<204800xi32, #tpu.memory_space<hbm>> -> memref<6400xi32, #tpu.memory_space<hbm>>
      %dma_start3A_107 = arith.constant 0 : i32
      %dma_start3A_108 = tpu.memref_slice %arg5[%dma_start3A_107] : memref<6416xi32, #tpu.memory_space<vmem>> -> memref<6400xi32, #tpu.memory_space<vmem>>
      %dma_start3A_109 = tpu.memref_slice %arg2[%mul3A_6] : memref<204800xi32, #tpu.memory_space<hbm>> -> memref<6400xi32, #tpu.memory_space<hbm>>
      tpu.enqueue_dma source(%dma_start3A_109 : memref<6400xi32, #tpu.memory_space<hbm>>) target(%dma_start3A_108 : memref<6400xi32, #tpu.memory_space<vmem>>) target_semaphore(%run_scoped3A : memref<!tpu.dma_semaphore, #tpu.memory_space<semaphore_mem>>)
      %dma_wait3A_110 = arith.constant 0 : i32
      %dma_wait3A_111 = tpu.memref_slice %arg5[%dma_wait3A_110] : memref<6416xi32, #tpu.memory_space<vmem>> -> memref<6400xi32, #tpu.memory_space<vmem>>
      %dma_wait3A_112 = tpu.memref_slice %arg2[%mul3A_6] : memref<204800xi32, #tpu.memory_space<hbm>> -> memref<6400xi32, #tpu.memory_space<hbm>>
      %dma_wait3A_113 = arith.constant 0 : i32
      %dma_wait3A_114 = tpu.memref_slice %arg5[%dma_wait3A_113] : memref<6416xi32, #tpu.memory_space<vmem>> -> memref<6400xi32, #tpu.memory_space<vmem>>
      %dma_wait3A_115 = tpu.memref_slice %arg2[%mul3A_6] : memref<204800xi32, #tpu.memory_space<hbm>> -> memref<6400xi32, #tpu.memory_space<hbm>>
      tpu.wait_dma2 semaphore(%run_scoped3A : memref<!tpu.dma_semaphore, #tpu.memory_space<semaphore_mem>>) src(%dma_wait3A_115 : memref<6400xi32, #tpu.memory_space<hbm>>) dst(%dma_wait3A_114 : memref<6400xi32, #tpu.memory_space<vmem>>)
      tpu.yield
    }) : () -> ()
    %iota3A = tpu.iota {dimensions = array<i32: 0>} : vector<16xi32>
    %mul3A_7 = arith.constant 0 : i32
    %mul3A_8 = vector.broadcast %mul3A_7 : i32 to vector<16xi32>
    %mul3A_9 = arith.muli %iota3A, %mul3A_8 : vector<16xi32>
    %swap3A = arith.constant 6400 : index
    %swap3A_10 = tpu.vector_load %arg5[%swap3A] {strides = array<i32>} : memref<6416xi32, #tpu.memory_space<vmem>>, vector<16xi32>,
    tpu.vector_store %arg5[%swap3A], %mul3A_9 {strides = array<i32>} : memref<6416xi32, #tpu.memory_space<vmem>>, vector<16xi32>,
    %broadcast_in_dim3A = arith.constant 50 : i32
    %broadcast_in_dim3A_11 = vector.broadcast %broadcast_in_dim3A : i32 to vector<16xi32>
    %broadcast_in_dim3A_12 = arith.constant 1.000000e+00 : f32
    %broadcast_in_dim3A_13 = vector.broadcast %broadcast_in_dim3A_12 : f32 to vector<16xf32>
    %broadcast_in_dim3A_14 = arith.constant 0.000000e+00 : f32
    %broadcast_in_dim3A_15 = vector.broadcast %broadcast_in_dim3A_14 : f32 to vector<16xf32>
    %broadcast_in_dim3A_16 = arith.constant 8 : i32
    %broadcast_in_dim3A_17 = vector.broadcast %broadcast_in_dim3A_16 : i32 to vector<16xi32>
    %lt3A = arith.cmpi slt, %iota3A, %broadcast_in_dim3A_17 : vector<16xi32>
    %scan3A = arith.constant 0 : i32
    %scan3A_18 = arith.constant 50 : i32
    %scan3A_19 = arith.addi %scan3A, %scan3A_18 : i32
    %scan3A_20 = arith.constant 1 : i32
    scf.for %scan3A_105 = %scan3A to %scan3A_19 step %scan3A_20  : i32 {
      %swap3A_106 = arith.constant 0 : i32
      %swap3A_107 = arith.constant 0 : i32
      %swap3A_108 = arith.index_cast %swap3A_106 : i32 to index
      %swap3A_109 = arith.index_cast %swap3A_107 : i32 to index
      %swap3A_110 = arith.index_cast %scan3A_105 : i32 to index
      %swap3A_111 = arith.constant 0 : index
      %swap3A_112 = tpu.vector_load %arg4[%swap3A_108, %swap3A_109, %swap3A_110, %swap3A_111] {strides = array<i32>} : memref<2x4x50x256xf32, #tpu.memory_space<vmem>>, vector<16xf32>,
      tpu.vector_store %arg4[%swap3A_108, %swap3A_109, %swap3A_110, %swap3A_111], %broadcast_in_dim3A_15 {strides = array<i32>} : memref<2x4x50x256xf32, #tpu.memory_space<vmem>>, vector<16xf32>,
      %swap3A_113 = arith.constant 0 : i32
      %swap3A_114 = arith.constant 0 : i32
      %swap3A_115 = arith.index_cast %swap3A_113 : i32 to index
      %swap3A_116 = arith.index_cast %swap3A_114 : i32 to index
      %swap3A_117 = arith.index_cast %scan3A_105 : i32 to index
      %swap3A_118 = arith.constant 16 : index
      %swap3A_119 = tpu.vector_load %arg4[%swap3A_115, %swap3A_116, %swap3A_117, %swap3A_118] {strides = array<i32>} : memref<2x4x50x256xf32, #tpu.memory_space<vmem>>, vector<16xf32>,
      tpu.vector_store %arg4[%swap3A_115, %swap3A_116, %swap3A_117, %swap3A_118], %broadcast_in_dim3A_15 {strides = array<i32>} : memref<2x4x50x256xf32, #tpu.memory_space<vmem>>, vector<16xf32>,
      %swap3A_120 = arith.constant 0 : i32
      %swap3A_121 = arith.constant 0 : i32
      %swap3A_122 = arith.index_cast %swap3A_120 : i32 to index
      %swap3A_123 = arith.index_cast %swap3A_121 : i32 to index
      %swap3A_124 = arith.index_cast %scan3A_105 : i32 to index
      %swap3A_125 = arith.constant 32 : index
      %swap3A_126 = tpu.vector_load %arg4[%swap3A_122, %swap3A_123, %swap3A_124, %swap3A_125] {strides = array<i32>} : memref<2x4x50x256xf32, #tpu.memory_space<vmem>>, vector<16xf32>,
      tpu.vector_store %arg4[%swap3A_122, %swap3A_123, %swap3A_124, %swap3A_125], %broadcast_in_dim3A_15 {strides = array<i32>} : memref<2x4x50x256xf32, #tpu.memory_space<vmem>>, vector<16xf32>,
      %swap3A_127 = arith.constant 0 : i32
      %swap3A_128 = arith.constant 0 : i32
      %swap3A_129 = arith.index_cast %swap3A_127 : i32 to index
      %swap3A_130 = arith.index_cast %swap3A_128 : i32 to index
      %swap3A_131 = arith.index_cast %scan3A_105 : i32 to index
      %swap3A_132 = arith.constant 48 : index
      %swap3A_133 = tpu.vector_load %arg4[%swap3A_129, %swap3A_130, %swap3A_131, %swap3A_132] {strides = array<i32>} : memref<2x4x50x256xf32, #tpu.memory_space<vmem>>, vector<16xf32>,
      tpu.vector_store %arg4[%swap3A_129, %swap3A_130, %swap3A_131, %swap3A_132], %broadcast_in_dim3A_15 {strides = array<i32>} : memref<2x4x50x256xf32, #tpu.memory_space<vmem>>, vector<16xf32>,
      %swap3A_134 = arith.constant 0 : i32
      %swap3A_135 = arith.constant 0 : i32
      %swap3A_136 = arith.index_cast %swap3A_134 : i32 to index
      %swap3A_137 = arith.index_cast %swap3A_135 : i32 to index
      %swap3A_138 = arith.index_cast %scan3A_105 : i32 to index
      %swap3A_139 = arith.constant 64 : index
      %swap3A_140 = tpu.vector_load %arg4[%swap3A_136, %swap3A_137, %swap3A_138, %swap3A_139] {strides = array<i32>} : memref<2x4x50x256xf32, #tpu.memory_space<vmem>>, vector<16xf32>,
      tpu.vector_store %arg4[%swap3A_136, %swap3A_137, %swap3A_138, %swap3A_139], %broadcast_in_dim3A_15 {strides = array<i32>} : memref<2x4x50x256xf32, #tpu.memory_space<vmem>>, vector<16xf32>,
      %swap3A_141 = arith.constant 0 : i32
      %swap3A_142 = arith.constant 0 : i32
      %swap3A_143 = arith.index_cast %swap3A_141 : i32 to index
      %swap3A_144 = arith.index_cast %swap3A_142 : i32 to index
      %swap3A_145 = arith.index_cast %scan3A_105 : i32 to index
      %swap3A_146 = arith.constant 80 : index
      %swap3A_147 = tpu.vector_load %arg4[%swap3A_143, %swap3A_144, %swap3A_145, %swap3A_146] {strides = array<i32>} : memref<2x4x50x256xf32, #tpu.memory_space<vmem>>, vector<16xf32>,
      tpu.vector_store %arg4[%swap3A_143, %swap3A_144, %swap3A_145, %swap3A_146], %broadcast_in_dim3A_15 {strides = array<i32>} : memref<2x4x50x256xf32, #tpu.memory_space<vmem>>, vector<16xf32>,
      %swap3A_148 = arith.constant 0 : i32
      %swap3A_149 = arith.constant 0 : i32
      %swap3A_150 = arith.index_cast %swap3A_148 : i32 to index
      %swap3A_151 = arith.index_cast %swap3A_149 : i32 to index
      %swap3A_152 = arith.index_cast %scan3A_105 : i32 to index
      %swap3A_153 = arith.constant 96 : index
      %swap3A_154 = tpu.vector_load %arg4[%swap3A_150, %swap3A_151, %swap3A_152, %swap3A_153] {strides = array<i32>} : memref<2x4x50x256xf32, #tpu.memory_space<vmem>>, vector<16xf32>,
      tpu.vector_store %arg4[%swap3A_150, %swap3A_151, %swap3A_152, %swap3A_153], %broadcast_in_dim3A_15 {strides = array<i32>} : memref<2x4x50x256xf32, #tpu.memory_space<vmem>>, vector<16xf32>,
      %swap3A_155 = arith.constant 0 : i32
      %swap3A_156 = arith.constant 0 : i32
      %swap3A_157 = arith.index_cast %swap3A_155 : i32 to index
      %swap3A_158 = arith.index_cast %swap3A_156 : i32 to index
      %swap3A_159 = arith.index_cast %scan3A_105 : i32 to index
      %swap3A_160 = arith.constant 112 : index
      %swap3A_161 = tpu.vector_load %arg4[%swap3A_157, %swap3A_158, %swap3A_159, %swap3A_160] {strides = array<i32>} : memref<2x4x50x256xf32, #tpu.memory_space<vmem>>, vector<16xf32>,
      tpu.vector_store %arg4[%swap3A_157, %swap3A_158, %swap3A_159, %swap3A_160], %broadcast_in_dim3A_15 {strides = array<i32>} : memref<2x4x50x256xf32, #tpu.memory_space<vmem>>, vector<16xf32>,
      %swap3A_162 = arith.constant 0 : i32
      %swap3A_163 = arith.constant 0 : i32
      %swap3A_164 = arith.index_cast %swap3A_162 : i32 to index
      %swap3A_165 = arith.index_cast %swap3A_163 : i32 to index
      %swap3A_166 = arith.index_cast %scan3A_105 : i32 to index
      %swap3A_167 = arith.constant 128 : index
      %swap3A_168 = tpu.vector_load %arg4[%swap3A_164, %swap3A_165, %swap3A_166, %swap3A_167] {strides = array<i32>} : memref<2x4x50x256xf32, #tpu.memory_space<vmem>>, vector<16xf32>,
      tpu.vector_store %arg4[%swap3A_164, %swap3A_165, %swap3A_166, %swap3A_167], %broadcast_in_dim3A_15 {strides = array<i32>} : memref<2x4x50x256xf32, #tpu.memory_space<vmem>>, vector<16xf32>,
      %swap3A_169 = arith.constant 0 : i32
      %swap3A_170 = arith.constant 0 : i32
      %swap3A_171 = arith.index_cast %swap3A_169 : i32 to index
      %swap3A_172 = arith.index_cast %swap3A_170 : i32 to index
      %swap3A_173 = arith.index_cast %scan3A_105 : i32 to index
      %swap3A_174 = arith.constant 144 : index
      %swap3A_175 = tpu.vector_load %arg4[%swap3A_171, %swap3A_172, %swap3A_173, %swap3A_174] {strides = array<i32>} : memref<2x4x50x256xf32, #tpu.memory_space<vmem>>, vector<16xf32>,
      tpu.vector_store %arg4[%swap3A_171, %swap3A_172, %swap3A_173, %swap3A_174], %broadcast_in_dim3A_15 {strides = array<i32>} : memref<2x4x50x256xf32, #tpu.memory_space<vmem>>, vector<16xf32>,
      %swap3A_176 = arith.constant 0 : i32
      %swap3A_177 = arith.constant 0 : i32
      %swap3A_178 = arith.index_cast %swap3A_176 : i32 to index
      %swap3A_179 = arith.index_cast %swap3A_177 : i32 to index
      %swap3A_180 = arith.index_cast %scan3A_105 : i32 to index
      %swap3A_181 = arith.constant 160 : index
      %swap3A_182 = tpu.vector_load %arg4[%swap3A_178, %swap3A_179, %swap3A_180, %swap3A_181] {strides = array<i32>} : memref<2x4x50x256xf32, #tpu.memory_space<vmem>>, vector<16xf32>,
      tpu.vector_store %arg4[%swap3A_178, %swap3A_179, %swap3A_180, %swap3A_181], %broadcast_in_dim3A_15 {strides = array<i32>} : memref<2x4x50x256xf32, #tpu.memory_space<vmem>>, vector<16xf32>,
      %swap3A_183 = arith.constant 0 : i32
      %swap3A_184 = arith.constant 0 : i32
      %swap3A_185 = arith.index_cast %swap3A_183 : i32 to index
      %swap3A_186 = arith.index_cast %swap3A_184 : i32 to index
      %swap3A_187 = arith.index_cast %scan3A_105 : i32 to index
      %swap3A_188 = arith.constant 176 : index
      %swap3A_189 = tpu.vector_load %arg4[%swap3A_185, %swap3A_186, %swap3A_187, %swap3A_188] {strides = array<i32>} : memref<2x4x50x256xf32, #tpu.memory_space<vmem>>, vector<16xf32>,
      tpu.vector_store %arg4[%swap3A_185, %swap3A_186, %swap3A_187, %swap3A_188], %broadcast_in_dim3A_15 {strides = array<i32>} : memref<2x4x50x256xf32, #tpu.memory_space<vmem>>, vector<16xf32>,
      %swap3A_190 = arith.constant 0 : i32
      %swap3A_191 = arith.constant 0 : i32
      %swap3A_192 = arith.index_cast %swap3A_190 : i32 to index
      %swap3A_193 = arith.index_cast %swap3A_191 : i32 to index
      %swap3A_194 = arith.index_cast %scan3A_105 : i32 to index
      %swap3A_195 = arith.constant 192 : index
      %swap3A_196 = tpu.vector_load %arg4[%swap3A_192, %swap3A_193, %swap3A_194, %swap3A_195] {strides = array<i32>} : memref<2x4x50x256xf32, #tpu.memory_space<vmem>>, vector<16xf32>,
      tpu.vector_store %arg4[%swap3A_192, %swap3A_193, %swap3A_194, %swap3A_195], %broadcast_in_dim3A_15 {strides = array<i32>} : memref<2x4x50x256xf32, #tpu.memory_space<vmem>>, vector<16xf32>,
      %swap3A_197 = arith.constant 0 : i32
      %swap3A_198 = arith.constant 0 : i32
      %swap3A_199 = arith.index_cast %swap3A_197 : i32 to index
      %swap3A_200 = arith.index_cast %swap3A_198 : i32 to index
      %swap3A_201 = arith.index_cast %scan3A_105 : i32 to index
      %swap3A_202 = arith.constant 208 : index
      %swap3A_203 = tpu.vector_load %arg4[%swap3A_199, %swap3A_200, %swap3A_201, %swap3A_202] {strides = array<i32>} : memref<2x4x50x256xf32, #tpu.memory_space<vmem>>, vector<16xf32>,
      tpu.vector_store %arg4[%swap3A_199, %swap3A_200, %swap3A_201, %swap3A_202], %broadcast_in_dim3A_15 {strides = array<i32>} : memref<2x4x50x256xf32, #tpu.memory_space<vmem>>, vector<16xf32>,
      %swap3A_204 = arith.constant 0 : i32
      %swap3A_205 = arith.constant 0 : i32
      %swap3A_206 = arith.index_cast %swap3A_204 : i32 to index
      %swap3A_207 = arith.index_cast %swap3A_205 : i32 to index
      %swap3A_208 = arith.index_cast %scan3A_105 : i32 to index
      %swap3A_209 = arith.constant 224 : index
      %swap3A_210 = tpu.vector_load %arg4[%swap3A_206, %swap3A_207, %swap3A_208, %swap3A_209] {strides = array<i32>} : memref<2x4x50x256xf32, #tpu.memory_space<vmem>>, vector<16xf32>,
      tpu.vector_store %arg4[%swap3A_206, %swap3A_207, %swap3A_208, %swap3A_209], %broadcast_in_dim3A_15 {strides = array<i32>} : memref<2x4x50x256xf32, #tpu.memory_space<vmem>>, vector<16xf32>,
      %swap3A_211 = arith.constant 0 : i32
      %swap3A_212 = arith.constant 0 : i32
      %swap3A_213 = arith.index_cast %swap3A_211 : i32 to index
      %swap3A_214 = arith.index_cast %swap3A_212 : i32 to index
      %swap3A_215 = arith.index_cast %scan3A_105 : i32 to index
      %swap3A_216 = arith.constant 240 : index
      %swap3A_217 = tpu.vector_load %arg4[%swap3A_213, %swap3A_214, %swap3A_215, %swap3A_216] {strides = array<i32>} : memref<2x4x50x256xf32, #tpu.memory_space<vmem>>, vector<16xf32>,
      tpu.vector_store %arg4[%swap3A_213, %swap3A_214, %swap3A_215, %swap3A_216], %broadcast_in_dim3A_15 {strides = array<i32>} : memref<2x4x50x256xf32, #tpu.memory_space<vmem>>, vector<16xf32>,
    }
    %scan3A_21 = arith.constant 50 : i32
    %scan3A_22 = arith.constant 0 : i32
    %scan3A_23 = arith.constant 50 : i32
    %scan3A_24 = arith.addi %scan3A_22, %scan3A_23 : i32
    %scan3A_25 = arith.constant 1 : i32
    scf.for %scan3A_105 = %scan3A_22 to %scan3A_24 step %scan3A_25  : i32 {
      %swap3A_106 = arith.constant 0 : i32
      %swap3A_107 = arith.constant 1 : i32
      %swap3A_108 = arith.index_cast %swap3A_106 : i32 to index
      %swap3A_109 = arith.index_cast %swap3A_107 : i32 to index
      %swap3A_110 = arith.index_cast %scan3A_105 : i32 to index
      %swap3A_111 = arith.constant 0 : index
      %swap3A_112 = tpu.vector_load %arg4[%swap3A_108, %swap3A_109, %swap3A_110, %swap3A_111] {strides = array<i32>} : memref<2x4x50x256xf32, #tpu.memory_space<vmem>>, vector<16xf32>,
      tpu.vector_store %arg4[%swap3A_108, %swap3A_109, %swap3A_110, %swap3A_111], %broadcast_in_dim3A_15 {strides = array<i32>} : memref<2x4x50x256xf32, #tpu.memory_space<vmem>>, vector<16xf32>,
      %swap3A_113 = arith.constant 0 : i32
      %swap3A_114 = arith.constant 1 : i32
      %swap3A_115 = arith.index_cast %swap3A_113 : i32 to index
      %swap3A_116 = arith.index_cast %swap3A_114 : i32 to index
      %swap3A_117 = arith.index_cast %scan3A_105 : i32 to index
      %swap3A_118 = arith.constant 16 : index
      %swap3A_119 = tpu.vector_load %arg4[%swap3A_115, %swap3A_116, %swap3A_117, %swap3A_118] {strides = array<i32>} : memref<2x4x50x256xf32, #tpu.memory_space<vmem>>, vector<16xf32>,
      tpu.vector_store %arg4[%swap3A_115, %swap3A_116, %swap3A_117, %swap3A_118], %broadcast_in_dim3A_15 {strides = array<i32>} : memref<2x4x50x256xf32, #tpu.memory_space<vmem>>, vector<16xf32>,
      %swap3A_120 = arith.constant 0 : i32
      %swap3A_121 = arith.constant 1 : i32
      %swap3A_122 = arith.index_cast %swap3A_120 : i32 to index
      %swap3A_123 = arith.index_cast %swap3A_121 : i32 to index
      %swap3A_124 = arith.index_cast %scan3A_105 : i32 to index
      %swap3A_125 = arith.constant 32 : index
      %swap3A_126 = tpu.vector_load %arg4[%swap3A_122, %swap3A_123, %swap3A_124, %swap3A_125] {strides = array<i32>} : memref<2x4x50x256xf32, #tpu.memory_space<vmem>>, vector<16xf32>,
      tpu.vector_store %arg4[%swap3A_122, %swap3A_123, %swap3A_124, %swap3A_125], %broadcast_in_dim3A_15 {strides = array<i32>} : memref<2x4x50x256xf32, #tpu.memory_space<vmem>>, vector<16xf32>,
      %swap3A_127 = arith.constant 0 : i32
      %swap3A_128 = arith.constant 1 : i32
      %swap3A_129 = arith.index_cast %swap3A_127 : i32 to index
      %swap3A_130 = arith.index_cast %swap3A_128 : i32 to index
      %swap3A_131 = arith.index_cast %scan3A_105 : i32 to index
      %swap3A_132 = arith.constant 48 : index
      %swap3A_133 = tpu.vector_load %arg4[%swap3A_129, %swap3A_130, %swap3A_131, %swap3A_132] {strides = array<i32>} : memref<2x4x50x256xf32, #tpu.memory_space<vmem>>, vector<16xf32>,
      tpu.vector_store %arg4[%swap3A_129, %swap3A_130, %swap3A_131, %swap3A_132], %broadcast_in_dim3A_15 {strides = array<i32>} : memref<2x4x50x256xf32, #tpu.memory_space<vmem>>, vector<16xf32>,
      %swap3A_134 = arith.constant 0 : i32
      %swap3A_135 = arith.constant 1 : i32
      %swap3A_136 = arith.index_cast %swap3A_134 : i32 to index
      %swap3A_137 = arith.index_cast %swap3A_135 : i32 to index
      %swap3A_138 = arith.index_cast %scan3A_105 : i32 to index
      %swap3A_139 = arith.constant 64 : index
      %swap3A_140 = tpu.vector_load %arg4[%swap3A_136, %swap3A_137, %swap3A_138, %swap3A_139] {strides = array<i32>} : memref<2x4x50x256xf32, #tpu.memory_space<vmem>>, vector<16xf32>,
      tpu.vector_store %arg4[%swap3A_136, %swap3A_137, %swap3A_138, %swap3A_139], %broadcast_in_dim3A_15 {strides = array<i32>} : memref<2x4x50x256xf32, #tpu.memory_space<vmem>>, vector<16xf32>,
      %swap3A_141 = arith.constant 0 : i32
      %swap3A_142 = arith.constant 1 : i32
      %swap3A_143 = arith.index_cast %swap3A_141 : i32 to index
      %swap3A_144 = arith.index_cast %swap3A_142 : i32 to index
      %swap3A_145 = arith.index_cast %scan3A_105 : i32 to index
      %swap3A_146 = arith.constant 80 : index
      %swap3A_147 = tpu.vector_load %arg4[%swap3A_143, %swap3A_144, %swap3A_145, %swap3A_146] {strides = array<i32>} : memref<2x4x50x256xf32, #tpu.memory_space<vmem>>, vector<16xf32>,
      tpu.vector_store %arg4[%swap3A_143, %swap3A_144, %swap3A_145, %swap3A_146], %broadcast_in_dim3A_15 {strides = array<i32>} : memref<2x4x50x256xf32, #tpu.memory_space<vmem>>, vector<16xf32>,
      %swap3A_148 = arith.constant 0 : i32
      %swap3A_149 = arith.constant 1 : i32
      %swap3A_150 = arith.index_cast %swap3A_148 : i32 to index
      %swap3A_151 = arith.index_cast %swap3A_149 : i32 to index
      %swap3A_152 = arith.index_cast %scan3A_105 : i32 to index
      %swap3A_153 = arith.constant 96 : index
      %swap3A_154 = tpu.vector_load %arg4[%swap3A_150, %swap3A_151, %swap3A_152, %swap3A_153] {strides = array<i32>} : memref<2x4x50x256xf32, #tpu.memory_space<vmem>>, vector<16xf32>,
      tpu.vector_store %arg4[%swap3A_150, %swap3A_151, %swap3A_152, %swap3A_153], %broadcast_in_dim3A_15 {strides = array<i32>} : memref<2x4x50x256xf32, #tpu.memory_space<vmem>>, vector<16xf32>,
      %swap3A_155 = arith.constant 0 : i32
      %swap3A_156 = arith.constant 1 : i32
      %swap3A_157 = arith.index_cast %swap3A_155 : i32 to index
      %swap3A_158 = arith.index_cast %swap3A_156 : i32 to index
      %swap3A_159 = arith.index_cast %scan3A_105 : i32 to index
      %swap3A_160 = arith.constant 112 : index
      %swap3A_161 = tpu.vector_load %arg4[%swap3A_157, %swap3A_158, %swap3A_159, %swap3A_160] {strides = array<i32>} : memref<2x4x50x256xf32, #tpu.memory_space<vmem>>, vector<16xf32>,
      tpu.vector_store %arg4[%swap3A_157, %swap3A_158, %swap3A_159, %swap3A_160], %broadcast_in_dim3A_15 {strides = array<i32>} : memref<2x4x50x256xf32, #tpu.memory_space<vmem>>, vector<16xf32>,
      %swap3A_162 = arith.constant 0 : i32
      %swap3A_163 = arith.constant 1 : i32
      %swap3A_164 = arith.index_cast %swap3A_162 : i32 to index
      %swap3A_165 = arith.index_cast %swap3A_163 : i32 to index
      %swap3A_166 = arith.index_cast %scan3A_105 : i32 to index
      %swap3A_167 = arith.constant 128 : index
      %swap3A_168 = tpu.vector_load %arg4[%swap3A_164, %swap3A_165, %swap3A_166, %swap3A_167] {strides = array<i32>} : memref<2x4x50x256xf32, #tpu.memory_space<vmem>>, vector<16xf32>,
      tpu.vector_store %arg4[%swap3A_164, %swap3A_165, %swap3A_166, %swap3A_167], %broadcast_in_dim3A_15 {strides = array<i32>} : memref<2x4x50x256xf32, #tpu.memory_space<vmem>>, vector<16xf32>,
      %swap3A_169 = arith.constant 0 : i32
      %swap3A_170 = arith.constant 1 : i32
      %swap3A_171 = arith.index_cast %swap3A_169 : i32 to index
      %swap3A_172 = arith.index_cast %swap3A_170 : i32 to index
      %swap3A_173 = arith.index_cast %scan3A_105 : i32 to index
      %swap3A_174 = arith.constant 144 : index
      %swap3A_175 = tpu.vector_load %arg4[%swap3A_171, %swap3A_172, %swap3A_173, %swap3A_174] {strides = array<i32>} : memref<2x4x50x256xf32, #tpu.memory_space<vmem>>, vector<16xf32>,
      tpu.vector_store %arg4[%swap3A_171, %swap3A_172, %swap3A_173, %swap3A_174], %broadcast_in_dim3A_15 {strides = array<i32>} : memref<2x4x50x256xf32, #tpu.memory_space<vmem>>, vector<16xf32>,
      %swap3A_176 = arith.constant 0 : i32
      %swap3A_177 = arith.constant 1 : i32
      %swap3A_178 = arith.index_cast %swap3A_176 : i32 to index
      %swap3A_179 = arith.index_cast %swap3A_177 : i32 to index
      %swap3A_180 = arith.index_cast %scan3A_105 : i32 to index
      %swap3A_181 = arith.constant 160 : index
      %swap3A_182 = tpu.vector_load %arg4[%swap3A_178, %swap3A_179, %swap3A_180, %swap3A_181] {strides = array<i32>} : memref<2x4x50x256xf32, #tpu.memory_space<vmem>>, vector<16xf32>,
      tpu.vector_store %arg4[%swap3A_178, %swap3A_179, %swap3A_180, %swap3A_181], %broadcast_in_dim3A_15 {strides = array<i32>} : memref<2x4x50x256xf32, #tpu.memory_space<vmem>>, vector<16xf32>,
      %swap3A_183 = arith.constant 0 : i32
      %swap3A_184 = arith.constant 1 : i32
      %swap3A_185 = arith.index_cast %swap3A_183 : i32 to index
      %swap3A_186 = arith.index_cast %swap3A_184 : i32 to index
      %swap3A_187 = arith.index_cast %scan3A_105 : i32 to index
      %swap3A_188 = arith.constant 176 : index
      %swap3A_189 = tpu.vector_load %arg4[%swap3A_185, %swap3A_186, %swap3A_187, %swap3A_188] {strides = array<i32>} : memref<2x4x50x256xf32, #tpu.memory_space<vmem>>, vector<16xf32>,
      tpu.vector_store %arg4[%swap3A_185, %swap3A_186, %swap3A_187, %swap3A_188], %broadcast_in_dim3A_15 {strides = array<i32>} : memref<2x4x50x256xf32, #tpu.memory_space<vmem>>, vector<16xf32>,
      %swap3A_190 = arith.constant 0 : i32
      %swap3A_191 = arith.constant 1 : i32
      %swap3A_192 = arith.index_cast %swap3A_190 : i32 to index
      %swap3A_193 = arith.index_cast %swap3A_191 : i32 to index
      %swap3A_194 = arith.index_cast %scan3A_105 : i32 to index
      %swap3A_195 = arith.constant 192 : index
      %swap3A_196 = tpu.vector_load %arg4[%swap3A_192, %swap3A_193, %swap3A_194, %swap3A_195] {strides = array<i32>} : memref<2x4x50x256xf32, #tpu.memory_space<vmem>>, vector<16xf32>,
      tpu.vector_store %arg4[%swap3A_192, %swap3A_193, %swap3A_194, %swap3A_195], %broadcast_in_dim3A_15 {strides = array<i32>} : memref<2x4x50x256xf32, #tpu.memory_space<vmem>>, vector<16xf32>,
      %swap3A_197 = arith.constant 0 : i32
      %swap3A_198 = arith.constant 1 : i32
      %swap3A_199 = arith.index_cast %swap3A_197 : i32 to index
      %swap3A_200 = arith.index_cast %swap3A_198 : i32 to index
      %swap3A_201 = arith.index_cast %scan3A_105 : i32 to index
      %swap3A_202 = arith.constant 208 : index
      %swap3A_203 = tpu.vector_load %arg4[%swap3A_199, %swap3A_200, %swap3A_201, %swap3A_202] {strides = array<i32>} : memref<2x4x50x256xf32, #tpu.memory_space<vmem>>, vector<16xf32>,
      tpu.vector_store %arg4[%swap3A_199, %swap3A_200, %swap3A_201, %swap3A_202], %broadcast_in_dim3A_15 {strides = array<i32>} : memref<2x4x50x256xf32, #tpu.memory_space<vmem>>, vector<16xf32>,
      %swap3A_204 = arith.constant 0 : i32
      %swap3A_205 = arith.constant 1 : i32
      %swap3A_206 = arith.index_cast %swap3A_204 : i32 to index
      %swap3A_207 = arith.index_cast %swap3A_205 : i32 to index
      %swap3A_208 = arith.index_cast %scan3A_105 : i32 to index
      %swap3A_209 = arith.constant 224 : index
      %swap3A_210 = tpu.vector_load %arg4[%swap3A_206, %swap3A_207, %swap3A_208, %swap3A_209] {strides = array<i32>} : memref<2x4x50x256xf32, #tpu.memory_space<vmem>>, vector<16xf32>,
      tpu.vector_store %arg4[%swap3A_206, %swap3A_207, %swap3A_208, %swap3A_209], %broadcast_in_dim3A_15 {strides = array<i32>} : memref<2x4x50x256xf32, #tpu.memory_space<vmem>>, vector<16xf32>,
      %swap3A_211 = arith.constant 0 : i32
      %swap3A_212 = arith.constant 1 : i32
      %swap3A_213 = arith.index_cast %swap3A_211 : i32 to index
      %swap3A_214 = arith.index_cast %swap3A_212 : i32 to index
      %swap3A_215 = arith.index_cast %scan3A_105 : i32 to index
      %swap3A_216 = arith.constant 240 : index
      %swap3A_217 = tpu.vector_load %arg4[%swap3A_213, %swap3A_214, %swap3A_215, %swap3A_216] {strides = array<i32>} : memref<2x4x50x256xf32, #tpu.memory_space<vmem>>, vector<16xf32>,
      tpu.vector_store %arg4[%swap3A_213, %swap3A_214, %swap3A_215, %swap3A_216], %broadcast_in_dim3A_15 {strides = array<i32>} : memref<2x4x50x256xf32, #tpu.memory_space<vmem>>, vector<16xf32>,
    }
    %scan3A_26 = arith.constant 50 : i32
    %scan3A_27 = arith.constant 0 : i32
    %scan3A_28 = arith.constant 50 : i32
    %scan3A_29 = arith.addi %scan3A_27, %scan3A_28 : i32
    %scan3A_30 = arith.constant 1 : i32
    scf.for %scan3A_105 = %scan3A_27 to %scan3A_29 step %scan3A_30  : i32 {
      %swap3A_106 = arith.constant 0 : i32
      %swap3A_107 = arith.constant 2 : i32
      %swap3A_108 = arith.index_cast %swap3A_106 : i32 to index
      %swap3A_109 = arith.index_cast %swap3A_107 : i32 to index
      %swap3A_110 = arith.index_cast %scan3A_105 : i32 to index
      %swap3A_111 = arith.constant 0 : index
      %swap3A_112 = tpu.vector_load %arg4[%swap3A_108, %swap3A_109, %swap3A_110, %swap3A_111] {strides = array<i32>} : memref<2x4x50x256xf32, #tpu.memory_space<vmem>>, vector<16xf32>,
      tpu.vector_store %arg4[%swap3A_108, %swap3A_109, %swap3A_110, %swap3A_111], %broadcast_in_dim3A_15 {strides = array<i32>} : memref<2x4x50x256xf32, #tpu.memory_space<vmem>>, vector<16xf32>,
      %swap3A_113 = arith.constant 0 : i32
      %swap3A_114 = arith.constant 2 : i32
      %swap3A_115 = arith.index_cast %swap3A_113 : i32 to index
      %swap3A_116 = arith.index_cast %swap3A_114 : i32 to index
      %swap3A_117 = arith.index_cast %scan3A_105 : i32 to index
      %swap3A_118 = arith.constant 16 : index
      %swap3A_119 = tpu.vector_load %arg4[%swap3A_115, %swap3A_116, %swap3A_117, %swap3A_118] {strides = array<i32>} : memref<2x4x50x256xf32, #tpu.memory_space<vmem>>, vector<16xf32>,
      tpu.vector_store %arg4[%swap3A_115, %swap3A_116, %swap3A_117, %swap3A_118], %broadcast_in_dim3A_15 {strides = array<i32>} : memref<2x4x50x256xf32, #tpu.memory_space<vmem>>, vector<16xf32>,
      %swap3A_120 = arith.constant 0 : i32
      %swap3A_121 = arith.constant 2 : i32
      %swap3A_122 = arith.index_cast %swap3A_120 : i32 to index
      %swap3A_123 = arith.index_cast %swap3A_121 : i32 to index
      %swap3A_124 = arith.index_cast %scan3A_105 : i32 to index
      %swap3A_125 = arith.constant 32 : index
      %swap3A_126 = tpu.vector_load %arg4[%swap3A_122, %swap3A_123, %swap3A_124, %swap3A_125] {strides = array<i32>} : memref<2x4x50x256xf32, #tpu.memory_space<vmem>>, vector<16xf32>,
      tpu.vector_store %arg4[%swap3A_122, %swap3A_123, %swap3A_124, %swap3A_125], %broadcast_in_dim3A_15 {strides = array<i32>} : memref<2x4x50x256xf32, #tpu.memory_space<vmem>>, vector<16xf32>,
      %swap3A_127 = arith.constant 0 : i32
      %swap3A_128 = arith.constant 2 : i32
      %swap3A_129 = arith.index_cast %swap3A_127 : i32 to index
      %swap3A_130 = arith.index_cast %swap3A_128 : i32 to index
      %swap3A_131 = arith.index_cast %scan3A_105 : i32 to index
      %swap3A_132 = arith.constant 48 : index
      %swap3A_133 = tpu.vector_load %arg4[%swap3A_129, %swap3A_130, %swap3A_131, %swap3A_132] {strides = array<i32>} : memref<2x4x50x256xf32, #tpu.memory_space<vmem>>, vector<16xf32>,
      tpu.vector_store %arg4[%swap3A_129, %swap3A_130, %swap3A_131, %swap3A_132], %broadcast_in_dim3A_15 {strides = array<i32>} : memref<2x4x50x256xf32, #tpu.memory_space<vmem>>, vector<16xf32>,
      %swap3A_134 = arith.constant 0 : i32
      %swap3A_135 = arith.constant 2 : i32
      %swap3A_136 = arith.index_cast %swap3A_134 : i32 to index
      %swap3A_137 = arith.index_cast %swap3A_135 : i32 to index
      %swap3A_138 = arith.index_cast %scan3A_105 : i32 to index
      %swap3A_139 = arith.constant 64 : index
      %swap3A_140 = tpu.vector_load %arg4[%swap3A_136, %swap3A_137, %swap3A_138, %swap3A_139] {strides = array<i32>} : memref<2x4x50x256xf32, #tpu.memory_space<vmem>>, vector<16xf32>,
      tpu.vector_store %arg4[%swap3A_136, %swap3A_137, %swap3A_138, %swap3A_139], %broadcast_in_dim3A_15 {strides = array<i32>} : memref<2x4x50x256xf32, #tpu.memory_space<vmem>>, vector<16xf32>,
      %swap3A_141 = arith.constant 0 : i32
      %swap3A_142 = arith.constant 2 : i32
      %swap3A_143 = arith.index_cast %swap3A_141 : i32 to index
      %swap3A_144 = arith.index_cast %swap3A_142 : i32 to index
      %swap3A_145 = arith.index_cast %scan3A_105 : i32 to index
      %swap3A_146 = arith.constant 80 : index
      %swap3A_147 = tpu.vector_load %arg4[%swap3A_143, %swap3A_144, %swap3A_145, %swap3A_146] {strides = array<i32>} : memref<2x4x50x256xf32, #tpu.memory_space<vmem>>, vector<16xf32>,
      tpu.vector_store %arg4[%swap3A_143, %swap3A_144, %swap3A_145, %swap3A_146], %broadcast_in_dim3A_15 {strides = array<i32>} : memref<2x4x50x256xf32, #tpu.memory_space<vmem>>, vector<16xf32>,
      %swap3A_148 = arith.constant 0 : i32
      %swap3A_149 = arith.constant 2 : i32
      %swap3A_150 = arith.index_cast %swap3A_148 : i32 to index
      %swap3A_151 = arith.index_cast %swap3A_149 : i32 to index
      %swap3A_152 = arith.index_cast %scan3A_105 : i32 to index
      %swap3A_153 = arith.constant 96 : index
      %swap3A_154 = tpu.vector_load %arg4[%swap3A_150, %swap3A_151, %swap3A_152, %swap3A_153] {strides = array<i32>} : memref<2x4x50x256xf32, #tpu.memory_space<vmem>>, vector<16xf32>,
      tpu.vector_store %arg4[%swap3A_150, %swap3A_151, %swap3A_152, %swap3A_153], %broadcast_in_dim3A_15 {strides = array<i32>} : memref<2x4x50x256xf32, #tpu.memory_space<vmem>>, vector<16xf32>,
      %swap3A_155 = arith.constant 0 : i32
      %swap3A_156 = arith.constant 2 : i32
      %swap3A_157 = arith.index_cast %swap3A_155 : i32 to index
      %swap3A_158 = arith.index_cast %swap3A_156 : i32 to index
      %swap3A_159 = arith.index_cast %scan3A_105 : i32 to index
      %swap3A_160 = arith.constant 112 : index
      %swap3A_161 = tpu.vector_load %arg4[%swap3A_157, %swap3A_158, %swap3A_159, %swap3A_160] {strides = array<i32>} : memref<2x4x50x256xf32, #tpu.memory_space<vmem>>, vector<16xf32>,
      tpu.vector_store %arg4[%swap3A_157, %swap3A_158, %swap3A_159, %swap3A_160], %broadcast_in_dim3A_15 {strides = array<i32>} : memref<2x4x50x256xf32, #tpu.memory_space<vmem>>, vector<16xf32>,
      %swap3A_162 = arith.constant 0 : i32
      %swap3A_163 = arith.constant 2 : i32
      %swap3A_164 = arith.index_cast %swap3A_162 : i32 to index
      %swap3A_165 = arith.index_cast %swap3A_163 : i32 to index
      %swap3A_166 = arith.index_cast %scan3A_105 : i32 to index
      %swap3A_167 = arith.constant 128 : index
      %swap3A_168 = tpu.vector_load %arg4[%swap3A_164, %swap3A_165, %swap3A_166, %swap3A_167] {strides = array<i32>} : memref<2x4x50x256xf32, #tpu.memory_space<vmem>>, vector<16xf32>,
      tpu.vector_store %arg4[%swap3A_164, %swap3A_165, %swap3A_166, %swap3A_167], %broadcast_in_dim3A_15 {strides = array<i32>} : memref<2x4x50x256xf32, #tpu.memory_space<vmem>>, vector<16xf32>,
      %swap3A_169 = arith.constant 0 : i32
      %swap3A_170 = arith.constant 2 : i32
      %swap3A_171 = arith.index_cast %swap3A_169 : i32 to index
      %swap3A_172 = arith.index_cast %swap3A_170 : i32 to index
      %swap3A_173 = arith.index_cast %scan3A_105 : i32 to index
      %swap3A_174 = arith.constant 144 : index
      %swap3A_175 = tpu.vector_load %arg4[%swap3A_171, %swap3A_172, %swap3A_173, %swap3A_174] {strides = array<i32>} : memref<2x4x50x256xf32, #tpu.memory_space<vmem>>, vector<16xf32>,
      tpu.vector_store %arg4[%swap3A_171, %swap3A_172, %swap3A_173, %swap3A_174], %broadcast_in_dim3A_15 {strides = array<i32>} : memref<2x4x50x256xf32, #tpu.memory_space<vmem>>, vector<16xf32>,
      %swap3A_176 = arith.constant 0 : i32
      %swap3A_177 = arith.constant 2 : i32
      %swap3A_178 = arith.index_cast %swap3A_176 : i32 to index
      %swap3A_179 = arith.index_cast %swap3A_177 : i32 to index
      %swap3A_180 = arith.index_cast %scan3A_105 : i32 to index
      %swap3A_181 = arith.constant 160 : index
      %swap3A_182 = tpu.vector_load %arg4[%swap3A_178, %swap3A_179, %swap3A_180, %swap3A_181] {strides = array<i32>} : memref<2x4x50x256xf32, #tpu.memory_space<vmem>>, vector<16xf32>,
      tpu.vector_store %arg4[%swap3A_178, %swap3A_179, %swap3A_180, %swap3A_181], %broadcast_in_dim3A_15 {strides = array<i32>} : memref<2x4x50x256xf32, #tpu.memory_space<vmem>>, vector<16xf32>,
      %swap3A_183 = arith.constant 0 : i32
      %swap3A_184 = arith.constant 2 : i32
      %swap3A_185 = arith.index_cast %swap3A_183 : i32 to index
      %swap3A_186 = arith.index_cast %swap3A_184 : i32 to index
      %swap3A_187 = arith.index_cast %scan3A_105 : i32 to index
      %swap3A_188 = arith.constant 176 : index
      %swap3A_189 = tpu.vector_load %arg4[%swap3A_185, %swap3A_186, %swap3A_187, %swap3A_188] {strides = array<i32>} : memref<2x4x50x256xf32, #tpu.memory_space<vmem>>, vector<16xf32>,
      tpu.vector_store %arg4[%swap3A_185, %swap3A_186, %swap3A_187, %swap3A_188], %broadcast_in_dim3A_15 {strides = array<i32>} : memref<2x4x50x256xf32, #tpu.memory_space<vmem>>, vector<16xf32>,
      %swap3A_190 = arith.constant 0 : i32
      %swap3A_191 = arith.constant 2 : i32
      %swap3A_192 = arith.index_cast %swap3A_190 : i32 to index
      %swap3A_193 = arith.index_cast %swap3A_191 : i32 to index
      %swap3A_194 = arith.index_cast %scan3A_105 : i32 to index
      %swap3A_195 = arith.constant 192 : index
      %swap3A_196 = tpu.vector_load %arg4[%swap3A_192, %swap3A_193, %swap3A_194, %swap3A_195] {strides = array<i32>} : memref<2x4x50x256xf32, #tpu.memory_space<vmem>>, vector<16xf32>,
      tpu.vector_store %arg4[%swap3A_192, %swap3A_193, %swap3A_194, %swap3A_195], %broadcast_in_dim3A_15 {strides = array<i32>} : memref<2x4x50x256xf32, #tpu.memory_space<vmem>>, vector<16xf32>,
      %swap3A_197 = arith.constant 0 : i32
      %swap3A_198 = arith.constant 2 : i32
      %swap3A_199 = arith.index_cast %swap3A_197 : i32 to index
      %swap3A_200 = arith.index_cast %swap3A_198 : i32 to index
      %swap3A_201 = arith.index_cast %scan3A_105 : i32 to index
      %swap3A_202 = arith.constant 208 : index
      %swap3A_203 = tpu.vector_load %arg4[%swap3A_199, %swap3A_200, %swap3A_201, %swap3A_202] {strides = array<i32>} : memref<2x4x50x256xf32, #tpu.memory_space<vmem>>, vector<16xf32>,
      tpu.vector_store %arg4[%swap3A_199, %swap3A_200, %swap3A_201, %swap3A_202], %broadcast_in_dim3A_15 {strides = array<i32>} : memref<2x4x50x256xf32, #tpu.memory_space<vmem>>, vector<16xf32>,
      %swap3A_204 = arith.constant 0 : i32
      %swap3A_205 = arith.constant 2 : i32
      %swap3A_206 = arith.index_cast %swap3A_204 : i32 to index
      %swap3A_207 = arith.index_cast %swap3A_205 : i32 to index
      %swap3A_208 = arith.index_cast %scan3A_105 : i32 to index
      %swap3A_209 = arith.constant 224 : index
      %swap3A_210 = tpu.vector_load %arg4[%swap3A_206, %swap3A_207, %swap3A_208, %swap3A_209] {strides = array<i32>} : memref<2x4x50x256xf32, #tpu.memory_space<vmem>>, vector<16xf32>,
      tpu.vector_store %arg4[%swap3A_206, %swap3A_207, %swap3A_208, %swap3A_209], %broadcast_in_dim3A_15 {strides = array<i32>} : memref<2x4x50x256xf32, #tpu.memory_space<vmem>>, vector<16xf32>,
      %swap3A_211 = arith.constant 0 : i32
      %swap3A_212 = arith.constant 2 : i32
      %swap3A_213 = arith.index_cast %swap3A_211 : i32 to index
      %swap3A_214 = arith.index_cast %swap3A_212 : i32 to index
      %swap3A_215 = arith.index_cast %scan3A_105 : i32 to index
      %swap3A_216 = arith.constant 240 : index
      %swap3A_217 = tpu.vector_load %arg4[%swap3A_213, %swap3A_214, %swap3A_215, %swap3A_216] {strides = array<i32>} : memref<2x4x50x256xf32, #tpu.memory_space<vmem>>, vector<16xf32>,
      tpu.vector_store %arg4[%swap3A_213, %swap3A_214, %swap3A_215, %swap3A_216], %broadcast_in_dim3A_15 {strides = array<i32>} : memref<2x4x50x256xf32, #tpu.memory_space<vmem>>, vector<16xf32>,
    }
    %scan3A_31 = arith.constant 50 : i32
    %scan3A_32 = arith.constant 0 : i32
    %scan3A_33 = arith.constant 50 : i32
    %scan3A_34 = arith.addi %scan3A_32, %scan3A_33 : i32
    %scan3A_35 = arith.constant 1 : i32
    scf.for %scan3A_105 = %scan3A_32 to %scan3A_34 step %scan3A_35  : i32 {
      %swap3A_106 = arith.constant 0 : i32
      %swap3A_107 = arith.constant 3 : i32
      %swap3A_108 = arith.index_cast %swap3A_106 : i32 to index
      %swap3A_109 = arith.index_cast %swap3A_107 : i32 to index
      %swap3A_110 = arith.index_cast %scan3A_105 : i32 to index
      %swap3A_111 = arith.constant 0 : index
      %swap3A_112 = tpu.vector_load %arg4[%swap3A_108, %swap3A_109, %swap3A_110, %swap3A_111] {strides = array<i32>} : memref<2x4x50x256xf32, #tpu.memory_space<vmem>>, vector<16xf32>,
      tpu.vector_store %arg4[%swap3A_108, %swap3A_109, %swap3A_110, %swap3A_111], %broadcast_in_dim3A_15 {strides = array<i32>} : memref<2x4x50x256xf32, #tpu.memory_space<vmem>>, vector<16xf32>,
      %swap3A_113 = arith.constant 0 : i32
      %swap3A_114 = arith.constant 3 : i32
      %swap3A_115 = arith.index_cast %swap3A_113 : i32 to index
      %swap3A_116 = arith.index_cast %swap3A_114 : i32 to index
      %swap3A_117 = arith.index_cast %scan3A_105 : i32 to index
      %swap3A_118 = arith.constant 16 : index
      %swap3A_119 = tpu.vector_load %arg4[%swap3A_115, %swap3A_116, %swap3A_117, %swap3A_118] {strides = array<i32>} : memref<2x4x50x256xf32, #tpu.memory_space<vmem>>, vector<16xf32>,
      tpu.vector_store %arg4[%swap3A_115, %swap3A_116, %swap3A_117, %swap3A_118], %broadcast_in_dim3A_15 {strides = array<i32>} : memref<2x4x50x256xf32, #tpu.memory_space<vmem>>, vector<16xf32>,
      %swap3A_120 = arith.constant 0 : i32
      %swap3A_121 = arith.constant 3 : i32
      %swap3A_122 = arith.index_cast %swap3A_120 : i32 to index
      %swap3A_123 = arith.index_cast %swap3A_121 : i32 to index
      %swap3A_124 = arith.index_cast %scan3A_105 : i32 to index
      %swap3A_125 = arith.constant 32 : index
      %swap3A_126 = tpu.vector_load %arg4[%swap3A_122, %swap3A_123, %swap3A_124, %swap3A_125] {strides = array<i32>} : memref<2x4x50x256xf32, #tpu.memory_space<vmem>>, vector<16xf32>,
      tpu.vector_store %arg4[%swap3A_122, %swap3A_123, %swap3A_124, %swap3A_125], %broadcast_in_dim3A_15 {strides = array<i32>} : memref<2x4x50x256xf32, #tpu.memory_space<vmem>>, vector<16xf32>,
      %swap3A_127 = arith.constant 0 : i32
      %swap3A_128 = arith.constant 3 : i32
      %swap3A_129 = arith.index_cast %swap3A_127 : i32 to index
      %swap3A_130 = arith.index_cast %swap3A_128 : i32 to index
      %swap3A_131 = arith.index_cast %scan3A_105 : i32 to index
      %swap3A_132 = arith.constant 48 : index
      %swap3A_133 = tpu.vector_load %arg4[%swap3A_129, %swap3A_130, %swap3A_131, %swap3A_132] {strides = array<i32>} : memref<2x4x50x256xf32, #tpu.memory_space<vmem>>, vector<16xf32>,
      tpu.vector_store %arg4[%swap3A_129, %swap3A_130, %swap3A_131, %swap3A_132], %broadcast_in_dim3A_15 {strides = array<i32>} : memref<2x4x50x256xf32, #tpu.memory_space<vmem>>, vector<16xf32>,
      %swap3A_134 = arith.constant 0 : i32
      %swap3A_135 = arith.constant 3 : i32
      %swap3A_136 = arith.index_cast %swap3A_134 : i32 to index
      %swap3A_137 = arith.index_cast %swap3A_135 : i32 to index
      %swap3A_138 = arith.index_cast %scan3A_105 : i32 to index
      %swap3A_139 = arith.constant 64 : index
      %swap3A_140 = tpu.vector_load %arg4[%swap3A_136, %swap3A_137, %swap3A_138, %swap3A_139] {strides = array<i32>} : memref<2x4x50x256xf32, #tpu.memory_space<vmem>>, vector<16xf32>,
      tpu.vector_store %arg4[%swap3A_136, %swap3A_137, %swap3A_138, %swap3A_139], %broadcast_in_dim3A_15 {strides = array<i32>} : memref<2x4x50x256xf32, #tpu.memory_space<vmem>>, vector<16xf32>,
      %swap3A_141 = arith.constant 0 : i32
      %swap3A_142 = arith.constant 3 : i32
      %swap3A_143 = arith.index_cast %swap3A_141 : i32 to index
      %swap3A_144 = arith.index_cast %swap3A_142 : i32 to index
      %swap3A_145 = arith.index_cast %scan3A_105 : i32 to index
      %swap3A_146 = arith.constant 80 : index
      %swap3A_147 = tpu.vector_load %arg4[%swap3A_143, %swap3A_144, %swap3A_145, %swap3A_146] {strides = array<i32>} : memref<2x4x50x256xf32, #tpu.memory_space<vmem>>, vector<16xf32>,
      tpu.vector_store %arg4[%swap3A_143, %swap3A_144, %swap3A_145, %swap3A_146], %broadcast_in_dim3A_15 {strides = array<i32>} : memref<2x4x50x256xf32, #tpu.memory_space<vmem>>, vector<16xf32>,
      %swap3A_148 = arith.constant 0 : i32
      %swap3A_149 = arith.constant 3 : i32
      %swap3A_150 = arith.index_cast %swap3A_148 : i32 to index
      %swap3A_151 = arith.index_cast %swap3A_149 : i32 to index
      %swap3A_152 = arith.index_cast %scan3A_105 : i32 to index
      %swap3A_153 = arith.constant 96 : index
      %swap3A_154 = tpu.vector_load %arg4[%swap3A_150, %swap3A_151, %swap3A_152, %swap3A_153] {strides = array<i32>} : memref<2x4x50x256xf32, #tpu.memory_space<vmem>>, vector<16xf32>,
      tpu.vector_store %arg4[%swap3A_150, %swap3A_151, %swap3A_152, %swap3A_153], %broadcast_in_dim3A_15 {strides = array<i32>} : memref<2x4x50x256xf32, #tpu.memory_space<vmem>>, vector<16xf32>,
      %swap3A_155 = arith.constant 0 : i32
      %swap3A_156 = arith.constant 3 : i32
      %swap3A_157 = arith.index_cast %swap3A_155 : i32 to index
      %swap3A_158 = arith.index_cast %swap3A_156 : i32 to index
      %swap3A_159 = arith.index_cast %scan3A_105 : i32 to index
      %swap3A_160 = arith.constant 112 : index
      %swap3A_161 = tpu.vector_load %arg4[%swap3A_157, %swap3A_158, %swap3A_159, %swap3A_160] {strides = array<i32>} : memref<2x4x50x256xf32, #tpu.memory_space<vmem>>, vector<16xf32>,
      tpu.vector_store %arg4[%swap3A_157, %swap3A_158, %swap3A_159, %swap3A_160], %broadcast_in_dim3A_15 {strides = array<i32>} : memref<2x4x50x256xf32, #tpu.memory_space<vmem>>, vector<16xf32>,
      %swap3A_162 = arith.constant 0 : i32
      %swap3A_163 = arith.constant 3 : i32
      %swap3A_164 = arith.index_cast %swap3A_162 : i32 to index
      %swap3A_165 = arith.index_cast %swap3A_163 : i32 to index
      %swap3A_166 = arith.index_cast %scan3A_105 : i32 to index
      %swap3A_167 = arith.constant 128 : index
      %swap3A_168 = tpu.vector_load %arg4[%swap3A_164, %swap3A_165, %swap3A_166, %swap3A_167] {strides = array<i32>} : memref<2x4x50x256xf32, #tpu.memory_space<vmem>>, vector<16xf32>,
      tpu.vector_store %arg4[%swap3A_164, %swap3A_165, %swap3A_166, %swap3A_167], %broadcast_in_dim3A_15 {strides = array<i32>} : memref<2x4x50x256xf32, #tpu.memory_space<vmem>>, vector<16xf32>,
      %swap3A_169 = arith.constant 0 : i32
      %swap3A_170 = arith.constant 3 : i32
      %swap3A_171 = arith.index_cast %swap3A_169 : i32 to index
      %swap3A_172 = arith.index_cast %swap3A_170 : i32 to index
      %swap3A_173 = arith.index_cast %scan3A_105 : i32 to index
      %swap3A_174 = arith.constant 144 : index
      %swap3A_175 = tpu.vector_load %arg4[%swap3A_171, %swap3A_172, %swap3A_173, %swap3A_174] {strides = array<i32>} : memref<2x4x50x256xf32, #tpu.memory_space<vmem>>, vector<16xf32>,
      tpu.vector_store %arg4[%swap3A_171, %swap3A_172, %swap3A_173, %swap3A_174], %broadcast_in_dim3A_15 {strides = array<i32>} : memref<2x4x50x256xf32, #tpu.memory_space<vmem>>, vector<16xf32>,
      %swap3A_176 = arith.constant 0 : i32
      %swap3A_177 = arith.constant 3 : i32
      %swap3A_178 = arith.index_cast %swap3A_176 : i32 to index
      %swap3A_179 = arith.index_cast %swap3A_177 : i32 to index
      %swap3A_180 = arith.index_cast %scan3A_105 : i32 to index
      %swap3A_181 = arith.constant 160 : index
      %swap3A_182 = tpu.vector_load %arg4[%swap3A_178, %swap3A_179, %swap3A_180, %swap3A_181] {strides = array<i32>} : memref<2x4x50x256xf32, #tpu.memory_space<vmem>>, vector<16xf32>,
      tpu.vector_store %arg4[%swap3A_178, %swap3A_179, %swap3A_180, %swap3A_181], %broadcast_in_dim3A_15 {strides = array<i32>} : memref<2x4x50x256xf32, #tpu.memory_space<vmem>>, vector<16xf32>,
      %swap3A_183 = arith.constant 0 : i32
      %swap3A_184 = arith.constant 3 : i32
      %swap3A_185 = arith.index_cast %swap3A_183 : i32 to index
      %swap3A_186 = arith.index_cast %swap3A_184 : i32 to index
      %swap3A_187 = arith.index_cast %scan3A_105 : i32 to index
      %swap3A_188 = arith.constant 176 : index
      %swap3A_189 = tpu.vector_load %arg4[%swap3A_185, %swap3A_186, %swap3A_187, %swap3A_188] {strides = array<i32>} : memref<2x4x50x256xf32, #tpu.memory_space<vmem>>, vector<16xf32>,
      tpu.vector_store %arg4[%swap3A_185, %swap3A_186, %swap3A_187, %swap3A_188], %broadcast_in_dim3A_15 {strides = array<i32>} : memref<2x4x50x256xf32, #tpu.memory_space<vmem>>, vector<16xf32>,
      %swap3A_190 = arith.constant 0 : i32
      %swap3A_191 = arith.constant 3 : i32
      %swap3A_192 = arith.index_cast %swap3A_190 : i32 to index
      %swap3A_193 = arith.index_cast %swap3A_191 : i32 to index
      %swap3A_194 = arith.index_cast %scan3A_105 : i32 to index
      %swap3A_195 = arith.constant 192 : index
      %swap3A_196 = tpu.vector_load %arg4[%swap3A_192, %swap3A_193, %swap3A_194, %swap3A_195] {strides = array<i32>} : memref<2x4x50x256xf32, #tpu.memory_space<vmem>>, vector<16xf32>,
      tpu.vector_store %arg4[%swap3A_192, %swap3A_193, %swap3A_194, %swap3A_195], %broadcast_in_dim3A_15 {strides = array<i32>} : memref<2x4x50x256xf32, #tpu.memory_space<vmem>>, vector<16xf32>,
      %swap3A_197 = arith.constant 0 : i32
      %swap3A_198 = arith.constant 3 : i32
      %swap3A_199 = arith.index_cast %swap3A_197 : i32 to index
      %swap3A_200 = arith.index_cast %swap3A_198 : i32 to index
      %swap3A_201 = arith.index_cast %scan3A_105 : i32 to index
      %swap3A_202 = arith.constant 208 : index
      %swap3A_203 = tpu.vector_load %arg4[%swap3A_199, %swap3A_200, %swap3A_201, %swap3A_202] {strides = array<i32>} : memref<2x4x50x256xf32, #tpu.memory_space<vmem>>, vector<16xf32>,
      tpu.vector_store %arg4[%swap3A_199, %swap3A_200, %swap3A_201, %swap3A_202], %broadcast_in_dim3A_15 {strides = array<i32>} : memref<2x4x50x256xf32, #tpu.memory_space<vmem>>, vector<16xf32>,
      %swap3A_204 = arith.constant 0 : i32
      %swap3A_205 = arith.constant 3 : i32
      %swap3A_206 = arith.index_cast %swap3A_204 : i32 to index
      %swap3A_207 = arith.index_cast %swap3A_205 : i32 to index
      %swap3A_208 = arith.index_cast %scan3A_105 : i32 to index
      %swap3A_209 = arith.constant 224 : index
      %swap3A_210 = tpu.vector_load %arg4[%swap3A_206, %swap3A_207, %swap3A_208, %swap3A_209] {strides = array<i32>} : memref<2x4x50x256xf32, #tpu.memory_space<vmem>>, vector<16xf32>,
      tpu.vector_store %arg4[%swap3A_206, %swap3A_207, %swap3A_208, %swap3A_209], %broadcast_in_dim3A_15 {strides = array<i32>} : memref<2x4x50x256xf32, #tpu.memory_space<vmem>>, vector<16xf32>,
      %swap3A_211 = arith.constant 0 : i32
      %swap3A_212 = arith.constant 3 : i32
      %swap3A_213 = arith.index_cast %swap3A_211 : i32 to index
      %swap3A_214 = arith.index_cast %swap3A_212 : i32 to index
      %swap3A_215 = arith.index_cast %scan3A_105 : i32 to index
      %swap3A_216 = arith.constant 240 : index
      %swap3A_217 = tpu.vector_load %arg4[%swap3A_213, %swap3A_214, %swap3A_215, %swap3A_216] {strides = array<i32>} : memref<2x4x50x256xf32, #tpu.memory_space<vmem>>, vector<16xf32>,
      tpu.vector_store %arg4[%swap3A_213, %swap3A_214, %swap3A_215, %swap3A_216], %broadcast_in_dim3A_15 {strides = array<i32>} : memref<2x4x50x256xf32, #tpu.memory_space<vmem>>, vector<16xf32>,
    }
    %scan3A_36 = arith.constant 50 : i32
    %scan3A_37 = arith.constant 0 : i32
    %scan3A_38 = arith.constant 50 : i32
    %scan3A_39 = arith.addi %scan3A_37, %scan3A_38 : i32
    %scan3A_40 = arith.constant 1 : i32
    scf.for %scan3A_105 = %scan3A_37 to %scan3A_39 step %scan3A_40  : i32 {
      %swap3A_106 = arith.constant 1 : i32
      %swap3A_107 = arith.constant 0 : i32
      %swap3A_108 = arith.index_cast %swap3A_106 : i32 to index
      %swap3A_109 = arith.index_cast %swap3A_107 : i32 to index
      %swap3A_110 = arith.index_cast %scan3A_105 : i32 to index
      %swap3A_111 = arith.constant 0 : index
      %swap3A_112 = tpu.vector_load %arg4[%swap3A_108, %swap3A_109, %swap3A_110, %swap3A_111] {strides = array<i32>} : memref<2x4x50x256xf32, #tpu.memory_space<vmem>>, vector<16xf32>,
      tpu.vector_store %arg4[%swap3A_108, %swap3A_109, %swap3A_110, %swap3A_111], %broadcast_in_dim3A_15 {strides = array<i32>} : memref<2x4x50x256xf32, #tpu.memory_space<vmem>>, vector<16xf32>,
      %swap3A_113 = arith.constant 1 : i32
      %swap3A_114 = arith.constant 0 : i32
      %swap3A_115 = arith.index_cast %swap3A_113 : i32 to index
      %swap3A_116 = arith.index_cast %swap3A_114 : i32 to index
      %swap3A_117 = arith.index_cast %scan3A_105 : i32 to index
      %swap3A_118 = arith.constant 16 : index
      %swap3A_119 = tpu.vector_load %arg4[%swap3A_115, %swap3A_116, %swap3A_117, %swap3A_118] {strides = array<i32>} : memref<2x4x50x256xf32, #tpu.memory_space<vmem>>, vector<16xf32>,
      tpu.vector_store %arg4[%swap3A_115, %swap3A_116, %swap3A_117, %swap3A_118], %broadcast_in_dim3A_15 {strides = array<i32>} : memref<2x4x50x256xf32, #tpu.memory_space<vmem>>, vector<16xf32>,
      %swap3A_120 = arith.constant 1 : i32
      %swap3A_121 = arith.constant 0 : i32
      %swap3A_122 = arith.index_cast %swap3A_120 : i32 to index
      %swap3A_123 = arith.index_cast %swap3A_121 : i32 to index
      %swap3A_124 = arith.index_cast %scan3A_105 : i32 to index
      %swap3A_125 = arith.constant 32 : index
      %swap3A_126 = tpu.vector_load %arg4[%swap3A_122, %swap3A_123, %swap3A_124, %swap3A_125] {strides = array<i32>} : memref<2x4x50x256xf32, #tpu.memory_space<vmem>>, vector<16xf32>,
      tpu.vector_store %arg4[%swap3A_122, %swap3A_123, %swap3A_124, %swap3A_125], %broadcast_in_dim3A_15 {strides = array<i32>} : memref<2x4x50x256xf32, #tpu.memory_space<vmem>>, vector<16xf32>,
      %swap3A_127 = arith.constant 1 : i32
      %swap3A_128 = arith.constant 0 : i32
      %swap3A_129 = arith.index_cast %swap3A_127 : i32 to index
      %swap3A_130 = arith.index_cast %swap3A_128 : i32 to index
      %swap3A_131 = arith.index_cast %scan3A_105 : i32 to index
      %swap3A_132 = arith.constant 48 : index
      %swap3A_133 = tpu.vector_load %arg4[%swap3A_129, %swap3A_130, %swap3A_131, %swap3A_132] {strides = array<i32>} : memref<2x4x50x256xf32, #tpu.memory_space<vmem>>, vector<16xf32>,
      tpu.vector_store %arg4[%swap3A_129, %swap3A_130, %swap3A_131, %swap3A_132], %broadcast_in_dim3A_15 {strides = array<i32>} : memref<2x4x50x256xf32, #tpu.memory_space<vmem>>, vector<16xf32>,
      %swap3A_134 = arith.constant 1 : i32
      %swap3A_135 = arith.constant 0 : i32
      %swap3A_136 = arith.index_cast %swap3A_134 : i32 to index
      %swap3A_137 = arith.index_cast %swap3A_135 : i32 to index
      %swap3A_138 = arith.index_cast %scan3A_105 : i32 to index
      %swap3A_139 = arith.constant 64 : index
      %swap3A_140 = tpu.vector_load %arg4[%swap3A_136, %swap3A_137, %swap3A_138, %swap3A_139] {strides = array<i32>} : memref<2x4x50x256xf32, #tpu.memory_space<vmem>>, vector<16xf32>,
      tpu.vector_store %arg4[%swap3A_136, %swap3A_137, %swap3A_138, %swap3A_139], %broadcast_in_dim3A_15 {strides = array<i32>} : memref<2x4x50x256xf32, #tpu.memory_space<vmem>>, vector<16xf32>,
      %swap3A_141 = arith.constant 1 : i32
      %swap3A_142 = arith.constant 0 : i32
      %swap3A_143 = arith.index_cast %swap3A_141 : i32 to index
      %swap3A_144 = arith.index_cast %swap3A_142 : i32 to index
      %swap3A_145 = arith.index_cast %scan3A_105 : i32 to index
      %swap3A_146 = arith.constant 80 : index
      %swap3A_147 = tpu.vector_load %arg4[%swap3A_143, %swap3A_144, %swap3A_145, %swap3A_146] {strides = array<i32>} : memref<2x4x50x256xf32, #tpu.memory_space<vmem>>, vector<16xf32>,
      tpu.vector_store %arg4[%swap3A_143, %swap3A_144, %swap3A_145, %swap3A_146], %broadcast_in_dim3A_15 {strides = array<i32>} : memref<2x4x50x256xf32, #tpu.memory_space<vmem>>, vector<16xf32>,
      %swap3A_148 = arith.constant 1 : i32
      %swap3A_149 = arith.constant 0 : i32
      %swap3A_150 = arith.index_cast %swap3A_148 : i32 to index
      %swap3A_151 = arith.index_cast %swap3A_149 : i32 to index
      %swap3A_152 = arith.index_cast %scan3A_105 : i32 to index
      %swap3A_153 = arith.constant 96 : index
      %swap3A_154 = tpu.vector_load %arg4[%swap3A_150, %swap3A_151, %swap3A_152, %swap3A_153] {strides = array<i32>} : memref<2x4x50x256xf32, #tpu.memory_space<vmem>>, vector<16xf32>,
      tpu.vector_store %arg4[%swap3A_150, %swap3A_151, %swap3A_152, %swap3A_153], %broadcast_in_dim3A_15 {strides = array<i32>} : memref<2x4x50x256xf32, #tpu.memory_space<vmem>>, vector<16xf32>,
      %swap3A_155 = arith.constant 1 : i32
      %swap3A_156 = arith.constant 0 : i32
      %swap3A_157 = arith.index_cast %swap3A_155 : i32 to index
      %swap3A_158 = arith.index_cast %swap3A_156 : i32 to index
      %swap3A_159 = arith.index_cast %scan3A_105 : i32 to index
      %swap3A_160 = arith.constant 112 : index
      %swap3A_161 = tpu.vector_load %arg4[%swap3A_157, %swap3A_158, %swap3A_159, %swap3A_160] {strides = array<i32>} : memref<2x4x50x256xf32, #tpu.memory_space<vmem>>, vector<16xf32>,
      tpu.vector_store %arg4[%swap3A_157, %swap3A_158, %swap3A_159, %swap3A_160], %broadcast_in_dim3A_15 {strides = array<i32>} : memref<2x4x50x256xf32, #tpu.memory_space<vmem>>, vector<16xf32>,
      %swap3A_162 = arith.constant 1 : i32
      %swap3A_163 = arith.constant 0 : i32
      %swap3A_164 = arith.index_cast %swap3A_162 : i32 to index
      %swap3A_165 = arith.index_cast %swap3A_163 : i32 to index
      %swap3A_166 = arith.index_cast %scan3A_105 : i32 to index
      %swap3A_167 = arith.constant 128 : index
      %swap3A_168 = tpu.vector_load %arg4[%swap3A_164, %swap3A_165, %swap3A_166, %swap3A_167] {strides = array<i32>} : memref<2x4x50x256xf32, #tpu.memory_space<vmem>>, vector<16xf32>,
      tpu.vector_store %arg4[%swap3A_164, %swap3A_165, %swap3A_166, %swap3A_167], %broadcast_in_dim3A_15 {strides = array<i32>} : memref<2x4x50x256xf32, #tpu.memory_space<vmem>>, vector<16xf32>,
      %swap3A_169 = arith.constant 1 : i32
      %swap3A_170 = arith.constant 0 : i32
      %swap3A_171 = arith.index_cast %swap3A_169 : i32 to index
      %swap3A_172 = arith.index_cast %swap3A_170 : i32 to index
      %swap3A_173 = arith.index_cast %scan3A_105 : i32 to index
      %swap3A_174 = arith.constant 144 : index
      %swap3A_175 = tpu.vector_load %arg4[%swap3A_171, %swap3A_172, %swap3A_173, %swap3A_174] {strides = array<i32>} : memref<2x4x50x256xf32, #tpu.memory_space<vmem>>, vector<16xf32>,
      tpu.vector_store %arg4[%swap3A_171, %swap3A_172, %swap3A_173, %swap3A_174], %broadcast_in_dim3A_15 {strides = array<i32>} : memref<2x4x50x256xf32, #tpu.memory_space<vmem>>, vector<16xf32>,
      %swap3A_176 = arith.constant 1 : i32
      %swap3A_177 = arith.constant 0 : i32
      %swap3A_178 = arith.index_cast %swap3A_176 : i32 to index
      %swap3A_179 = arith.index_cast %swap3A_177 : i32 to index
      %swap3A_180 = arith.index_cast %scan3A_105 : i32 to index
      %swap3A_181 = arith.constant 160 : index
      %swap3A_182 = tpu.vector_load %arg4[%swap3A_178, %swap3A_179, %swap3A_180, %swap3A_181] {strides = array<i32>} : memref<2x4x50x256xf32, #tpu.memory_space<vmem>>, vector<16xf32>,
      tpu.vector_store %arg4[%swap3A_178, %swap3A_179, %swap3A_180, %swap3A_181], %broadcast_in_dim3A_15 {strides = array<i32>} : memref<2x4x50x256xf32, #tpu.memory_space<vmem>>, vector<16xf32>,
      %swap3A_183 = arith.constant 1 : i32
      %swap3A_184 = arith.constant 0 : i32
      %swap3A_185 = arith.index_cast %swap3A_183 : i32 to index
      %swap3A_186 = arith.index_cast %swap3A_184 : i32 to index
      %swap3A_187 = arith.index_cast %scan3A_105 : i32 to index
      %swap3A_188 = arith.constant 176 : index
      %swap3A_189 = tpu.vector_load %arg4[%swap3A_185, %swap3A_186, %swap3A_187, %swap3A_188] {strides = array<i32>} : memref<2x4x50x256xf32, #tpu.memory_space<vmem>>, vector<16xf32>,
      tpu.vector_store %arg4[%swap3A_185, %swap3A_186, %swap3A_187, %swap3A_188], %broadcast_in_dim3A_15 {strides = array<i32>} : memref<2x4x50x256xf32, #tpu.memory_space<vmem>>, vector<16xf32>,
      %swap3A_190 = arith.constant 1 : i32
      %swap3A_191 = arith.constant 0 : i32
      %swap3A_192 = arith.index_cast %swap3A_190 : i32 to index
      %swap3A_193 = arith.index_cast %swap3A_191 : i32 to index
      %swap3A_194 = arith.index_cast %scan3A_105 : i32 to index
      %swap3A_195 = arith.constant 192 : index
      %swap3A_196 = tpu.vector_load %arg4[%swap3A_192, %swap3A_193, %swap3A_194, %swap3A_195] {strides = array<i32>} : memref<2x4x50x256xf32, #tpu.memory_space<vmem>>, vector<16xf32>,
      tpu.vector_store %arg4[%swap3A_192, %swap3A_193, %swap3A_194, %swap3A_195], %broadcast_in_dim3A_15 {strides = array<i32>} : memref<2x4x50x256xf32, #tpu.memory_space<vmem>>, vector<16xf32>,
      %swap3A_197 = arith.constant 1 : i32
      %swap3A_198 = arith.constant 0 : i32
      %swap3A_199 = arith.index_cast %swap3A_197 : i32 to index
      %swap3A_200 = arith.index_cast %swap3A_198 : i32 to index
      %swap3A_201 = arith.index_cast %scan3A_105 : i32 to index
      %swap3A_202 = arith.constant 208 : index
      %swap3A_203 = tpu.vector_load %arg4[%swap3A_199, %swap3A_200, %swap3A_201, %swap3A_202] {strides = array<i32>} : memref<2x4x50x256xf32, #tpu.memory_space<vmem>>, vector<16xf32>,
      tpu.vector_store %arg4[%swap3A_199, %swap3A_200, %swap3A_201, %swap3A_202], %broadcast_in_dim3A_15 {strides = array<i32>} : memref<2x4x50x256xf32, #tpu.memory_space<vmem>>, vector<16xf32>,
      %swap3A_204 = arith.constant 1 : i32
      %swap3A_205 = arith.constant 0 : i32
      %swap3A_206 = arith.index_cast %swap3A_204 : i32 to index
      %swap3A_207 = arith.index_cast %swap3A_205 : i32 to index
      %swap3A_208 = arith.index_cast %scan3A_105 : i32 to index
      %swap3A_209 = arith.constant 224 : index
      %swap3A_210 = tpu.vector_load %arg4[%swap3A_206, %swap3A_207, %swap3A_208, %swap3A_209] {strides = array<i32>} : memref<2x4x50x256xf32, #tpu.memory_space<vmem>>, vector<16xf32>,
      tpu.vector_store %arg4[%swap3A_206, %swap3A_207, %swap3A_208, %swap3A_209], %broadcast_in_dim3A_15 {strides = array<i32>} : memref<2x4x50x256xf32, #tpu.memory_space<vmem>>, vector<16xf32>,
      %swap3A_211 = arith.constant 1 : i32
      %swap3A_212 = arith.constant 0 : i32
      %swap3A_213 = arith.index_cast %swap3A_211 : i32 to index
      %swap3A_214 = arith.index_cast %swap3A_212 : i32 to index
      %swap3A_215 = arith.index_cast %scan3A_105 : i32 to index
      %swap3A_216 = arith.constant 240 : index
      %swap3A_217 = tpu.vector_load %arg4[%swap3A_213, %swap3A_214, %swap3A_215, %swap3A_216] {strides = array<i32>} : memref<2x4x50x256xf32, #tpu.memory_space<vmem>>, vector<16xf32>,
      tpu.vector_store %arg4[%swap3A_213, %swap3A_214, %swap3A_215, %swap3A_216], %broadcast_in_dim3A_15 {strides = array<i32>} : memref<2x4x50x256xf32, #tpu.memory_space<vmem>>, vector<16xf32>,
    }
    %scan3A_41 = arith.constant 50 : i32
    %scan3A_42 = arith.constant 0 : i32
    %scan3A_43 = arith.constant 50 : i32
    %scan3A_44 = arith.addi %scan3A_42, %scan3A_43 : i32
    %scan3A_45 = arith.constant 1 : i32
    scf.for %scan3A_105 = %scan3A_42 to %scan3A_44 step %scan3A_45  : i32 {
      %swap3A_106 = arith.constant 1 : i32
      %swap3A_107 = arith.constant 1 : i32
      %swap3A_108 = arith.index_cast %swap3A_106 : i32 to index
      %swap3A_109 = arith.index_cast %swap3A_107 : i32 to index
      %swap3A_110 = arith.index_cast %scan3A_105 : i32 to index
      %swap3A_111 = arith.constant 0 : index
      %swap3A_112 = tpu.vector_load %arg4[%swap3A_108, %swap3A_109, %swap3A_110, %swap3A_111] {strides = array<i32>} : memref<2x4x50x256xf32, #tpu.memory_space<vmem>>, vector<16xf32>,
      tpu.vector_store %arg4[%swap3A_108, %swap3A_109, %swap3A_110, %swap3A_111], %broadcast_in_dim3A_15 {strides = array<i32>} : memref<2x4x50x256xf32, #tpu.memory_space<vmem>>, vector<16xf32>,
      %swap3A_113 = arith.constant 1 : i32
      %swap3A_114 = arith.constant 1 : i32
      %swap3A_115 = arith.index_cast %swap3A_113 : i32 to index
      %swap3A_116 = arith.index_cast %swap3A_114 : i32 to index
      %swap3A_117 = arith.index_cast %scan3A_105 : i32 to index
      %swap3A_118 = arith.constant 16 : index
      %swap3A_119 = tpu.vector_load %arg4[%swap3A_115, %swap3A_116, %swap3A_117, %swap3A_118] {strides = array<i32>} : memref<2x4x50x256xf32, #tpu.memory_space<vmem>>, vector<16xf32>,
      tpu.vector_store %arg4[%swap3A_115, %swap3A_116, %swap3A_117, %swap3A_118], %broadcast_in_dim3A_15 {strides = array<i32>} : memref<2x4x50x256xf32, #tpu.memory_space<vmem>>, vector<16xf32>,
      %swap3A_120 = arith.constant 1 : i32
      %swap3A_121 = arith.constant 1 : i32
      %swap3A_122 = arith.index_cast %swap3A_120 : i32 to index
      %swap3A_123 = arith.index_cast %swap3A_121 : i32 to index
      %swap3A_124 = arith.index_cast %scan3A_105 : i32 to index
      %swap3A_125 = arith.constant 32 : index
      %swap3A_126 = tpu.vector_load %arg4[%swap3A_122, %swap3A_123, %swap3A_124, %swap3A_125] {strides = array<i32>} : memref<2x4x50x256xf32, #tpu.memory_space<vmem>>, vector<16xf32>,
      tpu.vector_store %arg4[%swap3A_122, %swap3A_123, %swap3A_124, %swap3A_125], %broadcast_in_dim3A_15 {strides = array<i32>} : memref<2x4x50x256xf32, #tpu.memory_space<vmem>>, vector<16xf32>,
      %swap3A_127 = arith.constant 1 : i32
      %swap3A_128 = arith.constant 1 : i32
      %swap3A_129 = arith.index_cast %swap3A_127 : i32 to index
      %swap3A_130 = arith.index_cast %swap3A_128 : i32 to index
      %swap3A_131 = arith.index_cast %scan3A_105 : i32 to index
      %swap3A_132 = arith.constant 48 : index
      %swap3A_133 = tpu.vector_load %arg4[%swap3A_129, %swap3A_130, %swap3A_131, %swap3A_132] {strides = array<i32>} : memref<2x4x50x256xf32, #tpu.memory_space<vmem>>, vector<16xf32>,
      tpu.vector_store %arg4[%swap3A_129, %swap3A_130, %swap3A_131, %swap3A_132], %broadcast_in_dim3A_15 {strides = array<i32>} : memref<2x4x50x256xf32, #tpu.memory_space<vmem>>, vector<16xf32>,
      %swap3A_134 = arith.constant 1 : i32
      %swap3A_135 = arith.constant 1 : i32
      %swap3A_136 = arith.index_cast %swap3A_134 : i32 to index
      %swap3A_137 = arith.index_cast %swap3A_135 : i32 to index
      %swap3A_138 = arith.index_cast %scan3A_105 : i32 to index
      %swap3A_139 = arith.constant 64 : index
      %swap3A_140 = tpu.vector_load %arg4[%swap3A_136, %swap3A_137, %swap3A_138, %swap3A_139] {strides = array<i32>} : memref<2x4x50x256xf32, #tpu.memory_space<vmem>>, vector<16xf32>,
      tpu.vector_store %arg4[%swap3A_136, %swap3A_137, %swap3A_138, %swap3A_139], %broadcast_in_dim3A_15 {strides = array<i32>} : memref<2x4x50x256xf32, #tpu.memory_space<vmem>>, vector<16xf32>,
      %swap3A_141 = arith.constant 1 : i32
      %swap3A_142 = arith.constant 1 : i32
      %swap3A_143 = arith.index_cast %swap3A_141 : i32 to index
      %swap3A_144 = arith.index_cast %swap3A_142 : i32 to index
      %swap3A_145 = arith.index_cast %scan3A_105 : i32 to index
      %swap3A_146 = arith.constant 80 : index
      %swap3A_147 = tpu.vector_load %arg4[%swap3A_143, %swap3A_144, %swap3A_145, %swap3A_146] {strides = array<i32>} : memref<2x4x50x256xf32, #tpu.memory_space<vmem>>, vector<16xf32>,
      tpu.vector_store %arg4[%swap3A_143, %swap3A_144, %swap3A_145, %swap3A_146], %broadcast_in_dim3A_15 {strides = array<i32>} : memref<2x4x50x256xf32, #tpu.memory_space<vmem>>, vector<16xf32>,
      %swap3A_148 = arith.constant 1 : i32
      %swap3A_149 = arith.constant 1 : i32
      %swap3A_150 = arith.index_cast %swap3A_148 : i32 to index
      %swap3A_151 = arith.index_cast %swap3A_149 : i32 to index
      %swap3A_152 = arith.index_cast %scan3A_105 : i32 to index
      %swap3A_153 = arith.constant 96 : index
      %swap3A_154 = tpu.vector_load %arg4[%swap3A_150, %swap3A_151, %swap3A_152, %swap3A_153] {strides = array<i32>} : memref<2x4x50x256xf32, #tpu.memory_space<vmem>>, vector<16xf32>,
      tpu.vector_store %arg4[%swap3A_150, %swap3A_151, %swap3A_152, %swap3A_153], %broadcast_in_dim3A_15 {strides = array<i32>} : memref<2x4x50x256xf32, #tpu.memory_space<vmem>>, vector<16xf32>,
      %swap3A_155 = arith.constant 1 : i32
      %swap3A_156 = arith.constant 1 : i32
      %swap3A_157 = arith.index_cast %swap3A_155 : i32 to index
      %swap3A_158 = arith.index_cast %swap3A_156 : i32 to index
      %swap3A_159 = arith.index_cast %scan3A_105 : i32 to index
      %swap3A_160 = arith.constant 112 : index
      %swap3A_161 = tpu.vector_load %arg4[%swap3A_157, %swap3A_158, %swap3A_159, %swap3A_160] {strides = array<i32>} : memref<2x4x50x256xf32, #tpu.memory_space<vmem>>, vector<16xf32>,
      tpu.vector_store %arg4[%swap3A_157, %swap3A_158, %swap3A_159, %swap3A_160], %broadcast_in_dim3A_15 {strides = array<i32>} : memref<2x4x50x256xf32, #tpu.memory_space<vmem>>, vector<16xf32>,
      %swap3A_162 = arith.constant 1 : i32
      %swap3A_163 = arith.constant 1 : i32
      %swap3A_164 = arith.index_cast %swap3A_162 : i32 to index
      %swap3A_165 = arith.index_cast %swap3A_163 : i32 to index
      %swap3A_166 = arith.index_cast %scan3A_105 : i32 to index
      %swap3A_167 = arith.constant 128 : index
      %swap3A_168 = tpu.vector_load %arg4[%swap3A_164, %swap3A_165, %swap3A_166, %swap3A_167] {strides = array<i32>} : memref<2x4x50x256xf32, #tpu.memory_space<vmem>>, vector<16xf32>,
      tpu.vector_store %arg4[%swap3A_164, %swap3A_165, %swap3A_166, %swap3A_167], %broadcast_in_dim3A_15 {strides = array<i32>} : memref<2x4x50x256xf32, #tpu.memory_space<vmem>>, vector<16xf32>,
      %swap3A_169 = arith.constant 1 : i32
      %swap3A_170 = arith.constant 1 : i32
      %swap3A_171 = arith.index_cast %swap3A_169 : i32 to index
      %swap3A_172 = arith.index_cast %swap3A_170 : i32 to index
      %swap3A_173 = arith.index_cast %scan3A_105 : i32 to index
      %swap3A_174 = arith.constant 144 : index
      %swap3A_175 = tpu.vector_load %arg4[%swap3A_171, %swap3A_172, %swap3A_173, %swap3A_174] {strides = array<i32>} : memref<2x4x50x256xf32, #tpu.memory_space<vmem>>, vector<16xf32>,
      tpu.vector_store %arg4[%swap3A_171, %swap3A_172, %swap3A_173, %swap3A_174], %broadcast_in_dim3A_15 {strides = array<i32>} : memref<2x4x50x256xf32, #tpu.memory_space<vmem>>, vector<16xf32>,
      %swap3A_176 = arith.constant 1 : i32
      %swap3A_177 = arith.constant 1 : i32
      %swap3A_178 = arith.index_cast %swap3A_176 : i32 to index
      %swap3A_179 = arith.index_cast %swap3A_177 : i32 to index
      %swap3A_180 = arith.index_cast %scan3A_105 : i32 to index
      %swap3A_181 = arith.constant 160 : index
      %swap3A_182 = tpu.vector_load %arg4[%swap3A_178, %swap3A_179, %swap3A_180, %swap3A_181] {strides = array<i32>} : memref<2x4x50x256xf32, #tpu.memory_space<vmem>>, vector<16xf32>,
      tpu.vector_store %arg4[%swap3A_178, %swap3A_179, %swap3A_180, %swap3A_181], %broadcast_in_dim3A_15 {strides = array<i32>} : memref<2x4x50x256xf32, #tpu.memory_space<vmem>>, vector<16xf32>,
      %swap3A_183 = arith.constant 1 : i32
      %swap3A_184 = arith.constant 1 : i32
      %swap3A_185 = arith.index_cast %swap3A_183 : i32 to index
      %swap3A_186 = arith.index_cast %swap3A_184 : i32 to index
      %swap3A_187 = arith.index_cast %scan3A_105 : i32 to index
      %swap3A_188 = arith.constant 176 : index
      %swap3A_189 = tpu.vector_load %arg4[%swap3A_185, %swap3A_186, %swap3A_187, %swap3A_188] {strides = array<i32>} : memref<2x4x50x256xf32, #tpu.memory_space<vmem>>, vector<16xf32>,
      tpu.vector_store %arg4[%swap3A_185, %swap3A_186, %swap3A_187, %swap3A_188], %broadcast_in_dim3A_15 {strides = array<i32>} : memref<2x4x50x256xf32, #tpu.memory_space<vmem>>, vector<16xf32>,
      %swap3A_190 = arith.constant 1 : i32
      %swap3A_191 = arith.constant 1 : i32
      %swap3A_192 = arith.index_cast %swap3A_190 : i32 to index
      %swap3A_193 = arith.index_cast %swap3A_191 : i32 to index
      %swap3A_194 = arith.index_cast %scan3A_105 : i32 to index
      %swap3A_195 = arith.constant 192 : index
      %swap3A_196 = tpu.vector_load %arg4[%swap3A_192, %swap3A_193, %swap3A_194, %swap3A_195] {strides = array<i32>} : memref<2x4x50x256xf32, #tpu.memory_space<vmem>>, vector<16xf32>,
      tpu.vector_store %arg4[%swap3A_192, %swap3A_193, %swap3A_194, %swap3A_195], %broadcast_in_dim3A_15 {strides = array<i32>} : memref<2x4x50x256xf32, #tpu.memory_space<vmem>>, vector<16xf32>,
      %swap3A_197 = arith.constant 1 : i32
      %swap3A_198 = arith.constant 1 : i32
      %swap3A_199 = arith.index_cast %swap3A_197 : i32 to index
      %swap3A_200 = arith.index_cast %swap3A_198 : i32 to index
      %swap3A_201 = arith.index_cast %scan3A_105 : i32 to index
      %swap3A_202 = arith.constant 208 : index
      %swap3A_203 = tpu.vector_load %arg4[%swap3A_199, %swap3A_200, %swap3A_201, %swap3A_202] {strides = array<i32>} : memref<2x4x50x256xf32, #tpu.memory_space<vmem>>, vector<16xf32>,
      tpu.vector_store %arg4[%swap3A_199, %swap3A_200, %swap3A_201, %swap3A_202], %broadcast_in_dim3A_15 {strides = array<i32>} : memref<2x4x50x256xf32, #tpu.memory_space<vmem>>, vector<16xf32>,
      %swap3A_204 = arith.constant 1 : i32
      %swap3A_205 = arith.constant 1 : i32
      %swap3A_206 = arith.index_cast %swap3A_204 : i32 to index
      %swap3A_207 = arith.index_cast %swap3A_205 : i32 to index
      %swap3A_208 = arith.index_cast %scan3A_105 : i32 to index
      %swap3A_209 = arith.constant 224 : index
      %swap3A_210 = tpu.vector_load %arg4[%swap3A_206, %swap3A_207, %swap3A_208, %swap3A_209] {strides = array<i32>} : memref<2x4x50x256xf32, #tpu.memory_space<vmem>>, vector<16xf32>,
      tpu.vector_store %arg4[%swap3A_206, %swap3A_207, %swap3A_208, %swap3A_209], %broadcast_in_dim3A_15 {strides = array<i32>} : memref<2x4x50x256xf32, #tpu.memory_space<vmem>>, vector<16xf32>,
      %swap3A_211 = arith.constant 1 : i32
      %swap3A_212 = arith.constant 1 : i32
      %swap3A_213 = arith.index_cast %swap3A_211 : i32 to index
      %swap3A_214 = arith.index_cast %swap3A_212 : i32 to index
      %swap3A_215 = arith.index_cast %scan3A_105 : i32 to index
      %swap3A_216 = arith.constant 240 : index
      %swap3A_217 = tpu.vector_load %arg4[%swap3A_213, %swap3A_214, %swap3A_215, %swap3A_216] {strides = array<i32>} : memref<2x4x50x256xf32, #tpu.memory_space<vmem>>, vector<16xf32>,
      tpu.vector_store %arg4[%swap3A_213, %swap3A_214, %swap3A_215, %swap3A_216], %broadcast_in_dim3A_15 {strides = array<i32>} : memref<2x4x50x256xf32, #tpu.memory_space<vmem>>, vector<16xf32>,
    }
    %scan3A_46 = arith.constant 50 : i32
    %scan3A_47 = arith.constant 0 : i32
    %scan3A_48 = arith.constant 50 : i32
    %scan3A_49 = arith.addi %scan3A_47, %scan3A_48 : i32
    %scan3A_50 = arith.constant 1 : i32
    scf.for %scan3A_105 = %scan3A_47 to %scan3A_49 step %scan3A_50  : i32 {
      %swap3A_106 = arith.constant 1 : i32
      %swap3A_107 = arith.constant 2 : i32
      %swap3A_108 = arith.index_cast %swap3A_106 : i32 to index
      %swap3A_109 = arith.index_cast %swap3A_107 : i32 to index
      %swap3A_110 = arith.index_cast %scan3A_105 : i32 to index
      %swap3A_111 = arith.constant 0 : index
      %swap3A_112 = tpu.vector_load %arg4[%swap3A_108, %swap3A_109, %swap3A_110, %swap3A_111] {strides = array<i32>} : memref<2x4x50x256xf32, #tpu.memory_space<vmem>>, vector<16xf32>,
      tpu.vector_store %arg4[%swap3A_108, %swap3A_109, %swap3A_110, %swap3A_111], %broadcast_in_dim3A_15 {strides = array<i32>} : memref<2x4x50x256xf32, #tpu.memory_space<vmem>>, vector<16xf32>,
      %swap3A_113 = arith.constant 1 : i32
      %swap3A_114 = arith.constant 2 : i32
      %swap3A_115 = arith.index_cast %swap3A_113 : i32 to index
      %swap3A_116 = arith.index_cast %swap3A_114 : i32 to index
      %swap3A_117 = arith.index_cast %scan3A_105 : i32 to index
      %swap3A_118 = arith.constant 16 : index
      %swap3A_119 = tpu.vector_load %arg4[%swap3A_115, %swap3A_116, %swap3A_117, %swap3A_118] {strides = array<i32>} : memref<2x4x50x256xf32, #tpu.memory_space<vmem>>, vector<16xf32>,
      tpu.vector_store %arg4[%swap3A_115, %swap3A_116, %swap3A_117, %swap3A_118], %broadcast_in_dim3A_15 {strides = array<i32>} : memref<2x4x50x256xf32, #tpu.memory_space<vmem>>, vector<16xf32>,
      %swap3A_120 = arith.constant 1 : i32
      %swap3A_121 = arith.constant 2 : i32
      %swap3A_122 = arith.index_cast %swap3A_120 : i32 to index
      %swap3A_123 = arith.index_cast %swap3A_121 : i32 to index
      %swap3A_124 = arith.index_cast %scan3A_105 : i32 to index
      %swap3A_125 = arith.constant 32 : index
      %swap3A_126 = tpu.vector_load %arg4[%swap3A_122, %swap3A_123, %swap3A_124, %swap3A_125] {strides = array<i32>} : memref<2x4x50x256xf32, #tpu.memory_space<vmem>>, vector<16xf32>,
      tpu.vector_store %arg4[%swap3A_122, %swap3A_123, %swap3A_124, %swap3A_125], %broadcast_in_dim3A_15 {strides = array<i32>} : memref<2x4x50x256xf32, #tpu.memory_space<vmem>>, vector<16xf32>,
      %swap3A_127 = arith.constant 1 : i32
      %swap3A_128 = arith.constant 2 : i32
      %swap3A_129 = arith.index_cast %swap3A_127 : i32 to index
      %swap3A_130 = arith.index_cast %swap3A_128 : i32 to index
      %swap3A_131 = arith.index_cast %scan3A_105 : i32 to index
      %swap3A_132 = arith.constant 48 : index
      %swap3A_133 = tpu.vector_load %arg4[%swap3A_129, %swap3A_130, %swap3A_131, %swap3A_132] {strides = array<i32>} : memref<2x4x50x256xf32, #tpu.memory_space<vmem>>, vector<16xf32>,
      tpu.vector_store %arg4[%swap3A_129, %swap3A_130, %swap3A_131, %swap3A_132], %broadcast_in_dim3A_15 {strides = array<i32>} : memref<2x4x50x256xf32, #tpu.memory_space<vmem>>, vector<16xf32>,
      %swap3A_134 = arith.constant 1 : i32
      %swap3A_135 = arith.constant 2 : i32
      %swap3A_136 = arith.index_cast %swap3A_134 : i32 to index
      %swap3A_137 = arith.index_cast %swap3A_135 : i32 to index
      %swap3A_138 = arith.index_cast %scan3A_105 : i32 to index
      %swap3A_139 = arith.constant 64 : index
      %swap3A_140 = tpu.vector_load %arg4[%swap3A_136, %swap3A_137, %swap3A_138, %swap3A_139] {strides = array<i32>} : memref<2x4x50x256xf32, #tpu.memory_space<vmem>>, vector<16xf32>,
      tpu.vector_store %arg4[%swap3A_136, %swap3A_137, %swap3A_138, %swap3A_139], %broadcast_in_dim3A_15 {strides = array<i32>} : memref<2x4x50x256xf32, #tpu.memory_space<vmem>>, vector<16xf32>,
      %swap3A_141 = arith.constant 1 : i32
      %swap3A_142 = arith.constant 2 : i32
      %swap3A_143 = arith.index_cast %swap3A_141 : i32 to index
      %swap3A_144 = arith.index_cast %swap3A_142 : i32 to index
      %swap3A_145 = arith.index_cast %scan3A_105 : i32 to index
      %swap3A_146 = arith.constant 80 : index
      %swap3A_147 = tpu.vector_load %arg4[%swap3A_143, %swap3A_144, %swap3A_145, %swap3A_146] {strides = array<i32>} : memref<2x4x50x256xf32, #tpu.memory_space<vmem>>, vector<16xf32>,
      tpu.vector_store %arg4[%swap3A_143, %swap3A_144, %swap3A_145, %swap3A_146], %broadcast_in_dim3A_15 {strides = array<i32>} : memref<2x4x50x256xf32, #tpu.memory_space<vmem>>, vector<16xf32>,
      %swap3A_148 = arith.constant 1 : i32
      %swap3A_149 = arith.constant 2 : i32
      %swap3A_150 = arith.index_cast %swap3A_148 : i32 to index
      %swap3A_151 = arith.index_cast %swap3A_149 : i32 to index
      %swap3A_152 = arith.index_cast %scan3A_105 : i32 to index
      %swap3A_153 = arith.constant 96 : index
      %swap3A_154 = tpu.vector_load %arg4[%swap3A_150, %swap3A_151, %swap3A_152, %swap3A_153] {strides = array<i32>} : memref<2x4x50x256xf32, #tpu.memory_space<vmem>>, vector<16xf32>,
      tpu.vector_store %arg4[%swap3A_150, %swap3A_151, %swap3A_152, %swap3A_153], %broadcast_in_dim3A_15 {strides = array<i32>} : memref<2x4x50x256xf32, #tpu.memory_space<vmem>>, vector<16xf32>,
      %swap3A_155 = arith.constant 1 : i32
      %swap3A_156 = arith.constant 2 : i32
      %swap3A_157 = arith.index_cast %swap3A_155 : i32 to index
      %swap3A_158 = arith.index_cast %swap3A_156 : i32 to index
      %swap3A_159 = arith.index_cast %scan3A_105 : i32 to index
      %swap3A_160 = arith.constant 112 : index
      %swap3A_161 = tpu.vector_load %arg4[%swap3A_157, %swap3A_158, %swap3A_159, %swap3A_160] {strides = array<i32>} : memref<2x4x50x256xf32, #tpu.memory_space<vmem>>, vector<16xf32>,
      tpu.vector_store %arg4[%swap3A_157, %swap3A_158, %swap3A_159, %swap3A_160], %broadcast_in_dim3A_15 {strides = array<i32>} : memref<2x4x50x256xf32, #tpu.memory_space<vmem>>, vector<16xf32>,
      %swap3A_162 = arith.constant 1 : i32
      %swap3A_163 = arith.constant 2 : i32
      %swap3A_164 = arith.index_cast %swap3A_162 : i32 to index
      %swap3A_165 = arith.index_cast %swap3A_163 : i32 to index
      %swap3A_166 = arith.index_cast %scan3A_105 : i32 to index
      %swap3A_167 = arith.constant 128 : index
      %swap3A_168 = tpu.vector_load %arg4[%swap3A_164, %swap3A_165, %swap3A_166, %swap3A_167] {strides = array<i32>} : memref<2x4x50x256xf32, #tpu.memory_space<vmem>>, vector<16xf32>,
      tpu.vector_store %arg4[%swap3A_164, %swap3A_165, %swap3A_166, %swap3A_167], %broadcast_in_dim3A_15 {strides = array<i32>} : memref<2x4x50x256xf32, #tpu.memory_space<vmem>>, vector<16xf32>,
      %swap3A_169 = arith.constant 1 : i32
      %swap3A_170 = arith.constant 2 : i32
      %swap3A_171 = arith.index_cast %swap3A_169 : i32 to index
      %swap3A_172 = arith.index_cast %swap3A_170 : i32 to index
      %swap3A_173 = arith.index_cast %scan3A_105 : i32 to index
      %swap3A_174 = arith.constant 144 : index
      %swap3A_175 = tpu.vector_load %arg4[%swap3A_171, %swap3A_172, %swap3A_173, %swap3A_174] {strides = array<i32>} : memref<2x4x50x256xf32, #tpu.memory_space<vmem>>, vector<16xf32>,
      tpu.vector_store %arg4[%swap3A_171, %swap3A_172, %swap3A_173, %swap3A_174], %broadcast_in_dim3A_15 {strides = array<i32>} : memref<2x4x50x256xf32, #tpu.memory_space<vmem>>, vector<16xf32>,
      %swap3A_176 = arith.constant 1 : i32
      %swap3A_177 = arith.constant 2 : i32
      %swap3A_178 = arith.index_cast %swap3A_176 : i32 to index
      %swap3A_179 = arith.index_cast %swap3A_177 : i32 to index
      %swap3A_180 = arith.index_cast %scan3A_105 : i32 to index
      %swap3A_181 = arith.constant 160 : index
      %swap3A_182 = tpu.vector_load %arg4[%swap3A_178, %swap3A_179, %swap3A_180, %swap3A_181] {strides = array<i32>} : memref<2x4x50x256xf32, #tpu.memory_space<vmem>>, vector<16xf32>,
      tpu.vector_store %arg4[%swap3A_178, %swap3A_179, %swap3A_180, %swap3A_181], %broadcast_in_dim3A_15 {strides = array<i32>} : memref<2x4x50x256xf32, #tpu.memory_space<vmem>>, vector<16xf32>,
      %swap3A_183 = arith.constant 1 : i32
      %swap3A_184 = arith.constant 2 : i32
      %swap3A_185 = arith.index_cast %swap3A_183 : i32 to index
      %swap3A_186 = arith.index_cast %swap3A_184 : i32 to index
      %swap3A_187 = arith.index_cast %scan3A_105 : i32 to index
      %swap3A_188 = arith.constant 176 : index
      %swap3A_189 = tpu.vector_load %arg4[%swap3A_185, %swap3A_186, %swap3A_187, %swap3A_188] {strides = array<i32>} : memref<2x4x50x256xf32, #tpu.memory_space<vmem>>, vector<16xf32>,
      tpu.vector_store %arg4[%swap3A_185, %swap3A_186, %swap3A_187, %swap3A_188], %broadcast_in_dim3A_15 {strides = array<i32>} : memref<2x4x50x256xf32, #tpu.memory_space<vmem>>, vector<16xf32>,
      %swap3A_190 = arith.constant 1 : i32
      %swap3A_191 = arith.constant 2 : i32
      %swap3A_192 = arith.index_cast %swap3A_190 : i32 to index
      %swap3A_193 = arith.index_cast %swap3A_191 : i32 to index
      %swap3A_194 = arith.index_cast %scan3A_105 : i32 to index
      %swap3A_195 = arith.constant 192 : index
      %swap3A_196 = tpu.vector_load %arg4[%swap3A_192, %swap3A_193, %swap3A_194, %swap3A_195] {strides = array<i32>} : memref<2x4x50x256xf32, #tpu.memory_space<vmem>>, vector<16xf32>,
      tpu.vector_store %arg4[%swap3A_192, %swap3A_193, %swap3A_194, %swap3A_195], %broadcast_in_dim3A_15 {strides = array<i32>} : memref<2x4x50x256xf32, #tpu.memory_space<vmem>>, vector<16xf32>,
      %swap3A_197 = arith.constant 1 : i32
      %swap3A_198 = arith.constant 2 : i32
      %swap3A_199 = arith.index_cast %swap3A_197 : i32 to index
      %swap3A_200 = arith.index_cast %swap3A_198 : i32 to index
      %swap3A_201 = arith.index_cast %scan3A_105 : i32 to index
      %swap3A_202 = arith.constant 208 : index
      %swap3A_203 = tpu.vector_load %arg4[%swap3A_199, %swap3A_200, %swap3A_201, %swap3A_202] {strides = array<i32>} : memref<2x4x50x256xf32, #tpu.memory_space<vmem>>, vector<16xf32>,
      tpu.vector_store %arg4[%swap3A_199, %swap3A_200, %swap3A_201, %swap3A_202], %broadcast_in_dim3A_15 {strides = array<i32>} : memref<2x4x50x256xf32, #tpu.memory_space<vmem>>, vector<16xf32>,
      %swap3A_204 = arith.constant 1 : i32
      %swap3A_205 = arith.constant 2 : i32
      %swap3A_206 = arith.index_cast %swap3A_204 : i32 to index
      %swap3A_207 = arith.index_cast %swap3A_205 : i32 to index
      %swap3A_208 = arith.index_cast %scan3A_105 : i32 to index
      %swap3A_209 = arith.constant 224 : index
      %swap3A_210 = tpu.vector_load %arg4[%swap3A_206, %swap3A_207, %swap3A_208, %swap3A_209] {strides = array<i32>} : memref<2x4x50x256xf32, #tpu.memory_space<vmem>>, vector<16xf32>,
      tpu.vector_store %arg4[%swap3A_206, %swap3A_207, %swap3A_208, %swap3A_209], %broadcast_in_dim3A_15 {strides = array<i32>} : memref<2x4x50x256xf32, #tpu.memory_space<vmem>>, vector<16xf32>,
      %swap3A_211 = arith.constant 1 : i32
      %swap3A_212 = arith.constant 2 : i32
      %swap3A_213 = arith.index_cast %swap3A_211 : i32 to index
      %swap3A_214 = arith.index_cast %swap3A_212 : i32 to index
      %swap3A_215 = arith.index_cast %scan3A_105 : i32 to index
      %swap3A_216 = arith.constant 240 : index
      %swap3A_217 = tpu.vector_load %arg4[%swap3A_213, %swap3A_214, %swap3A_215, %swap3A_216] {strides = array<i32>} : memref<2x4x50x256xf32, #tpu.memory_space<vmem>>, vector<16xf32>,
      tpu.vector_store %arg4[%swap3A_213, %swap3A_214, %swap3A_215, %swap3A_216], %broadcast_in_dim3A_15 {strides = array<i32>} : memref<2x4x50x256xf32, #tpu.memory_space<vmem>>, vector<16xf32>,
    }
    %scan3A_51 = arith.constant 50 : i32
    %scan3A_52 = arith.constant 0 : i32
    %scan3A_53 = arith.constant 50 : i32
    %scan3A_54 = arith.addi %scan3A_52, %scan3A_53 : i32
    %scan3A_55 = arith.constant 1 : i32
    scf.for %scan3A_105 = %scan3A_52 to %scan3A_54 step %scan3A_55  : i32 {
      %swap3A_106 = arith.constant 1 : i32
      %swap3A_107 = arith.constant 3 : i32
      %swap3A_108 = arith.index_cast %swap3A_106 : i32 to index
      %swap3A_109 = arith.index_cast %swap3A_107 : i32 to index
      %swap3A_110 = arith.index_cast %scan3A_105 : i32 to index
      %swap3A_111 = arith.constant 0 : index
      %swap3A_112 = tpu.vector_load %arg4[%swap3A_108, %swap3A_109, %swap3A_110, %swap3A_111] {strides = array<i32>} : memref<2x4x50x256xf32, #tpu.memory_space<vmem>>, vector<16xf32>,
      tpu.vector_store %arg4[%swap3A_108, %swap3A_109, %swap3A_110, %swap3A_111], %broadcast_in_dim3A_15 {strides = array<i32>} : memref<2x4x50x256xf32, #tpu.memory_space<vmem>>, vector<16xf32>,
      %swap3A_113 = arith.constant 1 : i32
      %swap3A_114 = arith.constant 3 : i32
      %swap3A_115 = arith.index_cast %swap3A_113 : i32 to index
      %swap3A_116 = arith.index_cast %swap3A_114 : i32 to index
      %swap3A_117 = arith.index_cast %scan3A_105 : i32 to index
      %swap3A_118 = arith.constant 16 : index
      %swap3A_119 = tpu.vector_load %arg4[%swap3A_115, %swap3A_116, %swap3A_117, %swap3A_118] {strides = array<i32>} : memref<2x4x50x256xf32, #tpu.memory_space<vmem>>, vector<16xf32>,
      tpu.vector_store %arg4[%swap3A_115, %swap3A_116, %swap3A_117, %swap3A_118], %broadcast_in_dim3A_15 {strides = array<i32>} : memref<2x4x50x256xf32, #tpu.memory_space<vmem>>, vector<16xf32>,
      %swap3A_120 = arith.constant 1 : i32
      %swap3A_121 = arith.constant 3 : i32
      %swap3A_122 = arith.index_cast %swap3A_120 : i32 to index
      %swap3A_123 = arith.index_cast %swap3A_121 : i32 to index
      %swap3A_124 = arith.index_cast %scan3A_105 : i32 to index
      %swap3A_125 = arith.constant 32 : index
      %swap3A_126 = tpu.vector_load %arg4[%swap3A_122, %swap3A_123, %swap3A_124, %swap3A_125] {strides = array<i32>} : memref<2x4x50x256xf32, #tpu.memory_space<vmem>>, vector<16xf32>,
      tpu.vector_store %arg4[%swap3A_122, %swap3A_123, %swap3A_124, %swap3A_125], %broadcast_in_dim3A_15 {strides = array<i32>} : memref<2x4x50x256xf32, #tpu.memory_space<vmem>>, vector<16xf32>,
      %swap3A_127 = arith.constant 1 : i32
      %swap3A_128 = arith.constant 3 : i32
      %swap3A_129 = arith.index_cast %swap3A_127 : i32 to index
      %swap3A_130 = arith.index_cast %swap3A_128 : i32 to index
      %swap3A_131 = arith.index_cast %scan3A_105 : i32 to index
      %swap3A_132 = arith.constant 48 : index
      %swap3A_133 = tpu.vector_load %arg4[%swap3A_129, %swap3A_130, %swap3A_131, %swap3A_132] {strides = array<i32>} : memref<2x4x50x256xf32, #tpu.memory_space<vmem>>, vector<16xf32>,
      tpu.vector_store %arg4[%swap3A_129, %swap3A_130, %swap3A_131, %swap3A_132], %broadcast_in_dim3A_15 {strides = array<i32>} : memref<2x4x50x256xf32, #tpu.memory_space<vmem>>, vector<16xf32>,
      %swap3A_134 = arith.constant 1 : i32
      %swap3A_135 = arith.constant 3 : i32
      %swap3A_136 = arith.index_cast %swap3A_134 : i32 to index
      %swap3A_137 = arith.index_cast %swap3A_135 : i32 to index
      %swap3A_138 = arith.index_cast %scan3A_105 : i32 to index
      %swap3A_139 = arith.constant 64 : index
      %swap3A_140 = tpu.vector_load %arg4[%swap3A_136, %swap3A_137, %swap3A_138, %swap3A_139] {strides = array<i32>} : memref<2x4x50x256xf32, #tpu.memory_space<vmem>>, vector<16xf32>,
      tpu.vector_store %arg4[%swap3A_136, %swap3A_137, %swap3A_138, %swap3A_139], %broadcast_in_dim3A_15 {strides = array<i32>} : memref<2x4x50x256xf32, #tpu.memory_space<vmem>>, vector<16xf32>,
      %swap3A_141 = arith.constant 1 : i32
      %swap3A_142 = arith.constant 3 : i32
      %swap3A_143 = arith.index_cast %swap3A_141 : i32 to index
      %swap3A_144 = arith.index_cast %swap3A_142 : i32 to index
      %swap3A_145 = arith.index_cast %scan3A_105 : i32 to index
      %swap3A_146 = arith.constant 80 : index
      %swap3A_147 = tpu.vector_load %arg4[%swap3A_143, %swap3A_144, %swap3A_145, %swap3A_146] {strides = array<i32>} : memref<2x4x50x256xf32, #tpu.memory_space<vmem>>, vector<16xf32>,
      tpu.vector_store %arg4[%swap3A_143, %swap3A_144, %swap3A_145, %swap3A_146], %broadcast_in_dim3A_15 {strides = array<i32>} : memref<2x4x50x256xf32, #tpu.memory_space<vmem>>, vector<16xf32>,
      %swap3A_148 = arith.constant 1 : i32
      %swap3A_149 = arith.constant 3 : i32
      %swap3A_150 = arith.index_cast %swap3A_148 : i32 to index
      %swap3A_151 = arith.index_cast %swap3A_149 : i32 to index
      %swap3A_152 = arith.index_cast %scan3A_105 : i32 to index
      %swap3A_153 = arith.constant 96 : index
      %swap3A_154 = tpu.vector_load %arg4[%swap3A_150, %swap3A_151, %swap3A_152, %swap3A_153] {strides = array<i32>} : memref<2x4x50x256xf32, #tpu.memory_space<vmem>>, vector<16xf32>,
      tpu.vector_store %arg4[%swap3A_150, %swap3A_151, %swap3A_152, %swap3A_153], %broadcast_in_dim3A_15 {strides = array<i32>} : memref<2x4x50x256xf32, #tpu.memory_space<vmem>>, vector<16xf32>,
      %swap3A_155 = arith.constant 1 : i32
      %swap3A_156 = arith.constant 3 : i32
      %swap3A_157 = arith.index_cast %swap3A_155 : i32 to index
      %swap3A_158 = arith.index_cast %swap3A_156 : i32 to index
      %swap3A_159 = arith.index_cast %scan3A_105 : i32 to index
      %swap3A_160 = arith.constant 112 : index
      %swap3A_161 = tpu.vector_load %arg4[%swap3A_157, %swap3A_158, %swap3A_159, %swap3A_160] {strides = array<i32>} : memref<2x4x50x256xf32, #tpu.memory_space<vmem>>, vector<16xf32>,
      tpu.vector_store %arg4[%swap3A_157, %swap3A_158, %swap3A_159, %swap3A_160], %broadcast_in_dim3A_15 {strides = array<i32>} : memref<2x4x50x256xf32, #tpu.memory_space<vmem>>, vector<16xf32>,
      %swap3A_162 = arith.constant 1 : i32
      %swap3A_163 = arith.constant 3 : i32
      %swap3A_164 = arith.index_cast %swap3A_162 : i32 to index
      %swap3A_165 = arith.index_cast %swap3A_163 : i32 to index
      %swap3A_166 = arith.index_cast %scan3A_105 : i32 to index
      %swap3A_167 = arith.constant 128 : index
      %swap3A_168 = tpu.vector_load %arg4[%swap3A_164, %swap3A_165, %swap3A_166, %swap3A_167] {strides = array<i32>} : memref<2x4x50x256xf32, #tpu.memory_space<vmem>>, vector<16xf32>,
      tpu.vector_store %arg4[%swap3A_164, %swap3A_165, %swap3A_166, %swap3A_167], %broadcast_in_dim3A_15 {strides = array<i32>} : memref<2x4x50x256xf32, #tpu.memory_space<vmem>>, vector<16xf32>,
      %swap3A_169 = arith.constant 1 : i32
      %swap3A_170 = arith.constant 3 : i32
      %swap3A_171 = arith.index_cast %swap3A_169 : i32 to index
      %swap3A_172 = arith.index_cast %swap3A_170 : i32 to index
      %swap3A_173 = arith.index_cast %scan3A_105 : i32 to index
      %swap3A_174 = arith.constant 144 : index
      %swap3A_175 = tpu.vector_load %arg4[%swap3A_171, %swap3A_172, %swap3A_173, %swap3A_174] {strides = array<i32>} : memref<2x4x50x256xf32, #tpu.memory_space<vmem>>, vector<16xf32>,
      tpu.vector_store %arg4[%swap3A_171, %swap3A_172, %swap3A_173, %swap3A_174], %broadcast_in_dim3A_15 {strides = array<i32>} : memref<2x4x50x256xf32, #tpu.memory_space<vmem>>, vector<16xf32>,
      %swap3A_176 = arith.constant 1 : i32
      %swap3A_177 = arith.constant 3 : i32
      %swap3A_178 = arith.index_cast %swap3A_176 : i32 to index
      %swap3A_179 = arith.index_cast %swap3A_177 : i32 to index
      %swap3A_180 = arith.index_cast %scan3A_105 : i32 to index
      %swap3A_181 = arith.constant 160 : index
      %swap3A_182 = tpu.vector_load %arg4[%swap3A_178, %swap3A_179, %swap3A_180, %swap3A_181] {strides = array<i32>} : memref<2x4x50x256xf32, #tpu.memory_space<vmem>>, vector<16xf32>,
      tpu.vector_store %arg4[%swap3A_178, %swap3A_179, %swap3A_180, %swap3A_181], %broadcast_in_dim3A_15 {strides = array<i32>} : memref<2x4x50x256xf32, #tpu.memory_space<vmem>>, vector<16xf32>,
      %swap3A_183 = arith.constant 1 : i32
      %swap3A_184 = arith.constant 3 : i32
      %swap3A_185 = arith.index_cast %swap3A_183 : i32 to index
      %swap3A_186 = arith.index_cast %swap3A_184 : i32 to index
      %swap3A_187 = arith.index_cast %scan3A_105 : i32 to index
      %swap3A_188 = arith.constant 176 : index
      %swap3A_189 = tpu.vector_load %arg4[%swap3A_185, %swap3A_186, %swap3A_187, %swap3A_188] {strides = array<i32>} : memref<2x4x50x256xf32, #tpu.memory_space<vmem>>, vector<16xf32>,
      tpu.vector_store %arg4[%swap3A_185, %swap3A_186, %swap3A_187, %swap3A_188], %broadcast_in_dim3A_15 {strides = array<i32>} : memref<2x4x50x256xf32, #tpu.memory_space<vmem>>, vector<16xf32>,
      %swap3A_190 = arith.constant 1 : i32
      %swap3A_191 = arith.constant 3 : i32
      %swap3A_192 = arith.index_cast %swap3A_190 : i32 to index
      %swap3A_193 = arith.index_cast %swap3A_191 : i32 to index
      %swap3A_194 = arith.index_cast %scan3A_105 : i32 to index
      %swap3A_195 = arith.constant 192 : index
      %swap3A_196 = tpu.vector_load %arg4[%swap3A_192, %swap3A_193, %swap3A_194, %swap3A_195] {strides = array<i32>} : memref<2x4x50x256xf32, #tpu.memory_space<vmem>>, vector<16xf32>,
      tpu.vector_store %arg4[%swap3A_192, %swap3A_193, %swap3A_194, %swap3A_195], %broadcast_in_dim3A_15 {strides = array<i32>} : memref<2x4x50x256xf32, #tpu.memory_space<vmem>>, vector<16xf32>,
      %swap3A_197 = arith.constant 1 : i32
      %swap3A_198 = arith.constant 3 : i32
      %swap3A_199 = arith.index_cast %swap3A_197 : i32 to index
      %swap3A_200 = arith.index_cast %swap3A_198 : i32 to index
      %swap3A_201 = arith.index_cast %scan3A_105 : i32 to index
      %swap3A_202 = arith.constant 208 : index
      %swap3A_203 = tpu.vector_load %arg4[%swap3A_199, %swap3A_200, %swap3A_201, %swap3A_202] {strides = array<i32>} : memref<2x4x50x256xf32, #tpu.memory_space<vmem>>, vector<16xf32>,
      tpu.vector_store %arg4[%swap3A_199, %swap3A_200, %swap3A_201, %swap3A_202], %broadcast_in_dim3A_15 {strides = array<i32>} : memref<2x4x50x256xf32, #tpu.memory_space<vmem>>, vector<16xf32>,
      %swap3A_204 = arith.constant 1 : i32
      %swap3A_205 = arith.constant 3 : i32
      %swap3A_206 = arith.index_cast %swap3A_204 : i32 to index
      %swap3A_207 = arith.index_cast %swap3A_205 : i32 to index
      %swap3A_208 = arith.index_cast %scan3A_105 : i32 to index
      %swap3A_209 = arith.constant 224 : index
      %swap3A_210 = tpu.vector_load %arg4[%swap3A_206, %swap3A_207, %swap3A_208, %swap3A_209] {strides = array<i32>} : memref<2x4x50x256xf32, #tpu.memory_space<vmem>>, vector<16xf32>,
      tpu.vector_store %arg4[%swap3A_206, %swap3A_207, %swap3A_208, %swap3A_209], %broadcast_in_dim3A_15 {strides = array<i32>} : memref<2x4x50x256xf32, #tpu.memory_space<vmem>>, vector<16xf32>,
      %swap3A_211 = arith.constant 1 : i32
      %swap3A_212 = arith.constant 3 : i32
      %swap3A_213 = arith.index_cast %swap3A_211 : i32 to index
      %swap3A_214 = arith.index_cast %swap3A_212 : i32 to index
      %swap3A_215 = arith.index_cast %scan3A_105 : i32 to index
      %swap3A_216 = arith.constant 240 : index
      %swap3A_217 = tpu.vector_load %arg4[%swap3A_213, %swap3A_214, %swap3A_215, %swap3A_216] {strides = array<i32>} : memref<2x4x50x256xf32, #tpu.memory_space<vmem>>, vector<16xf32>,
      tpu.vector_store %arg4[%swap3A_213, %swap3A_214, %swap3A_215, %swap3A_216], %broadcast_in_dim3A_15 {strides = array<i32>} : memref<2x4x50x256xf32, #tpu.memory_space<vmem>>, vector<16xf32>,
    }
    %scan3A_56 = arith.constant 50 : i32
    %scan3A_57 = arith.constant 0 : i32
    %scan3A_58 = arith.constant 16 : i32
    %scan3A_59 = arith.addi %scan3A_57, %scan3A_58 : i32
    %scan3A_60 = arith.constant 1 : i32
    scf.for %scan3A_105 = %scan3A_57 to %scan3A_59 step %scan3A_60  : i32 {
      %mul3A_106 = arith.constant 2 : i32
      %mul3A_107 = arith.muli %scan3A_105, %mul3A_106 : i32
      %ge3A = arith.constant 2 : i32
      %ge3A_108 = arith.cmpi sge, %mul3A_107, %ge3A : i32
      %convert_element_type3A = arith.extui %ge3A_108 : i1 to i32
      %cond3A = arith.constant 0 : i32
      %cond3A_109 = arith.cmpi ne, %convert_element_type3A, %cond3A : i32
      scf.if %cond3A_109 {
        %sub3A = arith.constant 2 : i32
        %sub3A_602 = arith.subi %mul3A_107, %sub3A : i32
        %mul3A_603 = arith.constant 4 : i32
        %mul3A_604 = arith.muli %sub3A_602, %mul3A_603 : i32
        %add3A_605 = arith.addi %mul3A_2, %mul3A_604 : i32
        %dma_wait3A_606 = arith.constant 0 : i32
        %dma_wait3A_607 = arith.constant 0 : i32
        %dma_wait3A_608 = arith.constant 0 : i32
        %dma_wait3A_609 = arith.constant 0 : i32
        %dma_wait3A_610 = arith.constant 0 : i32
        %dma_wait3A_611 = tpu.memref_slice %arg4[%dma_wait3A_606, %dma_wait3A_608, %dma_wait3A_609, %dma_wait3A_610] : memref<2x4x50x256xf32, #tpu.memory_space<vmem>> -> memref<1x4x50x256xf32, #tpu.memory_space<vmem>>
        %dma_wait3A_612 = tpu.memref_squeeze %dma_wait3A_611 : memref<1x4x50x256xf32, #tpu.memory_space<vmem>> -> memref<4x50x256xf32, #tpu.memory_space<vmem>>
        %dma_wait3A_613 = arith.constant 0 : i32
        %dma_wait3A_614 = arith.constant 0 : i32
        %dma_wait3A_615 = tpu.memref_slice %arg3[%add3A_605, %dma_wait3A_613, %dma_wait3A_614] : memref<4096x50x256xf32, #tpu.memory_space<hbm>> -> memref<4x50x256xf32, #tpu.memory_space<hbm>>
        %dma_wait3A_616 = tpu.memref_slice %arg6[%dma_wait3A_607] : memref<2x!tpu.dma_semaphore, #tpu.memory_space<semaphore_mem>> -> memref<1x!tpu.dma_semaphore, #tpu.memory_space<semaphore_mem>>
        %dma_wait3A_617 = tpu.memref_squeeze %dma_wait3A_616 : memref<1x!tpu.dma_semaphore, #tpu.memory_space<semaphore_mem>> -> memref<!tpu.dma_semaphore, #tpu.memory_space<semaphore_mem>>
        %dma_wait3A_618 = arith.constant 0 : i32
        %dma_wait3A_619 = arith.constant 0 : i32
        %dma_wait3A_620 = tpu.memref_slice %arg3[%add3A_605, %dma_wait3A_618, %dma_wait3A_619] : memref<4096x50x256xf32, #tpu.memory_space<hbm>> -> memref<4x50x256xf32, #tpu.memory_space<hbm>>
        %dma_wait3A_621 = arith.constant 0 : i32
        %dma_wait3A_622 = arith.constant 0 : i32
        %dma_wait3A_623 = arith.constant 0 : i32
        %dma_wait3A_624 = tpu.memref_slice %arg4[%dma_wait3A_606, %dma_wait3A_621, %dma_wait3A_622, %dma_wait3A_623] : memref<2x4x50x256xf32, #tpu.memory_space<vmem>> -> memref<1x4x50x256xf32, #tpu.memory_space<vmem>>
        %dma_wait3A_625 = tpu.memref_squeeze %dma_wait3A_624 : memref<1x4x50x256xf32, #tpu.memory_space<vmem>> -> memref<4x50x256xf32, #tpu.memory_space<vmem>>
        tpu.wait_dma2 semaphore(%dma_wait3A_617 : memref<!tpu.dma_semaphore, #tpu.memory_space<semaphore_mem>>) src(%dma_wait3A_625 : memref<4x50x256xf32, #tpu.memory_space<vmem>>) dst(%dma_wait3A_620 : memref<4x50x256xf32, #tpu.memory_space<hbm>>)
        %sub3A_626 = arith.constant 2 : i32
        %sub3A_627 = arith.subi %mul3A_107, %sub3A_626 : i32
        %add3A_628 = arith.constant 0 : i32
        %add3A_629 = vector.broadcast %add3A_628 : i32 to vector<16xi32>
        %add3A_630 = arith.addi %iota3A, %add3A_629 : vector<16xi32>
        %div3A_631 = arith.divsi %add3A_630, %broadcast_in_dim3A_11 : vector<16xi32>
        %rem3A_632 = arith.remsi %add3A_630, %broadcast_in_dim3A_11 : vector<16xi32>
        %mul3A_633 = arith.constant 200 : i32
        %mul3A_634 = arith.muli %sub3A_627, %mul3A_633 : i32
        %add3A_635 = arith.constant 0 : i32
        %add3A_636 = arith.addi %mul3A_634, %add3A_635 : i32
        %get3A_637 = arith.index_cast %add3A_636 : i32 to index
        %get3A_638 = tpu.vector_load %arg5[%get3A_637] {strides = array<i32>} : memref<6416xi32, #tpu.memory_space<vmem>>, vector<16xi32>,
        %scatter3A_639 = arith.constant 0 : i32
        %scatter3A_640 = arith.constant 0 : i32
        %scatter3A_641 = arith.constant 0 : i32
        %scatter3A_642 = arith.constant 0 : i32
        %scatter3A_643 = tpu.memref_slice %arg4[%scatter3A_639, %scatter3A_640, %scatter3A_641, %scatter3A_642] : memref<2x4x50x256xf32, #tpu.memory_space<vmem>> -> memref<1x4x50x256xf32, #tpu.memory_space<vmem>>
        %scatter3A_644 = tpu.memref_squeeze %scatter3A_643 : memref<1x4x50x256xf32, #tpu.memory_space<vmem>> -> memref<4x50x256xf32, #tpu.memory_space<vmem>>
        tpu.vector_store_idx %scatter3A_644[%div3A_631, %rem3A_632, %get3A_638], %broadcast_in_dim3A_15 : memref<4x50x256xf32, #tpu.memory_space<vmem>>[vector<16xi32>, vector<16xi32>, vector<16xi32>], vector<16xf32>,
        %add3A_645 = arith.constant 16 : i32
        %add3A_646 = vector.broadcast %add3A_645 : i32 to vector<16xi32>
        %add3A_647 = arith.addi %iota3A, %add3A_646 : vector<16xi32>
        %div3A_648 = arith.divsi %add3A_647, %broadcast_in_dim3A_11 : vector<16xi32>
        %rem3A_649 = arith.remsi %add3A_647, %broadcast_in_dim3A_11 : vector<16xi32>
        %mul3A_650 = arith.constant 200 : i32
        %mul3A_651 = arith.muli %sub3A_627, %mul3A_650 : i32
        %add3A_652 = arith.constant 16 : i32
        %add3A_653 = arith.addi %mul3A_651, %add3A_652 : i32
        %get3A_654 = arith.index_cast %add3A_653 : i32 to index
        %get3A_655 = tpu.vector_load %arg5[%get3A_654] {strides = array<i32>} : memref<6416xi32, #tpu.memory_space<vmem>>, vector<16xi32>,
        %scatter3A_656 = arith.constant 0 : i32
        %scatter3A_657 = arith.constant 0 : i32
        %scatter3A_658 = arith.constant 0 : i32
        %scatter3A_659 = arith.constant 0 : i32
        %scatter3A_660 = tpu.memref_slice %arg4[%scatter3A_656, %scatter3A_657, %scatter3A_658, %scatter3A_659] : memref<2x4x50x256xf32, #tpu.memory_space<vmem>> -> memref<1x4x50x256xf32, #tpu.memory_space<vmem>>
        %scatter3A_661 = tpu.memref_squeeze %scatter3A_660 : memref<1x4x50x256xf32, #tpu.memory_space<vmem>> -> memref<4x50x256xf32, #tpu.memory_space<vmem>>
        tpu.vector_store_idx %scatter3A_661[%div3A_648, %rem3A_649, %get3A_655], %broadcast_in_dim3A_15 : memref<4x50x256xf32, #tpu.memory_space<vmem>>[vector<16xi32>, vector<16xi32>, vector<16xi32>], vector<16xf32>,
        %add3A_662 = arith.constant 32 : i32
        %add3A_663 = vector.broadcast %add3A_662 : i32 to vector<16xi32>
        %add3A_664 = arith.addi %iota3A, %add3A_663 : vector<16xi32>
        %div3A_665 = arith.divsi %add3A_664, %broadcast_in_dim3A_11 : vector<16xi32>
        %rem3A_666 = arith.remsi %add3A_664, %broadcast_in_dim3A_11 : vector<16xi32>
        %mul3A_667 = arith.constant 200 : i32
        %mul3A_668 = arith.muli %sub3A_627, %mul3A_667 : i32
        %add3A_669 = arith.constant 32 : i32
        %add3A_670 = arith.addi %mul3A_668, %add3A_669 : i32
        %get3A_671 = arith.index_cast %add3A_670 : i32 to index
        %get3A_672 = tpu.vector_load %arg5[%get3A_671] {strides = array<i32>} : memref<6416xi32, #tpu.memory_space<vmem>>, vector<16xi32>,
        %scatter3A_673 = arith.constant 0 : i32
        %scatter3A_674 = arith.constant 0 : i32
        %scatter3A_675 = arith.constant 0 : i32
        %scatter3A_676 = arith.constant 0 : i32
        %scatter3A_677 = tpu.memref_slice %arg4[%scatter3A_673, %scatter3A_674, %scatter3A_675, %scatter3A_676] : memref<2x4x50x256xf32, #tpu.memory_space<vmem>> -> memref<1x4x50x256xf32, #tpu.memory_space<vmem>>
        %scatter3A_678 = tpu.memref_squeeze %scatter3A_677 : memref<1x4x50x256xf32, #tpu.memory_space<vmem>> -> memref<4x50x256xf32, #tpu.memory_space<vmem>>
        tpu.vector_store_idx %scatter3A_678[%div3A_665, %rem3A_666, %get3A_672], %broadcast_in_dim3A_15 : memref<4x50x256xf32, #tpu.memory_space<vmem>>[vector<16xi32>, vector<16xi32>, vector<16xi32>], vector<16xf32>,
        %add3A_679 = arith.constant 48 : i32
        %add3A_680 = vector.broadcast %add3A_679 : i32 to vector<16xi32>
        %add3A_681 = arith.addi %iota3A, %add3A_680 : vector<16xi32>
        %div3A_682 = arith.divsi %add3A_681, %broadcast_in_dim3A_11 : vector<16xi32>
        %rem3A_683 = arith.remsi %add3A_681, %broadcast_in_dim3A_11 : vector<16xi32>
        %mul3A_684 = arith.constant 200 : i32
        %mul3A_685 = arith.muli %sub3A_627, %mul3A_684 : i32
        %add3A_686 = arith.constant 48 : i32
        %add3A_687 = arith.addi %mul3A_685, %add3A_686 : i32
        %get3A_688 = arith.index_cast %add3A_687 : i32 to index
        %get3A_689 = tpu.vector_load %arg5[%get3A_688] {strides = array<i32>} : memref<6416xi32, #tpu.memory_space<vmem>>, vector<16xi32>,
        %scatter3A_690 = arith.constant 0 : i32
        %scatter3A_691 = arith.constant 0 : i32
        %scatter3A_692 = arith.constant 0 : i32
        %scatter3A_693 = arith.constant 0 : i32
        %scatter3A_694 = tpu.memref_slice %arg4[%scatter3A_690, %scatter3A_691, %scatter3A_692, %scatter3A_693] : memref<2x4x50x256xf32, #tpu.memory_space<vmem>> -> memref<1x4x50x256xf32, #tpu.memory_space<vmem>>
        %scatter3A_695 = tpu.memref_squeeze %scatter3A_694 : memref<1x4x50x256xf32, #tpu.memory_space<vmem>> -> memref<4x50x256xf32, #tpu.memory_space<vmem>>
        tpu.vector_store_idx %scatter3A_695[%div3A_682, %rem3A_683, %get3A_689], %broadcast_in_dim3A_15 : memref<4x50x256xf32, #tpu.memory_space<vmem>>[vector<16xi32>, vector<16xi32>, vector<16xi32>], vector<16xf32>,
        %add3A_696 = arith.constant 64 : i32
        %add3A_697 = vector.broadcast %add3A_696 : i32 to vector<16xi32>
        %add3A_698 = arith.addi %iota3A, %add3A_697 : vector<16xi32>
        %div3A_699 = arith.divsi %add3A_698, %broadcast_in_dim3A_11 : vector<16xi32>
        %rem3A_700 = arith.remsi %add3A_698, %broadcast_in_dim3A_11 : vector<16xi32>
        %mul3A_701 = arith.constant 200 : i32
        %mul3A_702 = arith.muli %sub3A_627, %mul3A_701 : i32
        %add3A_703 = arith.constant 64 : i32
        %add3A_704 = arith.addi %mul3A_702, %add3A_703 : i32
        %get3A_705 = arith.index_cast %add3A_704 : i32 to index
        %get3A_706 = tpu.vector_load %arg5[%get3A_705] {strides = array<i32>} : memref<6416xi32, #tpu.memory_space<vmem>>, vector<16xi32>,
        %scatter3A_707 = arith.constant 0 : i32
        %scatter3A_708 = arith.constant 0 : i32
        %scatter3A_709 = arith.constant 0 : i32
        %scatter3A_710 = arith.constant 0 : i32
        %scatter3A_711 = tpu.memref_slice %arg4[%scatter3A_707, %scatter3A_708, %scatter3A_709, %scatter3A_710] : memref<2x4x50x256xf32, #tpu.memory_space<vmem>> -> memref<1x4x50x256xf32, #tpu.memory_space<vmem>>
        %scatter3A_712 = tpu.memref_squeeze %scatter3A_711 : memref<1x4x50x256xf32, #tpu.memory_space<vmem>> -> memref<4x50x256xf32, #tpu.memory_space<vmem>>
        tpu.vector_store_idx %scatter3A_712[%div3A_699, %rem3A_700, %get3A_706], %broadcast_in_dim3A_15 : memref<4x50x256xf32, #tpu.memory_space<vmem>>[vector<16xi32>, vector<16xi32>, vector<16xi32>], vector<16xf32>,
        %add3A_713 = arith.constant 80 : i32
        %add3A_714 = vector.broadcast %add3A_713 : i32 to vector<16xi32>
        %add3A_715 = arith.addi %iota3A, %add3A_714 : vector<16xi32>
        %div3A_716 = arith.divsi %add3A_715, %broadcast_in_dim3A_11 : vector<16xi32>
        %rem3A_717 = arith.remsi %add3A_715, %broadcast_in_dim3A_11 : vector<16xi32>
        %mul3A_718 = arith.constant 200 : i32
        %mul3A_719 = arith.muli %sub3A_627, %mul3A_718 : i32
        %add3A_720 = arith.constant 80 : i32
        %add3A_721 = arith.addi %mul3A_719, %add3A_720 : i32
        %get3A_722 = arith.index_cast %add3A_721 : i32 to index
        %get3A_723 = tpu.vector_load %arg5[%get3A_722] {strides = array<i32>} : memref<6416xi32, #tpu.memory_space<vmem>>, vector<16xi32>,
        %scatter3A_724 = arith.constant 0 : i32
        %scatter3A_725 = arith.constant 0 : i32
        %scatter3A_726 = arith.constant 0 : i32
        %scatter3A_727 = arith.constant 0 : i32
        %scatter3A_728 = tpu.memref_slice %arg4[%scatter3A_724, %scatter3A_725, %scatter3A_726, %scatter3A_727] : memref<2x4x50x256xf32, #tpu.memory_space<vmem>> -> memref<1x4x50x256xf32, #tpu.memory_space<vmem>>
        %scatter3A_729 = tpu.memref_squeeze %scatter3A_728 : memref<1x4x50x256xf32, #tpu.memory_space<vmem>> -> memref<4x50x256xf32, #tpu.memory_space<vmem>>
        tpu.vector_store_idx %scatter3A_729[%div3A_716, %rem3A_717, %get3A_723], %broadcast_in_dim3A_15 : memref<4x50x256xf32, #tpu.memory_space<vmem>>[vector<16xi32>, vector<16xi32>, vector<16xi32>], vector<16xf32>,
        %add3A_730 = arith.constant 96 : i32
        %add3A_731 = vector.broadcast %add3A_730 : i32 to vector<16xi32>
        %add3A_732 = arith.addi %iota3A, %add3A_731 : vector<16xi32>
        %div3A_733 = arith.divsi %add3A_732, %broadcast_in_dim3A_11 : vector<16xi32>
        %rem3A_734 = arith.remsi %add3A_732, %broadcast_in_dim3A_11 : vector<16xi32>
        %mul3A_735 = arith.constant 200 : i32
        %mul3A_736 = arith.muli %sub3A_627, %mul3A_735 : i32
        %add3A_737 = arith.constant 96 : i32
        %add3A_738 = arith.addi %mul3A_736, %add3A_737 : i32
        %get3A_739 = arith.index_cast %add3A_738 : i32 to index
        %get3A_740 = tpu.vector_load %arg5[%get3A_739] {strides = array<i32>} : memref<6416xi32, #tpu.memory_space<vmem>>, vector<16xi32>,
        %scatter3A_741 = arith.constant 0 : i32
        %scatter3A_742 = arith.constant 0 : i32
        %scatter3A_743 = arith.constant 0 : i32
        %scatter3A_744 = arith.constant 0 : i32
        %scatter3A_745 = tpu.memref_slice %arg4[%scatter3A_741, %scatter3A_742, %scatter3A_743, %scatter3A_744] : memref<2x4x50x256xf32, #tpu.memory_space<vmem>> -> memref<1x4x50x256xf32, #tpu.memory_space<vmem>>
        %scatter3A_746 = tpu.memref_squeeze %scatter3A_745 : memref<1x4x50x256xf32, #tpu.memory_space<vmem>> -> memref<4x50x256xf32, #tpu.memory_space<vmem>>
        tpu.vector_store_idx %scatter3A_746[%div3A_733, %rem3A_734, %get3A_740], %broadcast_in_dim3A_15 : memref<4x50x256xf32, #tpu.memory_space<vmem>>[vector<16xi32>, vector<16xi32>, vector<16xi32>], vector<16xf32>,
        %add3A_747 = arith.constant 112 : i32
        %add3A_748 = vector.broadcast %add3A_747 : i32 to vector<16xi32>
        %add3A_749 = arith.addi %iota3A, %add3A_748 : vector<16xi32>
        %div3A_750 = arith.divsi %add3A_749, %broadcast_in_dim3A_11 : vector<16xi32>
        %rem3A_751 = arith.remsi %add3A_749, %broadcast_in_dim3A_11 : vector<16xi32>
        %mul3A_752 = arith.constant 200 : i32
        %mul3A_753 = arith.muli %sub3A_627, %mul3A_752 : i32
        %add3A_754 = arith.constant 112 : i32
        %add3A_755 = arith.addi %mul3A_753, %add3A_754 : i32
        %get3A_756 = arith.index_cast %add3A_755 : i32 to index
        %get3A_757 = tpu.vector_load %arg5[%get3A_756] {strides = array<i32>} : memref<6416xi32, #tpu.memory_space<vmem>>, vector<16xi32>,
        %scatter3A_758 = arith.constant 0 : i32
        %scatter3A_759 = arith.constant 0 : i32
        %scatter3A_760 = arith.constant 0 : i32
        %scatter3A_761 = arith.constant 0 : i32
        %scatter3A_762 = tpu.memref_slice %arg4[%scatter3A_758, %scatter3A_759, %scatter3A_760, %scatter3A_761] : memref<2x4x50x256xf32, #tpu.memory_space<vmem>> -> memref<1x4x50x256xf32, #tpu.memory_space<vmem>>
        %scatter3A_763 = tpu.memref_squeeze %scatter3A_762 : memref<1x4x50x256xf32, #tpu.memory_space<vmem>> -> memref<4x50x256xf32, #tpu.memory_space<vmem>>
        tpu.vector_store_idx %scatter3A_763[%div3A_750, %rem3A_751, %get3A_757], %broadcast_in_dim3A_15 : memref<4x50x256xf32, #tpu.memory_space<vmem>>[vector<16xi32>, vector<16xi32>, vector<16xi32>], vector<16xf32>,
        %add3A_764 = arith.constant 128 : i32
        %add3A_765 = vector.broadcast %add3A_764 : i32 to vector<16xi32>
        %add3A_766 = arith.addi %iota3A, %add3A_765 : vector<16xi32>
        %div3A_767 = arith.divsi %add3A_766, %broadcast_in_dim3A_11 : vector<16xi32>
        %rem3A_768 = arith.remsi %add3A_766, %broadcast_in_dim3A_11 : vector<16xi32>
        %mul3A_769 = arith.constant 200 : i32
        %mul3A_770 = arith.muli %sub3A_627, %mul3A_769 : i32
        %add3A_771 = arith.constant 128 : i32
        %add3A_772 = arith.addi %mul3A_770, %add3A_771 : i32
        %get3A_773 = arith.index_cast %add3A_772 : i32 to index
        %get3A_774 = tpu.vector_load %arg5[%get3A_773] {strides = array<i32>} : memref<6416xi32, #tpu.memory_space<vmem>>, vector<16xi32>,
        %scatter3A_775 = arith.constant 0 : i32
        %scatter3A_776 = arith.constant 0 : i32
        %scatter3A_777 = arith.constant 0 : i32
        %scatter3A_778 = arith.constant 0 : i32
        %scatter3A_779 = tpu.memref_slice %arg4[%scatter3A_775, %scatter3A_776, %scatter3A_777, %scatter3A_778] : memref<2x4x50x256xf32, #tpu.memory_space<vmem>> -> memref<1x4x50x256xf32, #tpu.memory_space<vmem>>
        %scatter3A_780 = tpu.memref_squeeze %scatter3A_779 : memref<1x4x50x256xf32, #tpu.memory_space<vmem>> -> memref<4x50x256xf32, #tpu.memory_space<vmem>>
        tpu.vector_store_idx %scatter3A_780[%div3A_767, %rem3A_768, %get3A_774], %broadcast_in_dim3A_15 : memref<4x50x256xf32, #tpu.memory_space<vmem>>[vector<16xi32>, vector<16xi32>, vector<16xi32>], vector<16xf32>,
        %add3A_781 = arith.constant 144 : i32
        %add3A_782 = vector.broadcast %add3A_781 : i32 to vector<16xi32>
        %add3A_783 = arith.addi %iota3A, %add3A_782 : vector<16xi32>
        %div3A_784 = arith.divsi %add3A_783, %broadcast_in_dim3A_11 : vector<16xi32>
        %rem3A_785 = arith.remsi %add3A_783, %broadcast_in_dim3A_11 : vector<16xi32>
        %mul3A_786 = arith.constant 200 : i32
        %mul3A_787 = arith.muli %sub3A_627, %mul3A_786 : i32
        %add3A_788 = arith.constant 144 : i32
        %add3A_789 = arith.addi %mul3A_787, %add3A_788 : i32
        %get3A_790 = arith.index_cast %add3A_789 : i32 to index
        %get3A_791 = tpu.vector_load %arg5[%get3A_790] {strides = array<i32>} : memref<6416xi32, #tpu.memory_space<vmem>>, vector<16xi32>,
        %scatter3A_792 = arith.constant 0 : i32
        %scatter3A_793 = arith.constant 0 : i32
        %scatter3A_794 = arith.constant 0 : i32
        %scatter3A_795 = arith.constant 0 : i32
        %scatter3A_796 = tpu.memref_slice %arg4[%scatter3A_792, %scatter3A_793, %scatter3A_794, %scatter3A_795] : memref<2x4x50x256xf32, #tpu.memory_space<vmem>> -> memref<1x4x50x256xf32, #tpu.memory_space<vmem>>
        %scatter3A_797 = tpu.memref_squeeze %scatter3A_796 : memref<1x4x50x256xf32, #tpu.memory_space<vmem>> -> memref<4x50x256xf32, #tpu.memory_space<vmem>>
        tpu.vector_store_idx %scatter3A_797[%div3A_784, %rem3A_785, %get3A_791], %broadcast_in_dim3A_15 : memref<4x50x256xf32, #tpu.memory_space<vmem>>[vector<16xi32>, vector<16xi32>, vector<16xi32>], vector<16xf32>,
        %add3A_798 = arith.constant 160 : i32
        %add3A_799 = vector.broadcast %add3A_798 : i32 to vector<16xi32>
        %add3A_800 = arith.addi %iota3A, %add3A_799 : vector<16xi32>
        %div3A_801 = arith.divsi %add3A_800, %broadcast_in_dim3A_11 : vector<16xi32>
        %rem3A_802 = arith.remsi %add3A_800, %broadcast_in_dim3A_11 : vector<16xi32>
        %mul3A_803 = arith.constant 200 : i32
        %mul3A_804 = arith.muli %sub3A_627, %mul3A_803 : i32
        %add3A_805 = arith.constant 160 : i32
        %add3A_806 = arith.addi %mul3A_804, %add3A_805 : i32
        %get3A_807 = arith.index_cast %add3A_806 : i32 to index
        %get3A_808 = tpu.vector_load %arg5[%get3A_807] {strides = array<i32>} : memref<6416xi32, #tpu.memory_space<vmem>>, vector<16xi32>,
        %scatter3A_809 = arith.constant 0 : i32
        %scatter3A_810 = arith.constant 0 : i32
        %scatter3A_811 = arith.constant 0 : i32
        %scatter3A_812 = arith.constant 0 : i32
        %scatter3A_813 = tpu.memref_slice %arg4[%scatter3A_809, %scatter3A_810, %scatter3A_811, %scatter3A_812] : memref<2x4x50x256xf32, #tpu.memory_space<vmem>> -> memref<1x4x50x256xf32, #tpu.memory_space<vmem>>
        %scatter3A_814 = tpu.memref_squeeze %scatter3A_813 : memref<1x4x50x256xf32, #tpu.memory_space<vmem>> -> memref<4x50x256xf32, #tpu.memory_space<vmem>>
        tpu.vector_store_idx %scatter3A_814[%div3A_801, %rem3A_802, %get3A_808], %broadcast_in_dim3A_15 : memref<4x50x256xf32, #tpu.memory_space<vmem>>[vector<16xi32>, vector<16xi32>, vector<16xi32>], vector<16xf32>,
        %add3A_815 = arith.constant 176 : i32
        %add3A_816 = vector.broadcast %add3A_815 : i32 to vector<16xi32>
        %add3A_817 = arith.addi %iota3A, %add3A_816 : vector<16xi32>
        %div3A_818 = arith.divsi %add3A_817, %broadcast_in_dim3A_11 : vector<16xi32>
        %rem3A_819 = arith.remsi %add3A_817, %broadcast_in_dim3A_11 : vector<16xi32>
        %mul3A_820 = arith.constant 200 : i32
        %mul3A_821 = arith.muli %sub3A_627, %mul3A_820 : i32
        %add3A_822 = arith.constant 176 : i32
        %add3A_823 = arith.addi %mul3A_821, %add3A_822 : i32
        %get3A_824 = arith.index_cast %add3A_823 : i32 to index
        %get3A_825 = tpu.vector_load %arg5[%get3A_824] {strides = array<i32>} : memref<6416xi32, #tpu.memory_space<vmem>>, vector<16xi32>,
        %scatter3A_826 = arith.constant 0 : i32
        %scatter3A_827 = arith.constant 0 : i32
        %scatter3A_828 = arith.constant 0 : i32
        %scatter3A_829 = arith.constant 0 : i32
        %scatter3A_830 = tpu.memref_slice %arg4[%scatter3A_826, %scatter3A_827, %scatter3A_828, %scatter3A_829] : memref<2x4x50x256xf32, #tpu.memory_space<vmem>> -> memref<1x4x50x256xf32, #tpu.memory_space<vmem>>
        %scatter3A_831 = tpu.memref_squeeze %scatter3A_830 : memref<1x4x50x256xf32, #tpu.memory_space<vmem>> -> memref<4x50x256xf32, #tpu.memory_space<vmem>>
        tpu.vector_store_idx %scatter3A_831[%div3A_818, %rem3A_819, %get3A_825], %broadcast_in_dim3A_15 : memref<4x50x256xf32, #tpu.memory_space<vmem>>[vector<16xi32>, vector<16xi32>, vector<16xi32>], vector<16xf32>,
        %add3A_832 = arith.constant 192 : i32
        %add3A_833 = vector.broadcast %add3A_832 : i32 to vector<16xi32>
        %add3A_834 = arith.addi %iota3A, %add3A_833 : vector<16xi32>
        %div3A_835 = arith.divsi %add3A_834, %broadcast_in_dim3A_11 : vector<16xi32>
        %rem3A_836 = arith.remsi %add3A_834, %broadcast_in_dim3A_11 : vector<16xi32>
        %mul3A_837 = arith.constant 200 : i32
        %mul3A_838 = arith.muli %sub3A_627, %mul3A_837 : i32
        %add3A_839 = arith.constant 192 : i32
        %add3A_840 = arith.addi %mul3A_838, %add3A_839 : i32
        %get3A_841 = arith.index_cast %add3A_840 : i32 to index
        %get3A_842 = tpu.vector_load %arg5[%get3A_841] {strides = array<i32>} : memref<6416xi32, #tpu.memory_space<vmem>>, vector<16xi32>,
        %scatter3A_843 = arith.constant 0 : i32
        %scatter3A_844 = arith.constant 0 : i32
        %scatter3A_845 = arith.constant 0 : i32
        %scatter3A_846 = arith.constant 0 : i32
        %scatter3A_847 = tpu.memref_slice %arg4[%scatter3A_843, %scatter3A_844, %scatter3A_845, %scatter3A_846] : memref<2x4x50x256xf32, #tpu.memory_space<vmem>> -> memref<1x4x50x256xf32, #tpu.memory_space<vmem>>
        %scatter3A_848 = tpu.memref_squeeze %scatter3A_847 : memref<1x4x50x256xf32, #tpu.memory_space<vmem>> -> memref<4x50x256xf32, #tpu.memory_space<vmem>>
        tpu.vector_store_idx %scatter3A_848[%div3A_835, %rem3A_836, %get3A_842], %broadcast_in_dim3A_15 masked %lt3A : memref<4x50x256xf32, #tpu.memory_space<vmem>>[vector<16xi32>, vector<16xi32>, vector<16xi32>], vector<16xf32>, vector<16xi1>
      } else {
      }
      %add3A_110 = arith.constant 0 : i32
      %add3A_111 = vector.broadcast %add3A_110 : i32 to vector<16xi32>
      %add3A_112 = arith.addi %iota3A, %add3A_111 : vector<16xi32>
      %div3A = arith.divsi %add3A_112, %broadcast_in_dim3A_11 : vector<16xi32>
      %rem3A = arith.remsi %add3A_112, %broadcast_in_dim3A_11 : vector<16xi32>
      %mul3A_113 = arith.constant 200 : i32
      %mul3A_114 = arith.muli %mul3A_107, %mul3A_113 : i32
      %add3A_115 = arith.constant 0 : i32
      %add3A_116 = arith.addi %mul3A_114, %add3A_115 : i32
      %get3A = arith.index_cast %add3A_116 : i32 to index
      %get3A_117 = tpu.vector_load %arg5[%get3A] {strides = array<i32>} : memref<6416xi32, #tpu.memory_space<vmem>>, vector<16xi32>,
      %scatter3A = arith.constant 0 : i32
      %scatter3A_118 = arith.constant 0 : i32
      %scatter3A_119 = arith.constant 0 : i32
      %scatter3A_120 = arith.constant 0 : i32
      %scatter3A_121 = tpu.memref_slice %arg4[%scatter3A, %scatter3A_118, %scatter3A_119, %scatter3A_120] : memref<2x4x50x256xf32, #tpu.memory_space<vmem>> -> memref<1x4x50x256xf32, #tpu.memory_space<vmem>>
      %scatter3A_122 = tpu.memref_squeeze %scatter3A_121 : memref<1x4x50x256xf32, #tpu.memory_space<vmem>> -> memref<4x50x256xf32, #tpu.memory_space<vmem>>
      tpu.vector_store_idx %scatter3A_122[%div3A, %rem3A, %get3A_117], %broadcast_in_dim3A_13 : memref<4x50x256xf32, #tpu.memory_space<vmem>>[vector<16xi32>, vector<16xi32>, vector<16xi32>], vector<16xf32>,
      %add3A_123 = arith.constant 16 : i32
      %add3A_124 = vector.broadcast %add3A_123 : i32 to vector<16xi32>
      %add3A_125 = arith.addi %iota3A, %add3A_124 : vector<16xi32>
      %div3A_126 = arith.divsi %add3A_125, %broadcast_in_dim3A_11 : vector<16xi32>
      %rem3A_127 = arith.remsi %add3A_125, %broadcast_in_dim3A_11 : vector<16xi32>
      %mul3A_128 = arith.constant 200 : i32
      %mul3A_129 = arith.muli %mul3A_107, %mul3A_128 : i32
      %add3A_130 = arith.constant 16 : i32
      %add3A_131 = arith.addi %mul3A_129, %add3A_130 : i32
      %get3A_132 = arith.index_cast %add3A_131 : i32 to index
      %get3A_133 = tpu.vector_load %arg5[%get3A_132] {strides = array<i32>} : memref<6416xi32, #tpu.memory_space<vmem>>, vector<16xi32>,
      %scatter3A_134 = arith.constant 0 : i32
      %scatter3A_135 = arith.constant 0 : i32
      %scatter3A_136 = arith.constant 0 : i32
      %scatter3A_137 = arith.constant 0 : i32
      %scatter3A_138 = tpu.memref_slice %arg4[%scatter3A_134, %scatter3A_135, %scatter3A_136, %scatter3A_137] : memref<2x4x50x256xf32, #tpu.memory_space<vmem>> -> memref<1x4x50x256xf32, #tpu.memory_space<vmem>>
      %scatter3A_139 = tpu.memref_squeeze %scatter3A_138 : memref<1x4x50x256xf32, #tpu.memory_space<vmem>> -> memref<4x50x256xf32, #tpu.memory_space<vmem>>
      tpu.vector_store_idx %scatter3A_139[%div3A_126, %rem3A_127, %get3A_133], %broadcast_in_dim3A_13 : memref<4x50x256xf32, #tpu.memory_space<vmem>>[vector<16xi32>, vector<16xi32>, vector<16xi32>], vector<16xf32>,
      %add3A_140 = arith.constant 32 : i32
      %add3A_141 = vector.broadcast %add3A_140 : i32 to vector<16xi32>
      %add3A_142 = arith.addi %iota3A, %add3A_141 : vector<16xi32>
      %div3A_143 = arith.divsi %add3A_142, %broadcast_in_dim3A_11 : vector<16xi32>
      %rem3A_144 = arith.remsi %add3A_142, %broadcast_in_dim3A_11 : vector<16xi32>
      %mul3A_145 = arith.constant 200 : i32
      %mul3A_146 = arith.muli %mul3A_107, %mul3A_145 : i32
      %add3A_147 = arith.constant 32 : i32
      %add3A_148 = arith.addi %mul3A_146, %add3A_147 : i32
      %get3A_149 = arith.index_cast %add3A_148 : i32 to index
      %get3A_150 = tpu.vector_load %arg5[%get3A_149] {strides = array<i32>} : memref<6416xi32, #tpu.memory_space<vmem>>, vector<16xi32>,
      %scatter3A_151 = arith.constant 0 : i32
      %scatter3A_152 = arith.constant 0 : i32
      %scatter3A_153 = arith.constant 0 : i32
      %scatter3A_154 = arith.constant 0 : i32
      %scatter3A_155 = tpu.memref_slice %arg4[%scatter3A_151, %scatter3A_152, %scatter3A_153, %scatter3A_154] : memref<2x4x50x256xf32, #tpu.memory_space<vmem>> -> memref<1x4x50x256xf32, #tpu.memory_space<vmem>>
      %scatter3A_156 = tpu.memref_squeeze %scatter3A_155 : memref<1x4x50x256xf32, #tpu.memory_space<vmem>> -> memref<4x50x256xf32, #tpu.memory_space<vmem>>
      tpu.vector_store_idx %scatter3A_156[%div3A_143, %rem3A_144, %get3A_150], %broadcast_in_dim3A_13 : memref<4x50x256xf32, #tpu.memory_space<vmem>>[vector<16xi32>, vector<16xi32>, vector<16xi32>], vector<16xf32>,
      %add3A_157 = arith.constant 48 : i32
      %add3A_158 = vector.broadcast %add3A_157 : i32 to vector<16xi32>
      %add3A_159 = arith.addi %iota3A, %add3A_158 : vector<16xi32>
      %div3A_160 = arith.divsi %add3A_159, %broadcast_in_dim3A_11 : vector<16xi32>
      %rem3A_161 = arith.remsi %add3A_159, %broadcast_in_dim3A_11 : vector<16xi32>
      %mul3A_162 = arith.constant 200 : i32
      %mul3A_163 = arith.muli %mul3A_107, %mul3A_162 : i32
      %add3A_164 = arith.constant 48 : i32
      %add3A_165 = arith.addi %mul3A_163, %add3A_164 : i32
      %get3A_166 = arith.index_cast %add3A_165 : i32 to index
      %get3A_167 = tpu.vector_load %arg5[%get3A_166] {strides = array<i32>} : memref<6416xi32, #tpu.memory_space<vmem>>, vector<16xi32>,
      %scatter3A_168 = arith.constant 0 : i32
      %scatter3A_169 = arith.constant 0 : i32
      %scatter3A_170 = arith.constant 0 : i32
      %scatter3A_171 = arith.constant 0 : i32
      %scatter3A_172 = tpu.memref_slice %arg4[%scatter3A_168, %scatter3A_169, %scatter3A_170, %scatter3A_171] : memref<2x4x50x256xf32, #tpu.memory_space<vmem>> -> memref<1x4x50x256xf32, #tpu.memory_space<vmem>>
      %scatter3A_173 = tpu.memref_squeeze %scatter3A_172 : memref<1x4x50x256xf32, #tpu.memory_space<vmem>> -> memref<4x50x256xf32, #tpu.memory_space<vmem>>
      tpu.vector_store_idx %scatter3A_173[%div3A_160, %rem3A_161, %get3A_167], %broadcast_in_dim3A_13 : memref<4x50x256xf32, #tpu.memory_space<vmem>>[vector<16xi32>, vector<16xi32>, vector<16xi32>], vector<16xf32>,
      %add3A_174 = arith.constant 64 : i32
      %add3A_175 = vector.broadcast %add3A_174 : i32 to vector<16xi32>
      %add3A_176 = arith.addi %iota3A, %add3A_175 : vector<16xi32>
      %div3A_177 = arith.divsi %add3A_176, %broadcast_in_dim3A_11 : vector<16xi32>
      %rem3A_178 = arith.remsi %add3A_176, %broadcast_in_dim3A_11 : vector<16xi32>
      %mul3A_179 = arith.constant 200 : i32
      %mul3A_180 = arith.muli %mul3A_107, %mul3A_179 : i32
      %add3A_181 = arith.constant 64 : i32
      %add3A_182 = arith.addi %mul3A_180, %add3A_181 : i32
      %get3A_183 = arith.index_cast %add3A_182 : i32 to index
      %get3A_184 = tpu.vector_load %arg5[%get3A_183] {strides = array<i32>} : memref<6416xi32, #tpu.memory_space<vmem>>, vector<16xi32>,
      %scatter3A_185 = arith.constant 0 : i32
      %scatter3A_186 = arith.constant 0 : i32
      %scatter3A_187 = arith.constant 0 : i32
      %scatter3A_188 = arith.constant 0 : i32
      %scatter3A_189 = tpu.memref_slice %arg4[%scatter3A_185, %scatter3A_186, %scatter3A_187, %scatter3A_188] : memref<2x4x50x256xf32, #tpu.memory_space<vmem>> -> memref<1x4x50x256xf32, #tpu.memory_space<vmem>>
      %scatter3A_190 = tpu.memref_squeeze %scatter3A_189 : memref<1x4x50x256xf32, #tpu.memory_space<vmem>> -> memref<4x50x256xf32, #tpu.memory_space<vmem>>
      tpu.vector_store_idx %scatter3A_190[%div3A_177, %rem3A_178, %get3A_184], %broadcast_in_dim3A_13 : memref<4x50x256xf32, #tpu.memory_space<vmem>>[vector<16xi32>, vector<16xi32>, vector<16xi32>], vector<16xf32>,
      %add3A_191 = arith.constant 80 : i32
      %add3A_192 = vector.broadcast %add3A_191 : i32 to vector<16xi32>
      %add3A_193 = arith.addi %iota3A, %add3A_192 : vector<16xi32>
      %div3A_194 = arith.divsi %add3A_193, %broadcast_in_dim3A_11 : vector<16xi32>
      %rem3A_195 = arith.remsi %add3A_193, %broadcast_in_dim3A_11 : vector<16xi32>
      %mul3A_196 = arith.constant 200 : i32
      %mul3A_197 = arith.muli %mul3A_107, %mul3A_196 : i32
      %add3A_198 = arith.constant 80 : i32
      %add3A_199 = arith.addi %mul3A_197, %add3A_198 : i32
      %get3A_200 = arith.index_cast %add3A_199 : i32 to index
      %get3A_201 = tpu.vector_load %arg5[%get3A_200] {strides = array<i32>} : memref<6416xi32, #tpu.memory_space<vmem>>, vector<16xi32>,
      %scatter3A_202 = arith.constant 0 : i32
      %scatter3A_203 = arith.constant 0 : i32
      %scatter3A_204 = arith.constant 0 : i32
      %scatter3A_205 = arith.constant 0 : i32
      %scatter3A_206 = tpu.memref_slice %arg4[%scatter3A_202, %scatter3A_203, %scatter3A_204, %scatter3A_205] : memref<2x4x50x256xf32, #tpu.memory_space<vmem>> -> memref<1x4x50x256xf32, #tpu.memory_space<vmem>>
      %scatter3A_207 = tpu.memref_squeeze %scatter3A_206 : memref<1x4x50x256xf32, #tpu.memory_space<vmem>> -> memref<4x50x256xf32, #tpu.memory_space<vmem>>
      tpu.vector_store_idx %scatter3A_207[%div3A_194, %rem3A_195, %get3A_201], %broadcast_in_dim3A_13 : memref<4x50x256xf32, #tpu.memory_space<vmem>>[vector<16xi32>, vector<16xi32>, vector<16xi32>], vector<16xf32>,
      %add3A_208 = arith.constant 96 : i32
      %add3A_209 = vector.broadcast %add3A_208 : i32 to vector<16xi32>
      %add3A_210 = arith.addi %iota3A, %add3A_209 : vector<16xi32>
      %div3A_211 = arith.divsi %add3A_210, %broadcast_in_dim3A_11 : vector<16xi32>
      %rem3A_212 = arith.remsi %add3A_210, %broadcast_in_dim3A_11 : vector<16xi32>
      %mul3A_213 = arith.constant 200 : i32
      %mul3A_214 = arith.muli %mul3A_107, %mul3A_213 : i32
      %add3A_215 = arith.constant 96 : i32
      %add3A_216 = arith.addi %mul3A_214, %add3A_215 : i32
      %get3A_217 = arith.index_cast %add3A_216 : i32 to index
      %get3A_218 = tpu.vector_load %arg5[%get3A_217] {strides = array<i32>} : memref<6416xi32, #tpu.memory_space<vmem>>, vector<16xi32>,
      %scatter3A_219 = arith.constant 0 : i32
      %scatter3A_220 = arith.constant 0 : i32
      %scatter3A_221 = arith.constant 0 : i32
      %scatter3A_222 = arith.constant 0 : i32
      %scatter3A_223 = tpu.memref_slice %arg4[%scatter3A_219, %scatter3A_220, %scatter3A_221, %scatter3A_222] : memref<2x4x50x256xf32, #tpu.memory_space<vmem>> -> memref<1x4x50x256xf32, #tpu.memory_space<vmem>>
      %scatter3A_224 = tpu.memref_squeeze %scatter3A_223 : memref<1x4x50x256xf32, #tpu.memory_space<vmem>> -> memref<4x50x256xf32, #tpu.memory_space<vmem>>
      tpu.vector_store_idx %scatter3A_224[%div3A_211, %rem3A_212, %get3A_218], %broadcast_in_dim3A_13 : memref<4x50x256xf32, #tpu.memory_space<vmem>>[vector<16xi32>, vector<16xi32>, vector<16xi32>], vector<16xf32>,
      %add3A_225 = arith.constant 112 : i32
      %add3A_226 = vector.broadcast %add3A_225 : i32 to vector<16xi32>
      %add3A_227 = arith.addi %iota3A, %add3A_226 : vector<16xi32>
      %div3A_228 = arith.divsi %add3A_227, %broadcast_in_dim3A_11 : vector<16xi32>
      %rem3A_229 = arith.remsi %add3A_227, %broadcast_in_dim3A_11 : vector<16xi32>
      %mul3A_230 = arith.constant 200 : i32
      %mul3A_231 = arith.muli %mul3A_107, %mul3A_230 : i32
      %add3A_232 = arith.constant 112 : i32
      %add3A_233 = arith.addi %mul3A_231, %add3A_232 : i32
      %get3A_234 = arith.index_cast %add3A_233 : i32 to index
      %get3A_235 = tpu.vector_load %arg5[%get3A_234] {strides = array<i32>} : memref<6416xi32, #tpu.memory_space<vmem>>, vector<16xi32>,
      %scatter3A_236 = arith.constant 0 : i32
      %scatter3A_237 = arith.constant 0 : i32
      %scatter3A_238 = arith.constant 0 : i32
      %scatter3A_239 = arith.constant 0 : i32
      %scatter3A_240 = tpu.memref_slice %arg4[%scatter3A_236, %scatter3A_237, %scatter3A_238, %scatter3A_239] : memref<2x4x50x256xf32, #tpu.memory_space<vmem>> -> memref<1x4x50x256xf32, #tpu.memory_space<vmem>>
      %scatter3A_241 = tpu.memref_squeeze %scatter3A_240 : memref<1x4x50x256xf32, #tpu.memory_space<vmem>> -> memref<4x50x256xf32, #tpu.memory_space<vmem>>
      tpu.vector_store_idx %scatter3A_241[%div3A_228, %rem3A_229, %get3A_235], %broadcast_in_dim3A_13 : memref<4x50x256xf32, #tpu.memory_space<vmem>>[vector<16xi32>, vector<16xi32>, vector<16xi32>], vector<16xf32>,
      %add3A_242 = arith.constant 128 : i32
      %add3A_243 = vector.broadcast %add3A_242 : i32 to vector<16xi32>
      %add3A_244 = arith.addi %iota3A, %add3A_243 : vector<16xi32>
      %div3A_245 = arith.divsi %add3A_244, %broadcast_in_dim3A_11 : vector<16xi32>
      %rem3A_246 = arith.remsi %add3A_244, %broadcast_in_dim3A_11 : vector<16xi32>
      %mul3A_247 = arith.constant 200 : i32
      %mul3A_248 = arith.muli %mul3A_107, %mul3A_247 : i32
      %add3A_249 = arith.constant 128 : i32
      %add3A_250 = arith.addi %mul3A_248, %add3A_249 : i32
      %get3A_251 = arith.index_cast %add3A_250 : i32 to index
      %get3A_252 = tpu.vector_load %arg5[%get3A_251] {strides = array<i32>} : memref<6416xi32, #tpu.memory_space<vmem>>, vector<16xi32>,
      %scatter3A_253 = arith.constant 0 : i32
      %scatter3A_254 = arith.constant 0 : i32
      %scatter3A_255 = arith.constant 0 : i32
      %scatter3A_256 = arith.constant 0 : i32
      %scatter3A_257 = tpu.memref_slice %arg4[%scatter3A_253, %scatter3A_254, %scatter3A_255, %scatter3A_256] : memref<2x4x50x256xf32, #tpu.memory_space<vmem>> -> memref<1x4x50x256xf32, #tpu.memory_space<vmem>>
      %scatter3A_258 = tpu.memref_squeeze %scatter3A_257 : memref<1x4x50x256xf32, #tpu.memory_space<vmem>> -> memref<4x50x256xf32, #tpu.memory_space<vmem>>
      tpu.vector_store_idx %scatter3A_258[%div3A_245, %rem3A_246, %get3A_252], %broadcast_in_dim3A_13 : memref<4x50x256xf32, #tpu.memory_space<vmem>>[vector<16xi32>, vector<16xi32>, vector<16xi32>], vector<16xf32>,
      %add3A_259 = arith.constant 144 : i32
      %add3A_260 = vector.broadcast %add3A_259 : i32 to vector<16xi32>
      %add3A_261 = arith.addi %iota3A, %add3A_260 : vector<16xi32>
      %div3A_262 = arith.divsi %add3A_261, %broadcast_in_dim3A_11 : vector<16xi32>
      %rem3A_263 = arith.remsi %add3A_261, %broadcast_in_dim3A_11 : vector<16xi32>
      %mul3A_264 = arith.constant 200 : i32
      %mul3A_265 = arith.muli %mul3A_107, %mul3A_264 : i32
      %add3A_266 = arith.constant 144 : i32
      %add3A_267 = arith.addi %mul3A_265, %add3A_266 : i32
      %get3A_268 = arith.index_cast %add3A_267 : i32 to index
      %get3A_269 = tpu.vector_load %arg5[%get3A_268] {strides = array<i32>} : memref<6416xi32, #tpu.memory_space<vmem>>, vector<16xi32>,
      %scatter3A_270 = arith.constant 0 : i32
      %scatter3A_271 = arith.constant 0 : i32
      %scatter3A_272 = arith.constant 0 : i32
      %scatter3A_273 = arith.constant 0 : i32
      %scatter3A_274 = tpu.memref_slice %arg4[%scatter3A_270, %scatter3A_271, %scatter3A_272, %scatter3A_273] : memref<2x4x50x256xf32, #tpu.memory_space<vmem>> -> memref<1x4x50x256xf32, #tpu.memory_space<vmem>>
      %scatter3A_275 = tpu.memref_squeeze %scatter3A_274 : memref<1x4x50x256xf32, #tpu.memory_space<vmem>> -> memref<4x50x256xf32, #tpu.memory_space<vmem>>
      tpu.vector_store_idx %scatter3A_275[%div3A_262, %rem3A_263, %get3A_269], %broadcast_in_dim3A_13 : memref<4x50x256xf32, #tpu.memory_space<vmem>>[vector<16xi32>, vector<16xi32>, vector<16xi32>], vector<16xf32>,
      %add3A_276 = arith.constant 160 : i32
      %add3A_277 = vector.broadcast %add3A_276 : i32 to vector<16xi32>
      %add3A_278 = arith.addi %iota3A, %add3A_277 : vector<16xi32>
      %div3A_279 = arith.divsi %add3A_278, %broadcast_in_dim3A_11 : vector<16xi32>
      %rem3A_280 = arith.remsi %add3A_278, %broadcast_in_dim3A_11 : vector<16xi32>
      %mul3A_281 = arith.constant 200 : i32
      %mul3A_282 = arith.muli %mul3A_107, %mul3A_281 : i32
      %add3A_283 = arith.constant 160 : i32
      %add3A_284 = arith.addi %mul3A_282, %add3A_283 : i32
      %get3A_285 = arith.index_cast %add3A_284 : i32 to index
      %get3A_286 = tpu.vector_load %arg5[%get3A_285] {strides = array<i32>} : memref<6416xi32, #tpu.memory_space<vmem>>, vector<16xi32>,
      %scatter3A_287 = arith.constant 0 : i32
      %scatter3A_288 = arith.constant 0 : i32
      %scatter3A_289 = arith.constant 0 : i32
      %scatter3A_290 = arith.constant 0 : i32
      %scatter3A_291 = tpu.memref_slice %arg4[%scatter3A_287, %scatter3A_288, %scatter3A_289, %scatter3A_290] : memref<2x4x50x256xf32, #tpu.memory_space<vmem>> -> memref<1x4x50x256xf32, #tpu.memory_space<vmem>>
      %scatter3A_292 = tpu.memref_squeeze %scatter3A_291 : memref<1x4x50x256xf32, #tpu.memory_space<vmem>> -> memref<4x50x256xf32, #tpu.memory_space<vmem>>
      tpu.vector_store_idx %scatter3A_292[%div3A_279, %rem3A_280, %get3A_286], %broadcast_in_dim3A_13 : memref<4x50x256xf32, #tpu.memory_space<vmem>>[vector<16xi32>, vector<16xi32>, vector<16xi32>], vector<16xf32>,
      %add3A_293 = arith.constant 176 : i32
      %add3A_294 = vector.broadcast %add3A_293 : i32 to vector<16xi32>
      %add3A_295 = arith.addi %iota3A, %add3A_294 : vector<16xi32>
      %div3A_296 = arith.divsi %add3A_295, %broadcast_in_dim3A_11 : vector<16xi32>
      %rem3A_297 = arith.remsi %add3A_295, %broadcast_in_dim3A_11 : vector<16xi32>
      %mul3A_298 = arith.constant 200 : i32
      %mul3A_299 = arith.muli %mul3A_107, %mul3A_298 : i32
      %add3A_300 = arith.constant 176 : i32
      %add3A_301 = arith.addi %mul3A_299, %add3A_300 : i32
      %get3A_302 = arith.index_cast %add3A_301 : i32 to index
      %get3A_303 = tpu.vector_load %arg5[%get3A_302] {strides = array<i32>} : memref<6416xi32, #tpu.memory_space<vmem>>, vector<16xi32>,
      %scatter3A_304 = arith.constant 0 : i32
      %scatter3A_305 = arith.constant 0 : i32
      %scatter3A_306 = arith.constant 0 : i32
      %scatter3A_307 = arith.constant 0 : i32
      %scatter3A_308 = tpu.memref_slice %arg4[%scatter3A_304, %scatter3A_305, %scatter3A_306, %scatter3A_307] : memref<2x4x50x256xf32, #tpu.memory_space<vmem>> -> memref<1x4x50x256xf32, #tpu.memory_space<vmem>>
      %scatter3A_309 = tpu.memref_squeeze %scatter3A_308 : memref<1x4x50x256xf32, #tpu.memory_space<vmem>> -> memref<4x50x256xf32, #tpu.memory_space<vmem>>
      tpu.vector_store_idx %scatter3A_309[%div3A_296, %rem3A_297, %get3A_303], %broadcast_in_dim3A_13 : memref<4x50x256xf32, #tpu.memory_space<vmem>>[vector<16xi32>, vector<16xi32>, vector<16xi32>], vector<16xf32>,
      %add3A_310 = arith.constant 192 : i32
      %add3A_311 = vector.broadcast %add3A_310 : i32 to vector<16xi32>
      %add3A_312 = arith.addi %iota3A, %add3A_311 : vector<16xi32>
      %div3A_313 = arith.divsi %add3A_312, %broadcast_in_dim3A_11 : vector<16xi32>
      %rem3A_314 = arith.remsi %add3A_312, %broadcast_in_dim3A_11 : vector<16xi32>
      %mul3A_315 = arith.constant 200 : i32
      %mul3A_316 = arith.muli %mul3A_107, %mul3A_315 : i32
      %add3A_317 = arith.constant 192 : i32
      %add3A_318 = arith.addi %mul3A_316, %add3A_317 : i32
      %get3A_319 = arith.index_cast %add3A_318 : i32 to index
      %get3A_320 = tpu.vector_load %arg5[%get3A_319] {strides = array<i32>} : memref<6416xi32, #tpu.memory_space<vmem>>, vector<16xi32>,
      %scatter3A_321 = arith.constant 0 : i32
      %scatter3A_322 = arith.constant 0 : i32
      %scatter3A_323 = arith.constant 0 : i32
      %scatter3A_324 = arith.constant 0 : i32
      %scatter3A_325 = tpu.memref_slice %arg4[%scatter3A_321, %scatter3A_322, %scatter3A_323, %scatter3A_324] : memref<2x4x50x256xf32, #tpu.memory_space<vmem>> -> memref<1x4x50x256xf32, #tpu.memory_space<vmem>>
      %scatter3A_326 = tpu.memref_squeeze %scatter3A_325 : memref<1x4x50x256xf32, #tpu.memory_space<vmem>> -> memref<4x50x256xf32, #tpu.memory_space<vmem>>
      tpu.vector_store_idx %scatter3A_326[%div3A_313, %rem3A_314, %get3A_320], %broadcast_in_dim3A_13 masked %lt3A : memref<4x50x256xf32, #tpu.memory_space<vmem>>[vector<16xi32>, vector<16xi32>, vector<16xi32>], vector<16xf32>, vector<16xi1>
      %mul3A_327 = arith.constant 4 : i32
      %mul3A_328 = arith.muli %mul3A_107, %mul3A_327 : i32
      %add3A_329 = arith.addi %mul3A_2, %mul3A_328 : i32
      %dma_start3A = arith.constant 0 : i32
      %dma_start3A_330 = arith.constant 0 : i32
      %dma_start3A_331 = arith.constant 0 : i32
      %dma_start3A_332 = arith.constant 0 : i32
      %dma_start3A_333 = arith.constant 0 : i32
      %dma_start3A_334 = tpu.memref_slice %arg4[%dma_start3A, %dma_start3A_331, %dma_start3A_332, %dma_start3A_333] : memref<2x4x50x256xf32, #tpu.memory_space<vmem>> -> memref<1x4x50x256xf32, #tpu.memory_space<vmem>>
      %dma_start3A_335 = tpu.memref_squeeze %dma_start3A_334 : memref<1x4x50x256xf32, #tpu.memory_space<vmem>> -> memref<4x50x256xf32, #tpu.memory_space<vmem>>
      %dma_start3A_336 = arith.constant 0 : i32
      %dma_start3A_337 = arith.constant 0 : i32
      %dma_start3A_338 = tpu.memref_slice %arg3[%add3A_329, %dma_start3A_336, %dma_start3A_337] : memref<4096x50x256xf32, #tpu.memory_space<hbm>> -> memref<4x50x256xf32, #tpu.memory_space<hbm>>
      %dma_start3A_339 = tpu.memref_slice %arg6[%dma_start3A_330] : memref<2x!tpu.dma_semaphore, #tpu.memory_space<semaphore_mem>> -> memref<1x!tpu.dma_semaphore, #tpu.memory_space<semaphore_mem>>
      %dma_start3A_340 = tpu.memref_squeeze %dma_start3A_339 : memref<1x!tpu.dma_semaphore, #tpu.memory_space<semaphore_mem>> -> memref<!tpu.dma_semaphore, #tpu.memory_space<semaphore_mem>>
      %dma_start3A_341 = arith.constant 0 : i32
      %dma_start3A_342 = arith.constant 0 : i32
      %dma_start3A_343 = tpu.memref_slice %arg3[%add3A_329, %dma_start3A_341, %dma_start3A_342] : memref<4096x50x256xf32, #tpu.memory_space<hbm>> -> memref<4x50x256xf32, #tpu.memory_space<hbm>>
      %dma_start3A_344 = arith.constant 0 : i32
      %dma_start3A_345 = arith.constant 0 : i32
      %dma_start3A_346 = arith.constant 0 : i32
      %dma_start3A_347 = tpu.memref_slice %arg4[%dma_start3A, %dma_start3A_344, %dma_start3A_345, %dma_start3A_346] : memref<2x4x50x256xf32, #tpu.memory_space<vmem>> -> memref<1x4x50x256xf32, #tpu.memory_space<vmem>>
      %dma_start3A_348 = tpu.memref_squeeze %dma_start3A_347 : memref<1x4x50x256xf32, #tpu.memory_space<vmem>> -> memref<4x50x256xf32, #tpu.memory_space<vmem>>
      tpu.enqueue_dma source(%dma_start3A_348 : memref<4x50x256xf32, #tpu.memory_space<vmem>>) target(%dma_start3A_343 : memref<4x50x256xf32, #tpu.memory_space<hbm>>) target_semaphore(%dma_start3A_340 : memref<!tpu.dma_semaphore, #tpu.memory_space<semaphore_mem>>)
      %mul3A_349 = arith.constant 2 : i32
      %mul3A_350 = arith.muli %scan3A_105, %mul3A_349 : i32
      %add3A_351 = arith.constant 1 : i32
      %add3A_352 = arith.addi %mul3A_350, %add3A_351 : i32
      %ge3A_353 = arith.constant 2 : i32
      %ge3A_354 = arith.cmpi sge, %add3A_352, %ge3A_353 : i32
      %convert_element_type3A_355 = arith.extui %ge3A_354 : i1 to i32
      %cond3A_356 = arith.constant 0 : i32
      %cond3A_357 = arith.cmpi ne, %convert_element_type3A_355, %cond3A_356 : i32
      scf.if %cond3A_357 {
        %sub3A = arith.constant 2 : i32
        %sub3A_602 = arith.subi %add3A_352, %sub3A : i32
        %mul3A_603 = arith.constant 4 : i32
        %mul3A_604 = arith.muli %sub3A_602, %mul3A_603 : i32
        %add3A_605 = arith.addi %mul3A_2, %mul3A_604 : i32
        %dma_wait3A_606 = arith.constant 1 : i32
        %dma_wait3A_607 = arith.constant 1 : i32
        %dma_wait3A_608 = arith.constant 0 : i32
        %dma_wait3A_609 = arith.constant 0 : i32
        %dma_wait3A_610 = arith.constant 0 : i32
        %dma_wait3A_611 = tpu.memref_slice %arg4[%dma_wait3A_606, %dma_wait3A_608, %dma_wait3A_609, %dma_wait3A_610] : memref<2x4x50x256xf32, #tpu.memory_space<vmem>> -> memref<1x4x50x256xf32, #tpu.memory_space<vmem>>
        %dma_wait3A_612 = tpu.memref_squeeze %dma_wait3A_611 : memref<1x4x50x256xf32, #tpu.memory_space<vmem>> -> memref<4x50x256xf32, #tpu.memory_space<vmem>>
        %dma_wait3A_613 = arith.constant 0 : i32
        %dma_wait3A_614 = arith.constant 0 : i32
        %dma_wait3A_615 = tpu.memref_slice %arg3[%add3A_605, %dma_wait3A_613, %dma_wait3A_614] : memref<4096x50x256xf32, #tpu.memory_space<hbm>> -> memref<4x50x256xf32, #tpu.memory_space<hbm>>
        %dma_wait3A_616 = tpu.memref_slice %arg6[%dma_wait3A_607] : memref<2x!tpu.dma_semaphore, #tpu.memory_space<semaphore_mem>> -> memref<1x!tpu.dma_semaphore, #tpu.memory_space<semaphore_mem>>
        %dma_wait3A_617 = tpu.memref_squeeze %dma_wait3A_616 : memref<1x!tpu.dma_semaphore, #tpu.memory_space<semaphore_mem>> -> memref<!tpu.dma_semaphore, #tpu.memory_space<semaphore_mem>>
        %dma_wait3A_618 = arith.constant 0 : i32
        %dma_wait3A_619 = arith.constant 0 : i32
        %dma_wait3A_620 = tpu.memref_slice %arg3[%add3A_605, %dma_wait3A_618, %dma_wait3A_619] : memref<4096x50x256xf32, #tpu.memory_space<hbm>> -> memref<4x50x256xf32, #tpu.memory_space<hbm>>
        %dma_wait3A_621 = arith.constant 0 : i32
        %dma_wait3A_622 = arith.constant 0 : i32
        %dma_wait3A_623 = arith.constant 0 : i32
        %dma_wait3A_624 = tpu.memref_slice %arg4[%dma_wait3A_606, %dma_wait3A_621, %dma_wait3A_622, %dma_wait3A_623] : memref<2x4x50x256xf32, #tpu.memory_space<vmem>> -> memref<1x4x50x256xf32, #tpu.memory_space<vmem>>
        %dma_wait3A_625 = tpu.memref_squeeze %dma_wait3A_624 : memref<1x4x50x256xf32, #tpu.memory_space<vmem>> -> memref<4x50x256xf32, #tpu.memory_space<vmem>>
        tpu.wait_dma2 semaphore(%dma_wait3A_617 : memref<!tpu.dma_semaphore, #tpu.memory_space<semaphore_mem>>) src(%dma_wait3A_625 : memref<4x50x256xf32, #tpu.memory_space<vmem>>) dst(%dma_wait3A_620 : memref<4x50x256xf32, #tpu.memory_space<hbm>>)
        %sub3A_626 = arith.constant 2 : i32
        %sub3A_627 = arith.subi %add3A_352, %sub3A_626 : i32
        %add3A_628 = arith.constant 0 : i32
        %add3A_629 = vector.broadcast %add3A_628 : i32 to vector<16xi32>
        %add3A_630 = arith.addi %iota3A, %add3A_629 : vector<16xi32>
        %div3A_631 = arith.divsi %add3A_630, %broadcast_in_dim3A_11 : vector<16xi32>
        %rem3A_632 = arith.remsi %add3A_630, %broadcast_in_dim3A_11 : vector<16xi32>
        %mul3A_633 = arith.constant 200 : i32
        %mul3A_634 = arith.muli %sub3A_627, %mul3A_633 : i32
        %add3A_635 = arith.constant 0 : i32
        %add3A_636 = arith.addi %mul3A_634, %add3A_635 : i32
        %get3A_637 = arith.index_cast %add3A_636 : i32 to index
        %get3A_638 = tpu.vector_load %arg5[%get3A_637] {strides = array<i32>} : memref<6416xi32, #tpu.memory_space<vmem>>, vector<16xi32>,
        %scatter3A_639 = arith.constant 1 : i32
        %scatter3A_640 = arith.constant 0 : i32
        %scatter3A_641 = arith.constant 0 : i32
        %scatter3A_642 = arith.constant 0 : i32
        %scatter3A_643 = tpu.memref_slice %arg4[%scatter3A_639, %scatter3A_640, %scatter3A_641, %scatter3A_642] : memref<2x4x50x256xf32, #tpu.memory_space<vmem>> -> memref<1x4x50x256xf32, #tpu.memory_space<vmem>>
        %scatter3A_644 = tpu.memref_squeeze %scatter3A_643 : memref<1x4x50x256xf32, #tpu.memory_space<vmem>> -> memref<4x50x256xf32, #tpu.memory_space<vmem>>
        tpu.vector_store_idx %scatter3A_644[%div3A_631, %rem3A_632, %get3A_638], %broadcast_in_dim3A_15 : memref<4x50x256xf32, #tpu.memory_space<vmem>>[vector<16xi32>, vector<16xi32>, vector<16xi32>], vector<16xf32>,
        %add3A_645 = arith.constant 16 : i32
        %add3A_646 = vector.broadcast %add3A_645 : i32 to vector<16xi32>
        %add3A_647 = arith.addi %iota3A, %add3A_646 : vector<16xi32>
        %div3A_648 = arith.divsi %add3A_647, %broadcast_in_dim3A_11 : vector<16xi32>
        %rem3A_649 = arith.remsi %add3A_647, %broadcast_in_dim3A_11 : vector<16xi32>
        %mul3A_650 = arith.constant 200 : i32
        %mul3A_651 = arith.muli %sub3A_627, %mul3A_650 : i32
        %add3A_652 = arith.constant 16 : i32
        %add3A_653 = arith.addi %mul3A_651, %add3A_652 : i32
        %get3A_654 = arith.index_cast %add3A_653 : i32 to index
        %get3A_655 = tpu.vector_load %arg5[%get3A_654] {strides = array<i32>} : memref<6416xi32, #tpu.memory_space<vmem>>, vector<16xi32>,
        %scatter3A_656 = arith.constant 1 : i32
        %scatter3A_657 = arith.constant 0 : i32
        %scatter3A_658 = arith.constant 0 : i32
        %scatter3A_659 = arith.constant 0 : i32
        %scatter3A_660 = tpu.memref_slice %arg4[%scatter3A_656, %scatter3A_657, %scatter3A_658, %scatter3A_659] : memref<2x4x50x256xf32, #tpu.memory_space<vmem>> -> memref<1x4x50x256xf32, #tpu.memory_space<vmem>>
        %scatter3A_661 = tpu.memref_squeeze %scatter3A_660 : memref<1x4x50x256xf32, #tpu.memory_space<vmem>> -> memref<4x50x256xf32, #tpu.memory_space<vmem>>
        tpu.vector_store_idx %scatter3A_661[%div3A_648, %rem3A_649, %get3A_655], %broadcast_in_dim3A_15 : memref<4x50x256xf32, #tpu.memory_space<vmem>>[vector<16xi32>, vector<16xi32>, vector<16xi32>], vector<16xf32>,
        %add3A_662 = arith.constant 32 : i32
        %add3A_663 = vector.broadcast %add3A_662 : i32 to vector<16xi32>
        %add3A_664 = arith.addi %iota3A, %add3A_663 : vector<16xi32>
        %div3A_665 = arith.divsi %add3A_664, %broadcast_in_dim3A_11 : vector<16xi32>
        %rem3A_666 = arith.remsi %add3A_664, %broadcast_in_dim3A_11 : vector<16xi32>
        %mul3A_667 = arith.constant 200 : i32
        %mul3A_668 = arith.muli %sub3A_627, %mul3A_667 : i32
        %add3A_669 = arith.constant 32 : i32
        %add3A_670 = arith.addi %mul3A_668, %add3A_669 : i32
        %get3A_671 = arith.index_cast %add3A_670 : i32 to index
        %get3A_672 = tpu.vector_load %arg5[%get3A_671] {strides = array<i32>} : memref<6416xi32, #tpu.memory_space<vmem>>, vector<16xi32>,
        %scatter3A_673 = arith.constant 1 : i32
        %scatter3A_674 = arith.constant 0 : i32
        %scatter3A_675 = arith.constant 0 : i32
        %scatter3A_676 = arith.constant 0 : i32
        %scatter3A_677 = tpu.memref_slice %arg4[%scatter3A_673, %scatter3A_674, %scatter3A_675, %scatter3A_676] : memref<2x4x50x256xf32, #tpu.memory_space<vmem>> -> memref<1x4x50x256xf32, #tpu.memory_space<vmem>>
        %scatter3A_678 = tpu.memref_squeeze %scatter3A_677 : memref<1x4x50x256xf32, #tpu.memory_space<vmem>> -> memref<4x50x256xf32, #tpu.memory_space<vmem>>
        tpu.vector_store_idx %scatter3A_678[%div3A_665, %rem3A_666, %get3A_672], %broadcast_in_dim3A_15 : memref<4x50x256xf32, #tpu.memory_space<vmem>>[vector<16xi32>, vector<16xi32>, vector<16xi32>], vector<16xf32>,
        %add3A_679 = arith.constant 48 : i32
        %add3A_680 = vector.broadcast %add3A_679 : i32 to vector<16xi32>
        %add3A_681 = arith.addi %iota3A, %add3A_680 : vector<16xi32>
        %div3A_682 = arith.divsi %add3A_681, %broadcast_in_dim3A_11 : vector<16xi32>
        %rem3A_683 = arith.remsi %add3A_681, %broadcast_in_dim3A_11 : vector<16xi32>
        %mul3A_684 = arith.constant 200 : i32
        %mul3A_685 = arith.muli %sub3A_627, %mul3A_684 : i32
        %add3A_686 = arith.constant 48 : i32
        %add3A_687 = arith.addi %mul3A_685, %add3A_686 : i32
        %get3A_688 = arith.index_cast %add3A_687 : i32 to index
        %get3A_689 = tpu.vector_load %arg5[%get3A_688] {strides = array<i32>} : memref<6416xi32, #tpu.memory_space<vmem>>, vector<16xi32>,
        %scatter3A_690 = arith.constant 1 : i32
        %scatter3A_691 = arith.constant 0 : i32
        %scatter3A_692 = arith.constant 0 : i32
        %scatter3A_693 = arith.constant 0 : i32
        %scatter3A_694 = tpu.memref_slice %arg4[%scatter3A_690, %scatter3A_691, %scatter3A_692, %scatter3A_693] : memref<2x4x50x256xf32, #tpu.memory_space<vmem>> -> memref<1x4x50x256xf32, #tpu.memory_space<vmem>>
        %scatter3A_695 = tpu.memref_squeeze %scatter3A_694 : memref<1x4x50x256xf32, #tpu.memory_space<vmem>> -> memref<4x50x256xf32, #tpu.memory_space<vmem>>
        tpu.vector_store_idx %scatter3A_695[%div3A_682, %rem3A_683, %get3A_689], %broadcast_in_dim3A_15 : memref<4x50x256xf32, #tpu.memory_space<vmem>>[vector<16xi32>, vector<16xi32>, vector<16xi32>], vector<16xf32>,
        %add3A_696 = arith.constant 64 : i32
        %add3A_697 = vector.broadcast %add3A_696 : i32 to vector<16xi32>
        %add3A_698 = arith.addi %iota3A, %add3A_697 : vector<16xi32>
        %div3A_699 = arith.divsi %add3A_698, %broadcast_in_dim3A_11 : vector<16xi32>
        %rem3A_700 = arith.remsi %add3A_698, %broadcast_in_dim3A_11 : vector<16xi32>
        %mul3A_701 = arith.constant 200 : i32
        %mul3A_702 = arith.muli %sub3A_627, %mul3A_701 : i32
        %add3A_703 = arith.constant 64 : i32
        %add3A_704 = arith.addi %mul3A_702, %add3A_703 : i32
        %get3A_705 = arith.index_cast %add3A_704 : i32 to index
        %get3A_706 = tpu.vector_load %arg5[%get3A_705] {strides = array<i32>} : memref<6416xi32, #tpu.memory_space<vmem>>, vector<16xi32>,
        %scatter3A_707 = arith.constant 1 : i32
        %scatter3A_708 = arith.constant 0 : i32
        %scatter3A_709 = arith.constant 0 : i32
        %scatter3A_710 = arith.constant 0 : i32
        %scatter3A_711 = tpu.memref_slice %arg4[%scatter3A_707, %scatter3A_708, %scatter3A_709, %scatter3A_710] : memref<2x4x50x256xf32, #tpu.memory_space<vmem>> -> memref<1x4x50x256xf32, #tpu.memory_space<vmem>>
        %scatter3A_712 = tpu.memref_squeeze %scatter3A_711 : memref<1x4x50x256xf32, #tpu.memory_space<vmem>> -> memref<4x50x256xf32, #tpu.memory_space<vmem>>
        tpu.vector_store_idx %scatter3A_712[%div3A_699, %rem3A_700, %get3A_706], %broadcast_in_dim3A_15 : memref<4x50x256xf32, #tpu.memory_space<vmem>>[vector<16xi32>, vector<16xi32>, vector<16xi32>], vector<16xf32>,
        %add3A_713 = arith.constant 80 : i32
        %add3A_714 = vector.broadcast %add3A_713 : i32 to vector<16xi32>
        %add3A_715 = arith.addi %iota3A, %add3A_714 : vector<16xi32>
        %div3A_716 = arith.divsi %add3A_715, %broadcast_in_dim3A_11 : vector<16xi32>
        %rem3A_717 = arith.remsi %add3A_715, %broadcast_in_dim3A_11 : vector<16xi32>
        %mul3A_718 = arith.constant 200 : i32
        %mul3A_719 = arith.muli %sub3A_627, %mul3A_718 : i32
        %add3A_720 = arith.constant 80 : i32
        %add3A_721 = arith.addi %mul3A_719, %add3A_720 : i32
        %get3A_722 = arith.index_cast %add3A_721 : i32 to index
        %get3A_723 = tpu.vector_load %arg5[%get3A_722] {strides = array<i32>} : memref<6416xi32, #tpu.memory_space<vmem>>, vector<16xi32>,
        %scatter3A_724 = arith.constant 1 : i32
        %scatter3A_725 = arith.constant 0 : i32
        %scatter3A_726 = arith.constant 0 : i32
        %scatter3A_727 = arith.constant 0 : i32
        %scatter3A_728 = tpu.memref_slice %arg4[%scatter3A_724, %scatter3A_725, %scatter3A_726, %scatter3A_727] : memref<2x4x50x256xf32, #tpu.memory_space<vmem>> -> memref<1x4x50x256xf32, #tpu.memory_space<vmem>>
        %scatter3A_729 = tpu.memref_squeeze %scatter3A_728 : memref<1x4x50x256xf32, #tpu.memory_space<vmem>> -> memref<4x50x256xf32, #tpu.memory_space<vmem>>
        tpu.vector_store_idx %scatter3A_729[%div3A_716, %rem3A_717, %get3A_723], %broadcast_in_dim3A_15 : memref<4x50x256xf32, #tpu.memory_space<vmem>>[vector<16xi32>, vector<16xi32>, vector<16xi32>], vector<16xf32>,
        %add3A_730 = arith.constant 96 : i32
        %add3A_731 = vector.broadcast %add3A_730 : i32 to vector<16xi32>
        %add3A_732 = arith.addi %iota3A, %add3A_731 : vector<16xi32>
        %div3A_733 = arith.divsi %add3A_732, %broadcast_in_dim3A_11 : vector<16xi32>
        %rem3A_734 = arith.remsi %add3A_732, %broadcast_in_dim3A_11 : vector<16xi32>
        %mul3A_735 = arith.constant 200 : i32
        %mul3A_736 = arith.muli %sub3A_627, %mul3A_735 : i32
        %add3A_737 = arith.constant 96 : i32
        %add3A_738 = arith.addi %mul3A_736, %add3A_737 : i32
        %get3A_739 = arith.index_cast %add3A_738 : i32 to index
        %get3A_740 = tpu.vector_load %arg5[%get3A_739] {strides = array<i32>} : memref<6416xi32, #tpu.memory_space<vmem>>, vector<16xi32>,
        %scatter3A_741 = arith.constant 1 : i32
        %scatter3A_742 = arith.constant 0 : i32
        %scatter3A_743 = arith.constant 0 : i32
        %scatter3A_744 = arith.constant 0 : i32
        %scatter3A_745 = tpu.memref_slice %arg4[%scatter3A_741, %scatter3A_742, %scatter3A_743, %scatter3A_744] : memref<2x4x50x256xf32, #tpu.memory_space<vmem>> -> memref<1x4x50x256xf32, #tpu.memory_space<vmem>>
        %scatter3A_746 = tpu.memref_squeeze %scatter3A_745 : memref<1x4x50x256xf32, #tpu.memory_space<vmem>> -> memref<4x50x256xf32, #tpu.memory_space<vmem>>
        tpu.vector_store_idx %scatter3A_746[%div3A_733, %rem3A_734, %get3A_740], %broadcast_in_dim3A_15 : memref<4x50x256xf32, #tpu.memory_space<vmem>>[vector<16xi32>, vector<16xi32>, vector<16xi32>], vector<16xf32>,
        %add3A_747 = arith.constant 112 : i32
        %add3A_748 = vector.broadcast %add3A_747 : i32 to vector<16xi32>
        %add3A_749 = arith.addi %iota3A, %add3A_748 : vector<16xi32>
        %div3A_750 = arith.divsi %add3A_749, %broadcast_in_dim3A_11 : vector<16xi32>
        %rem3A_751 = arith.remsi %add3A_749, %broadcast_in_dim3A_11 : vector<16xi32>
        %mul3A_752 = arith.constant 200 : i32
        %mul3A_753 = arith.muli %sub3A_627, %mul3A_752 : i32
        %add3A_754 = arith.constant 112 : i32
        %add3A_755 = arith.addi %mul3A_753, %add3A_754 : i32
        %get3A_756 = arith.index_cast %add3A_755 : i32 to index
        %get3A_757 = tpu.vector_load %arg5[%get3A_756] {strides = array<i32>} : memref<6416xi32, #tpu.memory_space<vmem>>, vector<16xi32>,
        %scatter3A_758 = arith.constant 1 : i32
        %scatter3A_759 = arith.constant 0 : i32
        %scatter3A_760 = arith.constant 0 : i32
        %scatter3A_761 = arith.constant 0 : i32
        %scatter3A_762 = tpu.memref_slice %arg4[%scatter3A_758, %scatter3A_759, %scatter3A_760, %scatter3A_761] : memref<2x4x50x256xf32, #tpu.memory_space<vmem>> -> memref<1x4x50x256xf32, #tpu.memory_space<vmem>>
        %scatter3A_763 = tpu.memref_squeeze %scatter3A_762 : memref<1x4x50x256xf32, #tpu.memory_space<vmem>> -> memref<4x50x256xf32, #tpu.memory_space<vmem>>
        tpu.vector_store_idx %scatter3A_763[%div3A_750, %rem3A_751, %get3A_757], %broadcast_in_dim3A_15 : memref<4x50x256xf32, #tpu.memory_space<vmem>>[vector<16xi32>, vector<16xi32>, vector<16xi32>], vector<16xf32>,
        %add3A_764 = arith.constant 128 : i32
        %add3A_765 = vector.broadcast %add3A_764 : i32 to vector<16xi32>
        %add3A_766 = arith.addi %iota3A, %add3A_765 : vector<16xi32>
        %div3A_767 = arith.divsi %add3A_766, %broadcast_in_dim3A_11 : vector<16xi32>
        %rem3A_768 = arith.remsi %add3A_766, %broadcast_in_dim3A_11 : vector<16xi32>
        %mul3A_769 = arith.constant 200 : i32
        %mul3A_770 = arith.muli %sub3A_627, %mul3A_769 : i32
        %add3A_771 = arith.constant 128 : i32
        %add3A_772 = arith.addi %mul3A_770, %add3A_771 : i32
        %get3A_773 = arith.index_cast %add3A_772 : i32 to index
        %get3A_774 = tpu.vector_load %arg5[%get3A_773] {strides = array<i32>} : memref<6416xi32, #tpu.memory_space<vmem>>, vector<16xi32>,
        %scatter3A_775 = arith.constant 1 : i32
        %scatter3A_776 = arith.constant 0 : i32
        %scatter3A_777 = arith.constant 0 : i32
        %scatter3A_778 = arith.constant 0 : i32
        %scatter3A_779 = tpu.memref_slice %arg4[%scatter3A_775, %scatter3A_776, %scatter3A_777, %scatter3A_778] : memref<2x4x50x256xf32, #tpu.memory_space<vmem>> -> memref<1x4x50x256xf32, #tpu.memory_space<vmem>>
        %scatter3A_780 = tpu.memref_squeeze %scatter3A_779 : memref<1x4x50x256xf32, #tpu.memory_space<vmem>> -> memref<4x50x256xf32, #tpu.memory_space<vmem>>
        tpu.vector_store_idx %scatter3A_780[%div3A_767, %rem3A_768, %get3A_774], %broadcast_in_dim3A_15 : memref<4x50x256xf32, #tpu.memory_space<vmem>>[vector<16xi32>, vector<16xi32>, vector<16xi32>], vector<16xf32>,
        %add3A_781 = arith.constant 144 : i32
        %add3A_782 = vector.broadcast %add3A_781 : i32 to vector<16xi32>
        %add3A_783 = arith.addi %iota3A, %add3A_782 : vector<16xi32>
        %div3A_784 = arith.divsi %add3A_783, %broadcast_in_dim3A_11 : vector<16xi32>
        %rem3A_785 = arith.remsi %add3A_783, %broadcast_in_dim3A_11 : vector<16xi32>
        %mul3A_786 = arith.constant 200 : i32
        %mul3A_787 = arith.muli %sub3A_627, %mul3A_786 : i32
        %add3A_788 = arith.constant 144 : i32
        %add3A_789 = arith.addi %mul3A_787, %add3A_788 : i32
        %get3A_790 = arith.index_cast %add3A_789 : i32 to index
        %get3A_791 = tpu.vector_load %arg5[%get3A_790] {strides = array<i32>} : memref<6416xi32, #tpu.memory_space<vmem>>, vector<16xi32>,
        %scatter3A_792 = arith.constant 1 : i32
        %scatter3A_793 = arith.constant 0 : i32
        %scatter3A_794 = arith.constant 0 : i32
        %scatter3A_795 = arith.constant 0 : i32
        %scatter3A_796 = tpu.memref_slice %arg4[%scatter3A_792, %scatter3A_793, %scatter3A_794, %scatter3A_795] : memref<2x4x50x256xf32, #tpu.memory_space<vmem>> -> memref<1x4x50x256xf32, #tpu.memory_space<vmem>>
        %scatter3A_797 = tpu.memref_squeeze %scatter3A_796 : memref<1x4x50x256xf32, #tpu.memory_space<vmem>> -> memref<4x50x256xf32, #tpu.memory_space<vmem>>
        tpu.vector_store_idx %scatter3A_797[%div3A_784, %rem3A_785, %get3A_791], %broadcast_in_dim3A_15 : memref<4x50x256xf32, #tpu.memory_space<vmem>>[vector<16xi32>, vector<16xi32>, vector<16xi32>], vector<16xf32>,
        %add3A_798 = arith.constant 160 : i32
        %add3A_799 = vector.broadcast %add3A_798 : i32 to vector<16xi32>
        %add3A_800 = arith.addi %iota3A, %add3A_799 : vector<16xi32>
        %div3A_801 = arith.divsi %add3A_800, %broadcast_in_dim3A_11 : vector<16xi32>
        %rem3A_802 = arith.remsi %add3A_800, %broadcast_in_dim3A_11 : vector<16xi32>
        %mul3A_803 = arith.constant 200 : i32
        %mul3A_804 = arith.muli %sub3A_627, %mul3A_803 : i32
        %add3A_805 = arith.constant 160 : i32
        %add3A_806 = arith.addi %mul3A_804, %add3A_805 : i32
        %get3A_807 = arith.index_cast %add3A_806 : i32 to index
        %get3A_808 = tpu.vector_load %arg5[%get3A_807] {strides = array<i32>} : memref<6416xi32, #tpu.memory_space<vmem>>, vector<16xi32>,
        %scatter3A_809 = arith.constant 1 : i32
        %scatter3A_810 = arith.constant 0 : i32
        %scatter3A_811 = arith.constant 0 : i32
        %scatter3A_812 = arith.constant 0 : i32
        %scatter3A_813 = tpu.memref_slice %arg4[%scatter3A_809, %scatter3A_810, %scatter3A_811, %scatter3A_812] : memref<2x4x50x256xf32, #tpu.memory_space<vmem>> -> memref<1x4x50x256xf32, #tpu.memory_space<vmem>>
        %scatter3A_814 = tpu.memref_squeeze %scatter3A_813 : memref<1x4x50x256xf32, #tpu.memory_space<vmem>> -> memref<4x50x256xf32, #tpu.memory_space<vmem>>
        tpu.vector_store_idx %scatter3A_814[%div3A_801, %rem3A_802, %get3A_808], %broadcast_in_dim3A_15 : memref<4x50x256xf32, #tpu.memory_space<vmem>>[vector<16xi32>, vector<16xi32>, vector<16xi32>], vector<16xf32>,
        %add3A_815 = arith.constant 176 : i32
        %add3A_816 = vector.broadcast %add3A_815 : i32 to vector<16xi32>
        %add3A_817 = arith.addi %iota3A, %add3A_816 : vector<16xi32>
        %div3A_818 = arith.divsi %add3A_817, %broadcast_in_dim3A_11 : vector<16xi32>
        %rem3A_819 = arith.remsi %add3A_817, %broadcast_in_dim3A_11 : vector<16xi32>
        %mul3A_820 = arith.constant 200 : i32
        %mul3A_821 = arith.muli %sub3A_627, %mul3A_820 : i32
        %add3A_822 = arith.constant 176 : i32
        %add3A_823 = arith.addi %mul3A_821, %add3A_822 : i32
        %get3A_824 = arith.index_cast %add3A_823 : i32 to index
        %get3A_825 = tpu.vector_load %arg5[%get3A_824] {strides = array<i32>} : memref<6416xi32, #tpu.memory_space<vmem>>, vector<16xi32>,
        %scatter3A_826 = arith.constant 1 : i32
        %scatter3A_827 = arith.constant 0 : i32
        %scatter3A_828 = arith.constant 0 : i32
        %scatter3A_829 = arith.constant 0 : i32
        %scatter3A_830 = tpu.memref_slice %arg4[%scatter3A_826, %scatter3A_827, %scatter3A_828, %scatter3A_829] : memref<2x4x50x256xf32, #tpu.memory_space<vmem>> -> memref<1x4x50x256xf32, #tpu.memory_space<vmem>>
        %scatter3A_831 = tpu.memref_squeeze %scatter3A_830 : memref<1x4x50x256xf32, #tpu.memory_space<vmem>> -> memref<4x50x256xf32, #tpu.memory_space<vmem>>
        tpu.vector_store_idx %scatter3A_831[%div3A_818, %rem3A_819, %get3A_825], %broadcast_in_dim3A_15 : memref<4x50x256xf32, #tpu.memory_space<vmem>>[vector<16xi32>, vector<16xi32>, vector<16xi32>], vector<16xf32>,
        %add3A_832 = arith.constant 192 : i32
        %add3A_833 = vector.broadcast %add3A_832 : i32 to vector<16xi32>
        %add3A_834 = arith.addi %iota3A, %add3A_833 : vector<16xi32>
        %div3A_835 = arith.divsi %add3A_834, %broadcast_in_dim3A_11 : vector<16xi32>
        %rem3A_836 = arith.remsi %add3A_834, %broadcast_in_dim3A_11 : vector<16xi32>
        %mul3A_837 = arith.constant 200 : i32
        %mul3A_838 = arith.muli %sub3A_627, %mul3A_837 : i32
        %add3A_839 = arith.constant 192 : i32
        %add3A_840 = arith.addi %mul3A_838, %add3A_839 : i32
        %get3A_841 = arith.index_cast %add3A_840 : i32 to index
        %get3A_842 = tpu.vector_load %arg5[%get3A_841] {strides = array<i32>} : memref<6416xi32, #tpu.memory_space<vmem>>, vector<16xi32>,
        %scatter3A_843 = arith.constant 1 : i32
        %scatter3A_844 = arith.constant 0 : i32
        %scatter3A_845 = arith.constant 0 : i32
        %scatter3A_846 = arith.constant 0 : i32
        %scatter3A_847 = tpu.memref_slice %arg4[%scatter3A_843, %scatter3A_844, %scatter3A_845, %scatter3A_846] : memref<2x4x50x256xf32, #tpu.memory_space<vmem>> -> memref<1x4x50x256xf32, #tpu.memory_space<vmem>>
        %scatter3A_848 = tpu.memref_squeeze %scatter3A_847 : memref<1x4x50x256xf32, #tpu.memory_space<vmem>> -> memref<4x50x256xf32, #tpu.memory_space<vmem>>
        tpu.vector_store_idx %scatter3A_848[%div3A_835, %rem3A_836, %get3A_842], %broadcast_in_dim3A_15 masked %lt3A : memref<4x50x256xf32, #tpu.memory_space<vmem>>[vector<16xi32>, vector<16xi32>, vector<16xi32>], vector<16xf32>, vector<16xi1>
      } else {
      }
      %add3A_358 = arith.constant 0 : i32
      %add3A_359 = vector.broadcast %add3A_358 : i32 to vector<16xi32>
      %add3A_360 = arith.addi %iota3A, %add3A_359 : vector<16xi32>
      %div3A_361 = arith.divsi %add3A_360, %broadcast_in_dim3A_11 : vector<16xi32>
      %rem3A_362 = arith.remsi %add3A_360, %broadcast_in_dim3A_11 : vector<16xi32>
      %mul3A_363 = arith.constant 200 : i32
      %mul3A_364 = arith.muli %add3A_352, %mul3A_363 : i32
      %add3A_365 = arith.constant 0 : i32
      %add3A_366 = arith.addi %mul3A_364, %add3A_365 : i32
      %get3A_367 = arith.index_cast %add3A_366 : i32 to index
      %get3A_368 = tpu.vector_load %arg5[%get3A_367] {strides = array<i32>} : memref<6416xi32, #tpu.memory_space<vmem>>, vector<16xi32>,
      %scatter3A_369 = arith.constant 1 : i32
      %scatter3A_370 = arith.constant 0 : i32
      %scatter3A_371 = arith.constant 0 : i32
      %scatter3A_372 = arith.constant 0 : i32
      %scatter3A_373 = tpu.memref_slice %arg4[%scatter3A_369, %scatter3A_370, %scatter3A_371, %scatter3A_372] : memref<2x4x50x256xf32, #tpu.memory_space<vmem>> -> memref<1x4x50x256xf32, #tpu.memory_space<vmem>>
      %scatter3A_374 = tpu.memref_squeeze %scatter3A_373 : memref<1x4x50x256xf32, #tpu.memory_space<vmem>> -> memref<4x50x256xf32, #tpu.memory_space<vmem>>
      tpu.vector_store_idx %scatter3A_374[%div3A_361, %rem3A_362, %get3A_368], %broadcast_in_dim3A_13 : memref<4x50x256xf32, #tpu.memory_space<vmem>>[vector<16xi32>, vector<16xi32>, vector<16xi32>], vector<16xf32>,
      %add3A_375 = arith.constant 16 : i32
      %add3A_376 = vector.broadcast %add3A_375 : i32 to vector<16xi32>
      %add3A_377 = arith.addi %iota3A, %add3A_376 : vector<16xi32>
      %div3A_378 = arith.divsi %add3A_377, %broadcast_in_dim3A_11 : vector<16xi32>
      %rem3A_379 = arith.remsi %add3A_377, %broadcast_in_dim3A_11 : vector<16xi32>
      %mul3A_380 = arith.constant 200 : i32
      %mul3A_381 = arith.muli %add3A_352, %mul3A_380 : i32
      %add3A_382 = arith.constant 16 : i32
      %add3A_383 = arith.addi %mul3A_381, %add3A_382 : i32
      %get3A_384 = arith.index_cast %add3A_383 : i32 to index
      %get3A_385 = tpu.vector_load %arg5[%get3A_384] {strides = array<i32>} : memref<6416xi32, #tpu.memory_space<vmem>>, vector<16xi32>,
      %scatter3A_386 = arith.constant 1 : i32
      %scatter3A_387 = arith.constant 0 : i32
      %scatter3A_388 = arith.constant 0 : i32
      %scatter3A_389 = arith.constant 0 : i32
      %scatter3A_390 = tpu.memref_slice %arg4[%scatter3A_386, %scatter3A_387, %scatter3A_388, %scatter3A_389] : memref<2x4x50x256xf32, #tpu.memory_space<vmem>> -> memref<1x4x50x256xf32, #tpu.memory_space<vmem>>
      %scatter3A_391 = tpu.memref_squeeze %scatter3A_390 : memref<1x4x50x256xf32, #tpu.memory_space<vmem>> -> memref<4x50x256xf32, #tpu.memory_space<vmem>>
      tpu.vector_store_idx %scatter3A_391[%div3A_378, %rem3A_379, %get3A_385], %broadcast_in_dim3A_13 : memref<4x50x256xf32, #tpu.memory_space<vmem>>[vector<16xi32>, vector<16xi32>, vector<16xi32>], vector<16xf32>,
      %add3A_392 = arith.constant 32 : i32
      %add3A_393 = vector.broadcast %add3A_392 : i32 to vector<16xi32>
      %add3A_394 = arith.addi %iota3A, %add3A_393 : vector<16xi32>
      %div3A_395 = arith.divsi %add3A_394, %broadcast_in_dim3A_11 : vector<16xi32>
      %rem3A_396 = arith.remsi %add3A_394, %broadcast_in_dim3A_11 : vector<16xi32>
      %mul3A_397 = arith.constant 200 : i32
      %mul3A_398 = arith.muli %add3A_352, %mul3A_397 : i32
      %add3A_399 = arith.constant 32 : i32
      %add3A_400 = arith.addi %mul3A_398, %add3A_399 : i32
      %get3A_401 = arith.index_cast %add3A_400 : i32 to index
      %get3A_402 = tpu.vector_load %arg5[%get3A_401] {strides = array<i32>} : memref<6416xi32, #tpu.memory_space<vmem>>, vector<16xi32>,
      %scatter3A_403 = arith.constant 1 : i32
      %scatter3A_404 = arith.constant 0 : i32
      %scatter3A_405 = arith.constant 0 : i32
      %scatter3A_406 = arith.constant 0 : i32
      %scatter3A_407 = tpu.memref_slice %arg4[%scatter3A_403, %scatter3A_404, %scatter3A_405, %scatter3A_406] : memref<2x4x50x256xf32, #tpu.memory_space<vmem>> -> memref<1x4x50x256xf32, #tpu.memory_space<vmem>>
      %scatter3A_408 = tpu.memref_squeeze %scatter3A_407 : memref<1x4x50x256xf32, #tpu.memory_space<vmem>> -> memref<4x50x256xf32, #tpu.memory_space<vmem>>
      tpu.vector_store_idx %scatter3A_408[%div3A_395, %rem3A_396, %get3A_402], %broadcast_in_dim3A_13 : memref<4x50x256xf32, #tpu.memory_space<vmem>>[vector<16xi32>, vector<16xi32>, vector<16xi32>], vector<16xf32>,
      %add3A_409 = arith.constant 48 : i32
      %add3A_410 = vector.broadcast %add3A_409 : i32 to vector<16xi32>
      %add3A_411 = arith.addi %iota3A, %add3A_410 : vector<16xi32>
      %div3A_412 = arith.divsi %add3A_411, %broadcast_in_dim3A_11 : vector<16xi32>
      %rem3A_413 = arith.remsi %add3A_411, %broadcast_in_dim3A_11 : vector<16xi32>
      %mul3A_414 = arith.constant 200 : i32
      %mul3A_415 = arith.muli %add3A_352, %mul3A_414 : i32
      %add3A_416 = arith.constant 48 : i32
      %add3A_417 = arith.addi %mul3A_415, %add3A_416 : i32
      %get3A_418 = arith.index_cast %add3A_417 : i32 to index
      %get3A_419 = tpu.vector_load %arg5[%get3A_418] {strides = array<i32>} : memref<6416xi32, #tpu.memory_space<vmem>>, vector<16xi32>,
      %scatter3A_420 = arith.constant 1 : i32
      %scatter3A_421 = arith.constant 0 : i32
      %scatter3A_422 = arith.constant 0 : i32
      %scatter3A_423 = arith.constant 0 : i32
      %scatter3A_424 = tpu.memref_slice %arg4[%scatter3A_420, %scatter3A_421, %scatter3A_422, %scatter3A_423] : memref<2x4x50x256xf32, #tpu.memory_space<vmem>> -> memref<1x4x50x256xf32, #tpu.memory_space<vmem>>
      %scatter3A_425 = tpu.memref_squeeze %scatter3A_424 : memref<1x4x50x256xf32, #tpu.memory_space<vmem>> -> memref<4x50x256xf32, #tpu.memory_space<vmem>>
      tpu.vector_store_idx %scatter3A_425[%div3A_412, %rem3A_413, %get3A_419], %broadcast_in_dim3A_13 : memref<4x50x256xf32, #tpu.memory_space<vmem>>[vector<16xi32>, vector<16xi32>, vector<16xi32>], vector<16xf32>,
      %add3A_426 = arith.constant 64 : i32
      %add3A_427 = vector.broadcast %add3A_426 : i32 to vector<16xi32>
      %add3A_428 = arith.addi %iota3A, %add3A_427 : vector<16xi32>
      %div3A_429 = arith.divsi %add3A_428, %broadcast_in_dim3A_11 : vector<16xi32>
      %rem3A_430 = arith.remsi %add3A_428, %broadcast_in_dim3A_11 : vector<16xi32>
      %mul3A_431 = arith.constant 200 : i32
      %mul3A_432 = arith.muli %add3A_352, %mul3A_431 : i32
      %add3A_433 = arith.constant 64 : i32
      %add3A_434 = arith.addi %mul3A_432, %add3A_433 : i32
      %get3A_435 = arith.index_cast %add3A_434 : i32 to index
      %get3A_436 = tpu.vector_load %arg5[%get3A_435] {strides = array<i32>} : memref<6416xi32, #tpu.memory_space<vmem>>, vector<16xi32>,
      %scatter3A_437 = arith.constant 1 : i32
      %scatter3A_438 = arith.constant 0 : i32
      %scatter3A_439 = arith.constant 0 : i32
      %scatter3A_440 = arith.constant 0 : i32
      %scatter3A_441 = tpu.memref_slice %arg4[%scatter3A_437, %scatter3A_438, %scatter3A_439, %scatter3A_440] : memref<2x4x50x256xf32, #tpu.memory_space<vmem>> -> memref<1x4x50x256xf32, #tpu.memory_space<vmem>>
      %scatter3A_442 = tpu.memref_squeeze %scatter3A_441 : memref<1x4x50x256xf32, #tpu.memory_space<vmem>> -> memref<4x50x256xf32, #tpu.memory_space<vmem>>
      tpu.vector_store_idx %scatter3A_442[%div3A_429, %rem3A_430, %get3A_436], %broadcast_in_dim3A_13 : memref<4x50x256xf32, #tpu.memory_space<vmem>>[vector<16xi32>, vector<16xi32>, vector<16xi32>], vector<16xf32>,
      %add3A_443 = arith.constant 80 : i32
      %add3A_444 = vector.broadcast %add3A_443 : i32 to vector<16xi32>
      %add3A_445 = arith.addi %iota3A, %add3A_444 : vector<16xi32>
      %div3A_446 = arith.divsi %add3A_445, %broadcast_in_dim3A_11 : vector<16xi32>
      %rem3A_447 = arith.remsi %add3A_445, %broadcast_in_dim3A_11 : vector<16xi32>
      %mul3A_448 = arith.constant 200 : i32
      %mul3A_449 = arith.muli %add3A_352, %mul3A_448 : i32
      %add3A_450 = arith.constant 80 : i32
      %add3A_451 = arith.addi %mul3A_449, %add3A_450 : i32
      %get3A_452 = arith.index_cast %add3A_451 : i32 to index
      %get3A_453 = tpu.vector_load %arg5[%get3A_452] {strides = array<i32>} : memref<6416xi32, #tpu.memory_space<vmem>>, vector<16xi32>,
      %scatter3A_454 = arith.constant 1 : i32
      %scatter3A_455 = arith.constant 0 : i32
      %scatter3A_456 = arith.constant 0 : i32
      %scatter3A_457 = arith.constant 0 : i32
      %scatter3A_458 = tpu.memref_slice %arg4[%scatter3A_454, %scatter3A_455, %scatter3A_456, %scatter3A_457] : memref<2x4x50x256xf32, #tpu.memory_space<vmem>> -> memref<1x4x50x256xf32, #tpu.memory_space<vmem>>
      %scatter3A_459 = tpu.memref_squeeze %scatter3A_458 : memref<1x4x50x256xf32, #tpu.memory_space<vmem>> -> memref<4x50x256xf32, #tpu.memory_space<vmem>>
      tpu.vector_store_idx %scatter3A_459[%div3A_446, %rem3A_447, %get3A_453], %broadcast_in_dim3A_13 : memref<4x50x256xf32, #tpu.memory_space<vmem>>[vector<16xi32>, vector<16xi32>, vector<16xi32>], vector<16xf32>,
      %add3A_460 = arith.constant 96 : i32
      %add3A_461 = vector.broadcast %add3A_460 : i32 to vector<16xi32>
      %add3A_462 = arith.addi %iota3A, %add3A_461 : vector<16xi32>
      %div3A_463 = arith.divsi %add3A_462, %broadcast_in_dim3A_11 : vector<16xi32>
      %rem3A_464 = arith.remsi %add3A_462, %broadcast_in_dim3A_11 : vector<16xi32>
      %mul3A_465 = arith.constant 200 : i32
      %mul3A_466 = arith.muli %add3A_352, %mul3A_465 : i32
      %add3A_467 = arith.constant 96 : i32
      %add3A_468 = arith.addi %mul3A_466, %add3A_467 : i32
      %get3A_469 = arith.index_cast %add3A_468 : i32 to index
      %get3A_470 = tpu.vector_load %arg5[%get3A_469] {strides = array<i32>} : memref<6416xi32, #tpu.memory_space<vmem>>, vector<16xi32>,
      %scatter3A_471 = arith.constant 1 : i32
      %scatter3A_472 = arith.constant 0 : i32
      %scatter3A_473 = arith.constant 0 : i32
      %scatter3A_474 = arith.constant 0 : i32
      %scatter3A_475 = tpu.memref_slice %arg4[%scatter3A_471, %scatter3A_472, %scatter3A_473, %scatter3A_474] : memref<2x4x50x256xf32, #tpu.memory_space<vmem>> -> memref<1x4x50x256xf32, #tpu.memory_space<vmem>>
      %scatter3A_476 = tpu.memref_squeeze %scatter3A_475 : memref<1x4x50x256xf32, #tpu.memory_space<vmem>> -> memref<4x50x256xf32, #tpu.memory_space<vmem>>
      tpu.vector_store_idx %scatter3A_476[%div3A_463, %rem3A_464, %get3A_470], %broadcast_in_dim3A_13 : memref<4x50x256xf32, #tpu.memory_space<vmem>>[vector<16xi32>, vector<16xi32>, vector<16xi32>], vector<16xf32>,
      %add3A_477 = arith.constant 112 : i32
      %add3A_478 = vector.broadcast %add3A_477 : i32 to vector<16xi32>
      %add3A_479 = arith.addi %iota3A, %add3A_478 : vector<16xi32>
      %div3A_480 = arith.divsi %add3A_479, %broadcast_in_dim3A_11 : vector<16xi32>
      %rem3A_481 = arith.remsi %add3A_479, %broadcast_in_dim3A_11 : vector<16xi32>
      %mul3A_482 = arith.constant 200 : i32
      %mul3A_483 = arith.muli %add3A_352, %mul3A_482 : i32
      %add3A_484 = arith.constant 112 : i32
      %add3A_485 = arith.addi %mul3A_483, %add3A_484 : i32
      %get3A_486 = arith.index_cast %add3A_485 : i32 to index
      %get3A_487 = tpu.vector_load %arg5[%get3A_486] {strides = array<i32>} : memref<6416xi32, #tpu.memory_space<vmem>>, vector<16xi32>,
      %scatter3A_488 = arith.constant 1 : i32
      %scatter3A_489 = arith.constant 0 : i32
      %scatter3A_490 = arith.constant 0 : i32
      %scatter3A_491 = arith.constant 0 : i32
      %scatter3A_492 = tpu.memref_slice %arg4[%scatter3A_488, %scatter3A_489, %scatter3A_490, %scatter3A_491] : memref<2x4x50x256xf32, #tpu.memory_space<vmem>> -> memref<1x4x50x256xf32, #tpu.memory_space<vmem>>
      %scatter3A_493 = tpu.memref_squeeze %scatter3A_492 : memref<1x4x50x256xf32, #tpu.memory_space<vmem>> -> memref<4x50x256xf32, #tpu.memory_space<vmem>>
      tpu.vector_store_idx %scatter3A_493[%div3A_480, %rem3A_481, %get3A_487], %broadcast_in_dim3A_13 : memref<4x50x256xf32, #tpu.memory_space<vmem>>[vector<16xi32>, vector<16xi32>, vector<16xi32>], vector<16xf32>,
      %add3A_494 = arith.constant 128 : i32
      %add3A_495 = vector.broadcast %add3A_494 : i32 to vector<16xi32>
      %add3A_496 = arith.addi %iota3A, %add3A_495 : vector<16xi32>
      %div3A_497 = arith.divsi %add3A_496, %broadcast_in_dim3A_11 : vector<16xi32>
      %rem3A_498 = arith.remsi %add3A_496, %broadcast_in_dim3A_11 : vector<16xi32>
      %mul3A_499 = arith.constant 200 : i32
      %mul3A_500 = arith.muli %add3A_352, %mul3A_499 : i32
      %add3A_501 = arith.constant 128 : i32
      %add3A_502 = arith.addi %mul3A_500, %add3A_501 : i32
      %get3A_503 = arith.index_cast %add3A_502 : i32 to index
      %get3A_504 = tpu.vector_load %arg5[%get3A_503] {strides = array<i32>} : memref<6416xi32, #tpu.memory_space<vmem>>, vector<16xi32>,
      %scatter3A_505 = arith.constant 1 : i32
      %scatter3A_506 = arith.constant 0 : i32
      %scatter3A_507 = arith.constant 0 : i32
      %scatter3A_508 = arith.constant 0 : i32
      %scatter3A_509 = tpu.memref_slice %arg4[%scatter3A_505, %scatter3A_506, %scatter3A_507, %scatter3A_508] : memref<2x4x50x256xf32, #tpu.memory_space<vmem>> -> memref<1x4x50x256xf32, #tpu.memory_space<vmem>>
      %scatter3A_510 = tpu.memref_squeeze %scatter3A_509 : memref<1x4x50x256xf32, #tpu.memory_space<vmem>> -> memref<4x50x256xf32, #tpu.memory_space<vmem>>
      tpu.vector_store_idx %scatter3A_510[%div3A_497, %rem3A_498, %get3A_504], %broadcast_in_dim3A_13 : memref<4x50x256xf32, #tpu.memory_space<vmem>>[vector<16xi32>, vector<16xi32>, vector<16xi32>], vector<16xf32>,
      %add3A_511 = arith.constant 144 : i32
      %add3A_512 = vector.broadcast %add3A_511 : i32 to vector<16xi32>
      %add3A_513 = arith.addi %iota3A, %add3A_512 : vector<16xi32>
      %div3A_514 = arith.divsi %add3A_513, %broadcast_in_dim3A_11 : vector<16xi32>
      %rem3A_515 = arith.remsi %add3A_513, %broadcast_in_dim3A_11 : vector<16xi32>
      %mul3A_516 = arith.constant 200 : i32
      %mul3A_517 = arith.muli %add3A_352, %mul3A_516 : i32
      %add3A_518 = arith.constant 144 : i32
      %add3A_519 = arith.addi %mul3A_517, %add3A_518 : i32
      %get3A_520 = arith.index_cast %add3A_519 : i32 to index
      %get3A_521 = tpu.vector_load %arg5[%get3A_520] {strides = array<i32>} : memref<6416xi32, #tpu.memory_space<vmem>>, vector<16xi32>,
      %scatter3A_522 = arith.constant 1 : i32
      %scatter3A_523 = arith.constant 0 : i32
      %scatter3A_524 = arith.constant 0 : i32
      %scatter3A_525 = arith.constant 0 : i32
      %scatter3A_526 = tpu.memref_slice %arg4[%scatter3A_522, %scatter3A_523, %scatter3A_524, %scatter3A_525] : memref<2x4x50x256xf32, #tpu.memory_space<vmem>> -> memref<1x4x50x256xf32, #tpu.memory_space<vmem>>
      %scatter3A_527 = tpu.memref_squeeze %scatter3A_526 : memref<1x4x50x256xf32, #tpu.memory_space<vmem>> -> memref<4x50x256xf32, #tpu.memory_space<vmem>>
      tpu.vector_store_idx %scatter3A_527[%div3A_514, %rem3A_515, %get3A_521], %broadcast_in_dim3A_13 : memref<4x50x256xf32, #tpu.memory_space<vmem>>[vector<16xi32>, vector<16xi32>, vector<16xi32>], vector<16xf32>,
      %add3A_528 = arith.constant 160 : i32
      %add3A_529 = vector.broadcast %add3A_528 : i32 to vector<16xi32>
      %add3A_530 = arith.addi %iota3A, %add3A_529 : vector<16xi32>
      %div3A_531 = arith.divsi %add3A_530, %broadcast_in_dim3A_11 : vector<16xi32>
      %rem3A_532 = arith.remsi %add3A_530, %broadcast_in_dim3A_11 : vector<16xi32>
      %mul3A_533 = arith.constant 200 : i32
      %mul3A_534 = arith.muli %add3A_352, %mul3A_533 : i32
      %add3A_535 = arith.constant 160 : i32
      %add3A_536 = arith.addi %mul3A_534, %add3A_535 : i32
      %get3A_537 = arith.index_cast %add3A_536 : i32 to index
      %get3A_538 = tpu.vector_load %arg5[%get3A_537] {strides = array<i32>} : memref<6416xi32, #tpu.memory_space<vmem>>, vector<16xi32>,
      %scatter3A_539 = arith.constant 1 : i32
      %scatter3A_540 = arith.constant 0 : i32
      %scatter3A_541 = arith.constant 0 : i32
      %scatter3A_542 = arith.constant 0 : i32
      %scatter3A_543 = tpu.memref_slice %arg4[%scatter3A_539, %scatter3A_540, %scatter3A_541, %scatter3A_542] : memref<2x4x50x256xf32, #tpu.memory_space<vmem>> -> memref<1x4x50x256xf32, #tpu.memory_space<vmem>>
      %scatter3A_544 = tpu.memref_squeeze %scatter3A_543 : memref<1x4x50x256xf32, #tpu.memory_space<vmem>> -> memref<4x50x256xf32, #tpu.memory_space<vmem>>
      tpu.vector_store_idx %scatter3A_544[%div3A_531, %rem3A_532, %get3A_538], %broadcast_in_dim3A_13 : memref<4x50x256xf32, #tpu.memory_space<vmem>>[vector<16xi32>, vector<16xi32>, vector<16xi32>], vector<16xf32>,
      %add3A_545 = arith.constant 176 : i32
      %add3A_546 = vector.broadcast %add3A_545 : i32 to vector<16xi32>
      %add3A_547 = arith.addi %iota3A, %add3A_546 : vector<16xi32>
      %div3A_548 = arith.divsi %add3A_547, %broadcast_in_dim3A_11 : vector<16xi32>
      %rem3A_549 = arith.remsi %add3A_547, %broadcast_in_dim3A_11 : vector<16xi32>
      %mul3A_550 = arith.constant 200 : i32
      %mul3A_551 = arith.muli %add3A_352, %mul3A_550 : i32
      %add3A_552 = arith.constant 176 : i32
      %add3A_553 = arith.addi %mul3A_551, %add3A_552 : i32
      %get3A_554 = arith.index_cast %add3A_553 : i32 to index
      %get3A_555 = tpu.vector_load %arg5[%get3A_554] {strides = array<i32>} : memref<6416xi32, #tpu.memory_space<vmem>>, vector<16xi32>,
      %scatter3A_556 = arith.constant 1 : i32
      %scatter3A_557 = arith.constant 0 : i32
      %scatter3A_558 = arith.constant 0 : i32
      %scatter3A_559 = arith.constant 0 : i32
      %scatter3A_560 = tpu.memref_slice %arg4[%scatter3A_556, %scatter3A_557, %scatter3A_558, %scatter3A_559] : memref<2x4x50x256xf32, #tpu.memory_space<vmem>> -> memref<1x4x50x256xf32, #tpu.memory_space<vmem>>
      %scatter3A_561 = tpu.memref_squeeze %scatter3A_560 : memref<1x4x50x256xf32, #tpu.memory_space<vmem>> -> memref<4x50x256xf32, #tpu.memory_space<vmem>>
      tpu.vector_store_idx %scatter3A_561[%div3A_548, %rem3A_549, %get3A_555], %broadcast_in_dim3A_13 : memref<4x50x256xf32, #tpu.memory_space<vmem>>[vector<16xi32>, vector<16xi32>, vector<16xi32>], vector<16xf32>,
      %add3A_562 = arith.constant 192 : i32
      %add3A_563 = vector.broadcast %add3A_562 : i32 to vector<16xi32>
      %add3A_564 = arith.addi %iota3A, %add3A_563 : vector<16xi32>
      %div3A_565 = arith.divsi %add3A_564, %broadcast_in_dim3A_11 : vector<16xi32>
      %rem3A_566 = arith.remsi %add3A_564, %broadcast_in_dim3A_11 : vector<16xi32>
      %mul3A_567 = arith.constant 200 : i32
      %mul3A_568 = arith.muli %add3A_352, %mul3A_567 : i32
      %add3A_569 = arith.constant 192 : i32
      %add3A_570 = arith.addi %mul3A_568, %add3A_569 : i32
      %get3A_571 = arith.index_cast %add3A_570 : i32 to index
      %get3A_572 = tpu.vector_load %arg5[%get3A_571] {strides = array<i32>} : memref<6416xi32, #tpu.memory_space<vmem>>, vector<16xi32>,
      %scatter3A_573 = arith.constant 1 : i32
      %scatter3A_574 = arith.constant 0 : i32
      %scatter3A_575 = arith.constant 0 : i32
      %scatter3A_576 = arith.constant 0 : i32
      %scatter3A_577 = tpu.memref_slice %arg4[%scatter3A_573, %scatter3A_574, %scatter3A_575, %scatter3A_576] : memref<2x4x50x256xf32, #tpu.memory_space<vmem>> -> memref<1x4x50x256xf32, #tpu.memory_space<vmem>>
      %scatter3A_578 = tpu.memref_squeeze %scatter3A_577 : memref<1x4x50x256xf32, #tpu.memory_space<vmem>> -> memref<4x50x256xf32, #tpu.memory_space<vmem>>
      tpu.vector_store_idx %scatter3A_578[%div3A_565, %rem3A_566, %get3A_572], %broadcast_in_dim3A_13 masked %lt3A : memref<4x50x256xf32, #tpu.memory_space<vmem>>[vector<16xi32>, vector<16xi32>, vector<16xi32>], vector<16xf32>, vector<16xi1>
      %mul3A_579 = arith.constant 4 : i32
      %mul3A_580 = arith.muli %add3A_352, %mul3A_579 : i32
      %add3A_581 = arith.addi %mul3A_2, %mul3A_580 : i32
      %dma_start3A_582 = arith.constant 1 : i32
      %dma_start3A_583 = arith.constant 1 : i32
      %dma_start3A_584 = arith.constant 0 : i32
      %dma_start3A_585 = arith.constant 0 : i32
      %dma_start3A_586 = arith.constant 0 : i32
      %dma_start3A_587 = tpu.memref_slice %arg4[%dma_start3A_582, %dma_start3A_584, %dma_start3A_585, %dma_start3A_586] : memref<2x4x50x256xf32, #tpu.memory_space<vmem>> -> memref<1x4x50x256xf32, #tpu.memory_space<vmem>>
      %dma_start3A_588 = tpu.memref_squeeze %dma_start3A_587 : memref<1x4x50x256xf32, #tpu.memory_space<vmem>> -> memref<4x50x256xf32, #tpu.memory_space<vmem>>
      %dma_start3A_589 = arith.constant 0 : i32
      %dma_start3A_590 = arith.constant 0 : i32
      %dma_start3A_591 = tpu.memref_slice %arg3[%add3A_581, %dma_start3A_589, %dma_start3A_590] : memref<4096x50x256xf32, #tpu.memory_space<hbm>> -> memref<4x50x256xf32, #tpu.memory_space<hbm>>
      %dma_start3A_592 = tpu.memref_slice %arg6[%dma_start3A_583] : memref<2x!tpu.dma_semaphore, #tpu.memory_space<semaphore_mem>> -> memref<1x!tpu.dma_semaphore, #tpu.memory_space<semaphore_mem>>
      %dma_start3A_593 = tpu.memref_squeeze %dma_start3A_592 : memref<1x!tpu.dma_semaphore, #tpu.memory_space<semaphore_mem>> -> memref<!tpu.dma_semaphore, #tpu.memory_space<semaphore_mem>>
      %dma_start3A_594 = arith.constant 0 : i32
      %dma_start3A_595 = arith.constant 0 : i32
      %dma_start3A_596 = tpu.memref_slice %arg3[%add3A_581, %dma_start3A_594, %dma_start3A_595] : memref<4096x50x256xf32, #tpu.memory_space<hbm>> -> memref<4x50x256xf32, #tpu.memory_space<hbm>>
      %dma_start3A_597 = arith.constant 0 : i32
      %dma_start3A_598 = arith.constant 0 : i32
      %dma_start3A_599 = arith.constant 0 : i32
      %dma_start3A_600 = tpu.memref_slice %arg4[%dma_start3A_582, %dma_start3A_597, %dma_start3A_598, %dma_start3A_599] : memref<2x4x50x256xf32, #tpu.memory_space<vmem>> -> memref<1x4x50x256xf32, #tpu.memory_space<vmem>>
      %dma_start3A_601 = tpu.memref_squeeze %dma_start3A_600 : memref<1x4x50x256xf32, #tpu.memory_space<vmem>> -> memref<4x50x256xf32, #tpu.memory_space<vmem>>
      tpu.enqueue_dma source(%dma_start3A_601 : memref<4x50x256xf32, #tpu.memory_space<vmem>>) target(%dma_start3A_596 : memref<4x50x256xf32, #tpu.memory_space<hbm>>) target_semaphore(%dma_start3A_593 : memref<!tpu.dma_semaphore, #tpu.memory_space<semaphore_mem>>)
    }
    %scan3A_61 = arith.constant 16 : i32
    %add3A_62 = arith.constant 120 : i32
    %add3A_63 = arith.addi %mul3A_2, %add3A_62 : i32
    %dma_wait3A = arith.constant 0 : i32
    %dma_wait3A_64 = arith.constant 0 : i32
    %dma_wait3A_65 = arith.constant 0 : i32
    %dma_wait3A_66 = arith.constant 0 : i32
    %dma_wait3A_67 = arith.constant 0 : i32
    %dma_wait3A_68 = tpu.memref_slice %arg4[%dma_wait3A, %dma_wait3A_65, %dma_wait3A_66, %dma_wait3A_67] : memref<2x4x50x256xf32, #tpu.memory_space<vmem>> -> memref<1x4x50x256xf32, #tpu.memory_space<vmem>>
    %dma_wait3A_69 = tpu.memref_squeeze %dma_wait3A_68 : memref<1x4x50x256xf32, #tpu.memory_space<vmem>> -> memref<4x50x256xf32, #tpu.memory_space<vmem>>
    %dma_wait3A_70 = arith.constant 0 : i32
    %dma_wait3A_71 = arith.constant 0 : i32
    %dma_wait3A_72 = tpu.memref_slice %arg3[%add3A_63, %dma_wait3A_70, %dma_wait3A_71] : memref<4096x50x256xf32, #tpu.memory_space<hbm>> -> memref<4x50x256xf32, #tpu.memory_space<hbm>>
    %dma_wait3A_73 = tpu.memref_slice %arg6[%dma_wait3A_64] : memref<2x!tpu.dma_semaphore, #tpu.memory_space<semaphore_mem>> -> memref<1x!tpu.dma_semaphore, #tpu.memory_space<semaphore_mem>>
    %dma_wait3A_74 = tpu.memref_squeeze %dma_wait3A_73 : memref<1x!tpu.dma_semaphore, #tpu.memory_space<semaphore_mem>> -> memref<!tpu.dma_semaphore, #tpu.memory_space<semaphore_mem>>
    %dma_wait3A_75 = arith.constant 0 : i32
    %dma_wait3A_76 = arith.constant 0 : i32
    %dma_wait3A_77 = tpu.memref_slice %arg3[%add3A_63, %dma_wait3A_75, %dma_wait3A_76] : memref<4096x50x256xf32, #tpu.memory_space<hbm>> -> memref<4x50x256xf32, #tpu.memory_space<hbm>>
    %dma_wait3A_78 = arith.constant 0 : i32
    %dma_wait3A_79 = arith.constant 0 : i32
    %dma_wait3A_80 = arith.constant 0 : i32
    %dma_wait3A_81 = tpu.memref_slice %arg4[%dma_wait3A, %dma_wait3A_78, %dma_wait3A_79, %dma_wait3A_80] : memref<2x4x50x256xf32, #tpu.memory_space<vmem>> -> memref<1x4x50x256xf32, #tpu.memory_space<vmem>>
    %dma_wait3A_82 = tpu.memref_squeeze %dma_wait3A_81 : memref<1x4x50x256xf32, #tpu.memory_space<vmem>> -> memref<4x50x256xf32, #tpu.memory_space<vmem>>
    tpu.wait_dma2 semaphore(%dma_wait3A_74 : memref<!tpu.dma_semaphore, #tpu.memory_space<semaphore_mem>>) src(%dma_wait3A_82 : memref<4x50x256xf32, #tpu.memory_space<vmem>>) dst(%dma_wait3A_77 : memref<4x50x256xf32, #tpu.memory_space<hbm>>)
    %add3A_83 = arith.constant 124 : i32
    %add3A_84 = arith.addi %mul3A_2, %add3A_83 : i32
    %dma_wait3A_85 = arith.constant 1 : i32
    %dma_wait3A_86 = arith.constant 1 : i32
    %dma_wait3A_87 = arith.constant 0 : i32
    %dma_wait3A_88 = arith.constant 0 : i32
    %dma_wait3A_89 = arith.constant 0 : i32
    %dma_wait3A_90 = tpu.memref_slice %arg4[%dma_wait3A_85, %dma_wait3A_87, %dma_wait3A_88, %dma_wait3A_89] : memref<2x4x50x256xf32, #tpu.memory_space<vmem>> -> memref<1x4x50x256xf32, #tpu.memory_space<vmem>>
    %dma_wait3A_91 = tpu.memref_squeeze %dma_wait3A_90 : memref<1x4x50x256xf32, #tpu.memory_space<vmem>> -> memref<4x50x256xf32, #tpu.memory_space<vmem>>
    %dma_wait3A_92 = arith.constant 0 : i32
    %dma_wait3A_93 = arith.constant 0 : i32
    %dma_wait3A_94 = tpu.memref_slice %arg3[%add3A_84, %dma_wait3A_92, %dma_wait3A_93] : memref<4096x50x256xf32, #tpu.memory_space<hbm>> -> memref<4x50x256xf32, #tpu.memory_space<hbm>>
    %dma_wait3A_95 = tpu.memref_slice %arg6[%dma_wait3A_86] : memref<2x!tpu.dma_semaphore, #tpu.memory_space<semaphore_mem>> -> memref<1x!tpu.dma_semaphore, #tpu.memory_space<semaphore_mem>>
    %dma_wait3A_96 = tpu.memref_squeeze %dma_wait3A_95 : memref<1x!tpu.dma_semaphore, #tpu.memory_space<semaphore_mem>> -> memref<!tpu.dma_semaphore, #tpu.memory_space<semaphore_mem>>
    %dma_wait3A_97 = arith.constant 0 : i32
    %dma_wait3A_98 = arith.constant 0 : i32
    %dma_wait3A_99 = tpu.memref_slice %arg3[%add3A_84, %dma_wait3A_97, %dma_wait3A_98] : memref<4096x50x256xf32, #tpu.memory_space<hbm>> -> memref<4x50x256xf32, #tpu.memory_space<hbm>>
    %dma_wait3A_100 = arith.constant 0 : i32
    %dma_wait3A_101 = arith.constant 0 : i32
    %dma_wait3A_102 = arith.constant 0 : i32
    %dma_wait3A_103 = tpu.memref_slice %arg4[%dma_wait3A_85, %dma_wait3A_100, %dma_wait3A_101, %dma_wait3A_102] : memref<2x4x50x256xf32, #tpu.memory_space<vmem>> -> memref<1x4x50x256xf32, #tpu.memory_space<vmem>>
    %dma_wait3A_104 = tpu.memref_squeeze %dma_wait3A_103 : memref<1x4x50x256xf32, #tpu.memory_space<vmem>> -> memref<4x50x256xf32, #tpu.memory_space<vmem>>
    tpu.wait_dma2 semaphore(%dma_wait3A_96 : memref<!tpu.dma_semaphore, #tpu.memory_space<semaphore_mem>>) src(%dma_wait3A_104 : memref<4x50x256xf32, #tpu.memory_space<vmem>>) dst(%dma_wait3A_99 : memref<4x50x256xf32, #tpu.memory_space<hbm>>)
    return
  }
}

</mosaic_0001>

<sc_bundles>
// kernel: kernel.3.cloned.1.call-start
scs
__scs_entry_jumppad:
0x0: {  	(pc) =	sbr.rel $0x88, $3  }
0x1: {  	(tag) =	ssettag $0x0;
	lr =	simm.s32 $0x1  }
0x2: {  	[smem:$0x3FA0] =	sst lr;
	_ =	strace $0xD0000000  }
0x3: {  	_ = 	snop  }
0x4: {  	_ = 	snop  }
0x5: {  	_ = 	snop  }
0x6: {  	_ = 	snop  }
0x7: {  	_ = 	snop  }
__scs_overlays_trampoline_lowered:
0x8: {  	[smem:$0x3FAF] =	sst s0  }
0x9: {  	[smem:$0x3FB0] =	sst s1  }
0xa: {  	[smem:$0x3FB1] =	sst s2  }
0xb: {  	[smem:$0x3FB2] =	sst s3  }
0xc: {  	[smem:$0x3FB3] =	sst s4  }
0xd: {  	[smem:$0x3FB4] =	sst s5  }
0xe: {  	[smem:$0x3FB5] =	sst s6  }
0xf: {  	[smem:$0x3FB6] =	sst s7  }
0x10: {  	[smem:$0x3FB7] =	sst s8  }
0x11: {  	[smem:$0x3FB8] =	sst s9;
	s0 =	simm.s32 @!p0 $0x0  }
0x12: {  	s1 =	sld [smem:$0x3F9E];
	s0 =	simm.s32 @p0 $0x1  }
0x13: {  	[smem:$0x3FB9] =	sst s0;
	s0 =	simm.s32 @!p1 $0x0  }
0x14: {  	s2 =	sld [smem:$0x3F9D];
	s0 =	simm.s32 @p1 $0x1  }
0x15: {  	[smem:$0x3FBA] =	sst s0;
	s0 =	simm.s32 @!p2 $0x0  }
0x16: {  	s3 =	sld [smem:$0x3FDB];
	s0 =	simm.s32 @p2 $0x1  }
0x17: {  	s4 =	simm.s32 $0x1BF5;
	[smem:$0x3FBC] =	sst s0  }
0x18: {  	s0 =	sld [smem:$0x3F9F];
	_ =	swait.ge [sflag:s4], $0x0  }
0x19: {  	s7 =	sld [smem:$0x3FA0]  }
0x1a: {  	s8 =	sadd.s32 $0xFFFFE003, lr  }
0x1b: {  	s9 =	sadd.s32 $0xFFFFFEF7, lr;
	s5 =	simm.s32 $0xFFFFFFFF;
	p2 =	slt.u32 s8, $0xFFFFF086  }
0x1c: {  	p1 =	slt.u32 s9, $0xF7A;
	s5 =	simm.s32 @!p2 $0x0  }
0x1d: {  	s5 =	simm.s32 @p1 $0x1;
	p0 =	seq.s32 s7, s2  }
0x1e: {  	s7 =	smul.u32 @!p0 $0xF7A, s2;
	p2 =	seq.s32 @!p0 s5, $0x0  }
0x1f: {  	s9 =	smul.u32 $0xF7A, s1;
	s8 =	simm.s32 @!p0 $0x1BF5;
	p2 =	por !p2, p0  }
0x20: {  	[sflag:s8] =	ssyncset.s32 @!p0 $0xFFFFF086;
	s6 =	sadd.s32 @!p0 s3, s7;
	s7 =	simm.s32 @!p0 $0x108  }
0x21: {  	s3 =	sadd.s32 s3, s9;
	s6 =	sadd.s32 @!p0 $0x88, s6;
	s7 =	simm.s32 @p2 $0x1082  }
0x22: {  	[simem:s7], [sflag:s8] =	dma.local @!p0 [hbm:s6], $0xF7A  }
0x23: {  	s9 =	sor.u32 $0xD0000000, s2;
	s6 =	simm.s32 $0x108;
	_ =	swait.ge @!p0 [sflag:s8], $0x0  }
0x24: {  	s3 =	sadd.s32 $0x88, s3;
	s6 =	simm.s32 @!p1 $0x1082;
	[sflag:s4] =	ssyncset.s32 $0xFFFFF086  }
0x25: {  	[simem:s6], [sflag:s4] =	dma.local [hbm:s3], $0xF7A  }
0x26: {  	[smem:$0x3FA0] =	sst s1;
	(tag) =	ssettag s2;
	_ =	strace s9  }
0x27: {  	s1 =	sld [smem:$0x3FB0]  }
0x28: {  	s2 =	sld [smem:$0x3FB1]  }
0x29: {  	s4 =	sld [smem:$0x3FB3]  }
0x2a: {  	p0 =	seq.s32 s5, $0x0;
	s5 =	sld [smem:$0x3FB4]  }
0x2b: {  	s6 =	sld [smem:$0x3FB5]  }
0x2c: {  	s7 =	sld [smem:$0x3FB6]  }
0x2d: {  	s3 =	simm.s32 $0x108;
	s8 =	sld [smem:$0x3FB7]  }
0x2e: {  	s3 =	simm.s32 @!p0 $0x1082;
	s9 =	sld [smem:$0x3FB8]  }
0x2f: {  	lr =	sadd.s32 s0, s3;
	s0 =	sld [smem:$0x3FAF]  }
0x30: {  	s3 =	sld [smem:$0x3FB2]  }
0x31: {  	[smem:$0x3FBB] =	sst s10  }
0x32: {  	s10 =	sld [smem:$0x3FB9];
	_ =	sdelay $0x3  }
0x33: {  	p0 =	seq.s32 s10, $0x1;
	s10 =	sld [smem:$0x3FBB];
	_ =	sdelay $0x3  }
0x34: {  	[smem:$0x3FBB] =	sst s10  }
0x35: {  	s10 =	sld [smem:$0x3FBA];
	_ =	sdelay $0x3  }
0x36: {  	p1 =	seq.s32 s10, $0x1;
	s10 =	sld [smem:$0x3FBB];
	_ =	sdelay $0x3  }
0x37: {  	[smem:$0x3FBB] =	sst s10  }
0x38: {  	s10 =	sld [smem:$0x3FBC]  }
0x39: {  	_ = 	snop;
	(pc) =	sbr.ind lr, $3  }
0x3a: {  	_ = 	snop  }
0x3b: {  	_ = 	snop  }
0x3c: {  	p2 =	seq.s32 s10, $0x1;
	s10 =	sld [smem:$0x3FBB]  }
0x3d: {  	_ =	shalt  }
0x3e: {  	_ =	shalt  }
0x3f: {  	_ =	shalt  }
0x40: {  	_ =	shalt  }
0x41: {  	_ =	shalt  }
0x42: {  	_ =	shalt  }
0x43: {  	_ =	shalt  }
0x44: {  	_ =	shalt  }
0x45: {  	_ =	shalt  }
0x46: {  	_ =	shalt  }
0x47: {  	_ =	shalt  }
0x48: {  	_ =	shalt  }
0x49: {  	_ =	shalt  }
0x4a: {  	_ =	shalt  }
0x4b: {  	_ =	shalt  }
0x4c: {  	_ =	shalt  }
0x4d: {  	_ =	shalt  }
0x4e: {  	_ =	shalt  }
0x4f: {  	_ =	shalt  }
0x50: {  	_ =	shalt  }
0x51: {  	_ =	shalt  }
0x52: {  	_ =	shalt  }
0x53: {  	_ =	shalt  }
0x54: {  	_ =	shalt  }
0x55: {  	_ =	shalt  }
0x56: {  	_ =	shalt  }
0x57: {  	_ =	shalt  }
0x58: {  	_ =	shalt  }
0x59: {  	_ =	shalt  }
0x5a: {  	_ =	shalt  }
0x5b: {  	_ =	shalt  }
0x5c: {  	_ =	shalt  }
0x5d: {  	_ =	shalt  }
0x5e: {  	_ =	shalt  }
0x5f: {  	_ =	shalt  }
0x60: {  	_ =	shalt  }
0x61: {  	_ =	shalt  }
0x62: {  	_ =	shalt  }
0x63: {  	_ =	shalt  }
0x64: {  	_ =	shalt  }
0x65: {  	_ =	shalt  }
0x66: {  	_ =	shalt  }
0x67: {  	_ =	shalt  }
0x68: {  	_ =	shalt  }
0x69: {  	_ =	shalt  }
0x6a: {  	_ =	shalt  }
0x6b: {  	_ =	shalt  }
0x6c: {  	_ =	shalt  }
0x6d: {  	_ =	shalt  }
0x6e: {  	_ =	shalt  }
0x6f: {  	_ =	shalt  }
0x70: {  	_ =	shalt  }
0x71: {  	_ =	shalt  }
0x72: {  	_ =	shalt  }
0x73: {  	_ =	shalt  }
0x74: {  	_ =	shalt  }
0x75: {  	_ =	shalt  }
0x76: {  	_ =	shalt  }
0x77: {  	_ =	shalt  }
0x78: {  	_ =	shalt  }
0x79: {  	_ =	shalt  }
0x7a: {  	_ =	shalt  }
0x7b: {  	_ =	shalt  }
0x7c: {  	_ =	shalt  }
0x7d: {  	_ =	shalt  }
0x7e: {  	_ =	shalt  }
0x7f: {  	_ =	shalt  }
0x80: {  	_ =	shalt  }
0x81: {  	_ =	shalt  }
0x82: {  	_ =	shalt  }
0x83: {  	_ =	shalt  }
0x84: {  	_ =	shalt  }
0x85: {  	_ =	shalt  }
0x86: {  	_ =	shalt  }
0x87: {  	_ =	shalt  }
.Lfunc_end0:
.L_simem_size_0:
called_computation_lowered:
.L_overlay_start_0:
0x88: {  	s2 =	sld [smem:$0x3FD9]  }
0x89: {  	s3 =	sld [smem:$0x3FFE];
	_ =	sdelay $0x1  }
0x8a: {  	s1 =	srdreg.scid  }
0x8b: {  	s0 =	sand.u32 $0x1, s1  }
0x8c: {  	s17 =	sshll.u32 s0, $0xA;
	s2 =	sadd.s32 s3, s2  }
0x8d: {  	s2 =	sadd.s32 s2, s17  }
0x8e: {  	[smem:$0x3FC7] =	sst s2  }
0x8f: {  	_ = 	snop  }
0x90: {  	s2 =	sld [smem:$0x3FD0];
	(tm) =	ssettm $0x1  }
0x91: {  	s18 =	sld [smem:$0x3FFB];
	_ =	sdelay $0x3  }
0x92: {  	_ =	strace s18  }
0x93: {  	s3 =	sld [smem:$0x3FFC];
	_ =	sdelay $0x3  }
0x94: {  	_ =	strace s3  }
0x95: {  	s3 =	sld [smem:$0x3FFD];
	_ =	sdelay $0x3  }
0x96: {  	_ =	strace s3  }
0x97: {  	_ =	strace $0x8FFFFFFF  }
0x98: {  	s19 =	sld [smem:$0x3FDB];
	_ =	sdelay $0x1  }
0x99: {  	s4 =	simm.s32 $_scs_section_size  }
0x9a: {  	s5 =	simm.s32 $_size__tile_overlayer_lowered;
	s6 =	simm.s32 $_tile_overlayer_lowered  }
0x9b: {  	s22 =	simm.s32 $0x1BFF;
	s21 =	sshll.u32 s6, $0x1;
	s3 =	sadd.s32 s4, s19  }
0x9c: {  	s7 =	simm.s32 $0x0;
	s20 =	sshll.u32 s5, $0x1;
	s5 =	sadd.s32 s21, s3  }
0x9d: {  	[timem:s7], [sflag:s22] =	dma.local [hbm:s5], s20  }
0x9e: {  	_ =	swait.ge [sflag:s22], s20  }
0x9f: {  	s4 =	ssub.s32 $0x0, s20;
	[sflag:s22] =	ssyncset.done $0x0  }
0xa0: {  	[sflag:s22] =	ssyncadd.s32 s4;
	_ =	sdelay $0x1  }
0xa1: {  	s23 =	simm.s32 $0x1B8B  }
0xa2: {  	_ =	swait.ge [sflag:s23], $0x1  }
0xa3: {  	[sflag:s23] =	ssyncset.done $0x0  }
0xa4: {  	s25 =	simm.s32 $0x1B8E;
	s24 =	sld [smem:$0x3FFE];
	[sflag:s23] =	ssyncadd.s32 $0xFFFFFFFF  }
0xa5: {  	s26 =	simm.s32 $execute0_lowered;
	[smem:$0x3FD2] =	sst s25  }
0xa6: {  	s5 =	sshll.u32 s26, $0x1;
	_ =	strace $0x80000046;
	[dreg:$0x1] =	wrdreg $0xFFFFFFFF  }
0xa7: {  	s28 =	simm.s32 $_size_execute0_lowered;
	s3 =	sadd.s32 s3, s5;
	[dreg:$0x0] =	wrdreg $0x0  }
0xa8: {  	s5 =	sshll.u32 s28, $0x1;
	[dreg:$0x2] =	wrdreg s3  }
0xa9: {  	[dreg:$0x3] =	wrdreg s5  }
0xaa: {  	[dreg:$0x4] =	wrdreg $0xC0  }
0xab: {  	_ =	task [dreg:s7], $0x5FFFF  }
0xac: {  	[dreg:$0x1] =	wrdreg $0xFFFFFFFF  }
0xad: {  	[dreg:$0x0] =	wrdreg $0x60  }
0xae: {  	[dreg:$0x2] =	wrdreg s2  }
0xaf: {  	[dreg:$0x3] =	wrdreg s24  }
0xb0: {  	[dreg:$0x4] =	wrdreg $0x9  }
0xb1: {  	_ =	task.clear_ibuf [dreg:s7], $0x5FFFF;
	_ =	strace $0x90000046  }
0xb2: {  	s29 =	simm.s32 $0x9;
	_ =	strace $0x80000048  }
0xb3: {  	_ =	swait.ge [sflag:s29], $0x1  }
0xb4: {  	[sflag:s29] =	ssyncadd.s32 $0xFFFFFFFF  }
0xb5: {  	_ =	strace $0x90000048  }
0xb6: {  	_ =	sfence  }
0xb7: {  	s30 =	sld [smem:$0x0];
	_ =	sdelay $0x2  }
0xb8: {  	s31 =	sshll.u32 s1, $0xD;
	s1 =	sshrl.u32 s1, $0x2  }
0xb9: {  	s3 =	sand.u32 $0x4000, s31;
	s1 =	sadd.s32 s1, s30  }
0xba: {  	s0 =	sor.u32 s3, s0;
	s1 =	sshll.u32 s1, $0x11  }
0xbb: {  	s0 =	sor.u32 s1, s0  }
0xbc: {  	s0 =	sadd.s32 $0x8F2B, s0  }
0xbd: {  	[sflag:s0] =	ssyncadd.remote.s32 $0x1  }
0xbe: {  	_ =	sfence.sel $0xFFFF  }
0xbf: {  	[dreg:$0x0] =	wrdreg $0xFFFFFFFF;
	(pc) =	sbr.abs _section_cstart, $3  }
0xc0: {  	[dreg:$0x1] =	wrdreg $0xFFFFFFFF  }
0xc1: {  	_ =	task.clear_ibuf [dreg:s7], $0x2FFFF;
	_ =	strace $0x9FFFFFFF  }
0xc2: {  	(tm) =	ssettm $0x7FFFFFFF  }
0xc3: {  	_ =	shalt  }
tec
execute0_lowered:
.L_overlay_start_1:
0x0: {  	(tag) =	ssettag $0x1  }
0x1: {  	v0 =	vimm.s32 $0xB80  }
0x2: {  	vm14 =	vcmask $0x300;
	vm13 =	vcmask $0x704;
	vm12 =	vcmask $0xB08  }
0x3: {  	vm11 =	vcmask $0xF0C;
	vm10 =	vcmask $0x1310;
	vm9 =	vcmask $0x1714  }
0x4: {  	vm8 =	vcmask $0x1B18;
	vm7 =	vcmask $0x1F1C;
	vm6 =	vcmask $0x2320  }
0x5: {  	vm5 =	vcmask $0x2724;
	vm4 =	vcmask $0x2B28;
	vm3 =	vcmask $0x2F2C  }
0x6: {  	vm2 =	vcmask $0x3330;
	vm1 =	vcmask $0x3734;
	vm0 =	vcmask $0x3B38  }
0x7: {  	v3 =	vimm.f32 $1.000000000e+00;
	v4 =	vimm.s32 $0x1B80;
	v5 =	vimm.s32 $0x2B80  }
0x8: {  	v6 =	vimm.s32 $0x4280;
	v7 =	vimm.s32 $0x5280;
	v8 =	vimm.s32 $0x6280  }
0x9: {  	v9 =	vimm.s32 $0x7980;
	v10 =	vimm.s32 $0x8980;
	v11 =	vimm.s32 $0x9980  }
0xa: {  	v12 =	vimm.s32 $0xB080;
	v13 =	vimm.s32 $0xC080;
	v14 =	vimm.s32 $0xD080  }
0xb: {  	v15 =	vimm.s32 $0xE380;
	v0 =	vsel vm14, $0x0, v0;
	v4 =	vsel vm14, $0x1000, v4  }
0xc: {  	v5 =	vsel vm14, $0x2000, v5;
	v6 =	vsel vm14, $0x3000, v6;
	v7 =	vsel vm14, $0x4300, v7  }
0xd: {  	v8 =	vsel vm14, $0x5300, v8;
	v9 =	vsel vm14, $0x6300, v9;
	v10 =	vsel vm14, $0x7A00, v10  }
0xe: {  	v11 =	vsel vm14, $0x8A00, v11;
	v12 =	vsel vm14, $0x9A00, v12;
	v13 =	vsel vm14, $0xB100, v13  }
0xf: {  	v14 =	vsel vm14, $0xC100, v14;
	v15 =	vsel vm14, $0xD100, v15;
	v0 =	vsel vm13, $0x80, v0  }
0x10: {  	v4 =	vsel vm13, $0x1080, v4;
	v5 =	vsel vm13, $0x2080, v5;
	v6 =	vsel vm13, $0x3080, v6  }
0x11: {  	v7 =	vsel vm13, $0x4380, v7;
	v8 =	vsel vm13, $0x5380, v8;
	v9 =	vsel vm13, $0x6380, v9  }
0x12: {  	v10 =	vsel vm13, $0x7A80, v10;
	v11 =	vsel vm13, $0x8A80, v11;
	v12 =	vsel vm13, $0x9A80, v12  }
0x13: {  	v13 =	vsel vm13, $0xB180, v13;
	v14 =	vsel vm13, $0xC180, v14;
	v15 =	vsel vm13, $0xD180, v15  }
0x14: {  	v0 =	vsel vm12, $0x100, v0;
	v4 =	vsel vm12, $0x1100, v4;
	v5 =	vsel vm12, $0x2100, v5  }
0x15: {  	v6 =	vsel vm12, $0x3800, v6;
	v7 =	vsel vm12, $0x4800, v7;
	v8 =	vsel vm12, $0x5800, v8  }
0x16: {  	v9 =	vsel vm12, $0x6800, v9;
	v10 =	vsel vm12, $0x7B00, v10;
	v11 =	vsel vm12, $0x8B00, v11  }
0x17: {  	v12 =	vsel vm12, $0x9B00, v12;
	v13 =	vsel vm12, $0xB200, v13;
	v14 =	vsel vm12, $0xC200, v14  }
0x18: {  	v15 =	vsel vm12, $0xD200, v15;
	v0 =	vsel vm11, $0x180, v0;
	v4 =	vsel vm11, $0x1180, v4  }
0x19: {  	v5 =	vsel vm11, $0x2180, v5;
	v6 =	vsel vm11, $0x3880, v6;
	v7 =	vsel vm11, $0x4880, v7  }
0x1a: {  	v8 =	vsel vm11, $0x5880, v8;
	v9 =	vsel vm11, $0x6880, v9;
	v10 =	vsel vm11, $0x7B80, v10  }
0x1b: {  	v11 =	vsel vm11, $0x8B80, v11;
	v12 =	vsel vm11, $0x9B80, v12;
	v13 =	vsel vm11, $0xB280, v13  }
0x1c: {  	v14 =	vsel vm11, $0xC280, v14;
	v15 =	vsel vm11, $0xD280, v15;
	v0 =	vsel vm10, $0x200, v0  }
0x1d: {  	v4 =	vsel vm10, $0x1200, v4;
	v5 =	vsel vm10, $0x2200, v5;
	v6 =	vsel vm10, $0x3900, v6  }
0x1e: {  	v7 =	vsel vm10, $0x4900, v7;
	v8 =	vsel vm10, $0x5900, v8;
	v9 =	vsel vm10, $0x7000, v9  }
0x1f: {  	v10 =	vsel vm10, $0x8000, v10;
	v11 =	vsel vm10, $0x9000, v11;
	v12 =	vsel vm10, $0xA000, v12  }
0x20: {  	v13 =	vsel vm10, $0xB300, v13;
	v14 =	vsel vm10, $0xC300, v14;
	v15 =	vsel vm10, $0xD300, v15  }
0x21: {  	v0 =	vsel vm9, $0x280, v0;
	v4 =	vsel vm9, $0x1280, v4;
	v5 =	vsel vm9, $0x2280, v5  }
0x22: {  	v6 =	vsel vm9, $0x3980, v6;
	v7 =	vsel vm9, $0x4980, v7;
	v8 =	vsel vm9, $0x5980, v8  }
0x23: {  	v9 =	vsel vm9, $0x7080, v9;
	v10 =	vsel vm9, $0x8080, v10;
	v11 =	vsel vm9, $0x9080, v11  }
0x24: {  	v12 =	vsel vm9, $0xA080, v12;
	v13 =	vsel vm9, $0xB380, v13;
	v14 =	vsel vm9, $0xC380, v14  }
0x25: {  	v15 =	vsel vm9, $0xD380, v15;
	v0 =	vsel vm8, $0x300, v0;
	v4 =	vsel vm8, $0x1300, v4  }
0x26: {  	v5 =	vsel vm8, $0x2300, v5;
	v6 =	vsel vm8, $0x3A00, v6;
	v7 =	vsel vm8, $0x4A00, v7  }
0x27: {  	v8 =	vsel vm8, $0x5A00, v8;
	v9 =	vsel vm8, $0x7100, v9;
	v10 =	vsel vm8, $0x8100, v10  }
0x28: {  	v11 =	vsel vm8, $0x9100, v11;
	v12 =	vsel vm8, $0xA800, v12;
	v13 =	vsel vm8, $0xB800, v13  }
0x29: {  	v14 =	vsel vm8, $0xC800, v14;
	v15 =	vsel vm8, $0xD800, v15;
	v0 =	vsel vm7, $0x380, v0  }
0x2a: {  	v4 =	vsel vm7, $0x1380, v4;
	v5 =	vsel vm7, $0x2380, v5;
	v6 =	vsel vm7, $0x3A80, v6  }
0x2b: {  	v7 =	vsel vm7, $0x4A80, v7;
	v8 =	vsel vm7, $0x5A80, v8;
	v9 =	vsel vm7, $0x7180, v9  }
0x2c: {  	v10 =	vsel vm7, $0x8180, v10;
	v11 =	vsel vm7, $0x9180, v11;
	v12 =	vsel vm7, $0xA880, v12  }
0x2d: {  	v13 =	vsel vm7, $0xB880, v13;
	v14 =	vsel vm7, $0xC880, v14;
	v15 =	vsel vm7, $0xD880, v15  }
0x2e: {  	v0 =	vsel vm6, $0x800, v0;
	v4 =	vsel vm6, $0x1800, v4;
	v5 =	vsel vm6, $0x2800, v5  }
0x2f: {  	v6 =	vsel vm6, $0x3B00, v6;
	v7 =	vsel vm6, $0x4B00, v7;
	v8 =	vsel vm6, $0x5B00, v8  }
0x30: {  	v9 =	vsel vm6, $0x7200, v9;
	v10 =	vsel vm6, $0x8200, v10;
	v11 =	vsel vm6, $0x9200, v11  }
0x31: {  	v12 =	vsel vm6, $0xA900, v12;
	v13 =	vsel vm6, $0xB900, v13;
	v14 =	vsel vm6, $0xC900, v14  }
0x32: {  	v15 =	vsel vm6, $0xE000, v15;
	v0 =	vsel vm5, $0x880, v0;
	v4 =	vsel vm5, $0x1880, v4  }
0x33: {  	v5 =	vsel vm5, $0x2880, v5;
	v6 =	vsel vm5, $0x3B80, v6;
	v7 =	vsel vm5, $0x4B80, v7  }
0x34: {  	v8 =	vsel vm5, $0x5B80, v8;
	v9 =	vsel vm5, $0x7280, v9;
	v10 =	vsel vm5, $0x8280, v10  }
0x35: {  	v11 =	vsel vm5, $0x9280, v11;
	v12 =	vsel vm5, $0xA980, v12;
	v13 =	vsel vm5, $0xB980, v13  }
0x36: {  	v14 =	vsel vm5, $0xC980, v14;
	v15 =	vsel vm5, $0xE080, v15;
	v0 =	vsel vm4, $0x900, v0  }
0x37: {  	v4 =	vsel vm4, $0x1900, v4;
	v5 =	vsel vm4, $0x2900, v5;
	v6 =	vsel vm4, $0x4000, v6  }
0x38: {  	v7 =	vsel vm4, $0x5000, v7;
	v8 =	vsel vm4, $0x6000, v8;
	v9 =	vsel vm4, $0x7300, v9  }
0x39: {  	v10 =	vsel vm4, $0x8300, v10;
	v11 =	vsel vm4, $0x9300, v11;
	v12 =	vsel vm4, $0xAA00, v12  }
0x3a: {  	v13 =	vsel vm4, $0xBA00, v13;
	v14 =	vsel vm4, $0xCA00, v14;
	v15 =	vsel vm4, $0xE100, v15  }
0x3b: {  	v0 =	vsel vm3, $0x980, v0;
	v4 =	vsel vm3, $0x1980, v4;
	v5 =	vsel vm3, $0x2980, v5  }
0x3c: {  	v6 =	vsel vm3, $0x4080, v6;
	v7 =	vsel vm3, $0x5080, v7;
	v8 =	vsel vm3, $0x6080, v8  }
0x3d: {  	v9 =	vsel vm3, $0x7380, v9;
	v10 =	vsel vm3, $0x8380, v10;
	v11 =	vsel vm3, $0x9380, v11  }
0x3e: {  	v12 =	vsel vm3, $0xAA80, v12;
	v13 =	vsel vm3, $0xBA80, v13;
	v14 =	vsel vm3, $0xCA80, v14  }
0x3f: {  	v15 =	vsel vm3, $0xE180, v15;
	v1 =	vsel vm2, $0xA00, v0;
	v0 =	vimm.s32 $0x0  }
0x40: {  	v4 =	vsel vm2, $0x1A00, v4;
	v5 =	vsel vm2, $0x2A00, v5;
	v6 =	vsel vm2, $0x4100, v6  }
0x41: {  	v7 =	vsel vm2, $0x5100, v7;
	v8 =	vsel vm2, $0x6100, v8;
	v9 =	vsel vm2, $0x7800, v9  }
0x42: {  	s3 =	rddreg [dreg:$0x0];
	v10 =	vsel vm2, $0x8800, v10;
	v11 =	vsel vm2, $0x9800, v11;
	v12 =	vsel vm2, $0xAB00, v12  }
0x43: {  	s4 =	rddreg [dreg:$0x1];
	v13 =	vsel vm2, $0xBB00, v13;
	v14 =	vsel vm2, $0xCB00, v14;
	v15 =	vsel vm2, $0xE200, v15  }
0x44: {  	s0 =	rddreg [dreg:$0x2];
	s1 =	simm.s32 $0x0;
	s2 =	stileid.u32;
	v2 =	vsel vm1, $0xA80, v1;
	v1 =	vimm.f32 $0.0e+00;
	v4 =	vsel vm1, $0x1A80, v4  }
0x45: {  	s5 =	srdreg.scid;
	s9 =	simm.s32 $0x1;
	s10 =	simm.s32 $0x2;
	v5 =	vsel vm1, $0x2A80, v5;
	v6 =	vsel vm1, $0x4180, v6;
	v7 =	vsel vm1, $0x5180, v7  }
0x46: {  	s6 =	smul.u32 $0x70000, s2;
	s5 =	sand.u32 $0x1, s5;
	s7 =	sshll.u32 s2, $0x1;
	v8 =	vsel vm1, $0x6180, v8;
	v9 =	vsel vm1, $0x7880, v9;
	v10 =	vsel vm1, $0x8880, v10  }
0x47: {  	s8 =	ssub.s32 $0x2, s5;
	s7 =	sor.u32 s5, s7;
	s5 =	smul.u32 $0x38000, s5;
	v11 =	vsel vm1, $0x9880, v11;
	v12 =	vsel vm1, $0xAB80, v12;
	v13 =	vsel vm1, $0xBB80, v13  }
.Ltmp0:
0x48: {  	s11 =	simm.s32 $0x0;
	[smem:$0x7FF] =	sst s1;
	v14 =	vsel vm1, $0xCB80, v14;
	v15 =	vsel vm1, $0xE280, v15;
	v2 =	vsel vm0, $0xB00, v2;
	(pc) =	sbr.rel .LBB2_1-.Ltmp0, $4  }
0x49: {  	s4 =	sadd.s32 s6, s4;
	s31 =	sshrl.u32 s8, $0x1;
	s7 =	smul.u32 $0x320, s7;
	v4 =	vsel vm0, $0x1B00, v4;
	v5 =	vsel vm0, $0x2B00, v5;
	v6 =	vsel vm0, $0x4200, v6  }
0x4a: {  	_ =	strace $0x80000047;
	s6 =	ssub.s32 s8, s31;
	s5 =	sadd.s32 s5, s4;
	v7 =	vsel vm0, $0x5200, v7;
	v8 =	vsel vm0, $0x6200, v8;
	v9 =	vsel vm0, $0x7900, v9  }
0x4b: {  	s8 =	simm.s32 $0xE000;
	s3 =	sadd.s32 s3, s7;
	s4 =	smax.u32 s6, $0x1;
	v10 =	vsel vm0, $0x8900, v10;
	v11 =	vsel vm0, $0x9900, v11;
	v12 =	vsel vm0, $0xB000, v12  }
0x4c: {  	s5 =	sadd.s32 $0x2000, s5;
	s6 =	simm.s32 $0x1C000;
	s7 =	simm.s32 $0x3;
	v13 =	vsel vm0, $0xC000, v13;
	v14 =	vsel vm0, $0xD000, v14;
	v15 =	vsel vm0, $0xE300, v15  }
.LBB2_30:
0x4d: {  	s11 =	sadd.s32 $0x1, s11  }
0x4e: {  	_ =	swait.ge [sflag:s9], $0xE000;
	p0 =	sne.s32 s11, s4  }
.Ltmp1:
0x4f: {  	[sflag:s9] =	ssyncset.done $0x0;
	(pc) =	sbr.rel @!p0 .LBB2_31-.Ltmp1, $4  }
0x50: {  	[sflag:s9] =	ssyncadd.s32 $0xFFFF2000  }
0x51: {  	_ =	swait.ge [sflag:s10], $0xE000  }
0x52: {  	[sflag:s10] =	ssyncset.done $0x0  }
0x53: {  	[sflag:s10] =	ssyncadd.s32 $0xFFFF2000  }
.LBB2_1:
0x54: {  	[tilespmem:s6], [sflag:$0x3] =	stream.linear.gather [hbm4b:s3+s1], $0x1900, $0x38;
	[tilespmem:$0x1D980] =	vst v63  }
0x55: {  	_ =	swait.ge [sflag:s7], $0x1900  }
0x56: {  	[sflag:s7] =	ssyncset.done $0x0  }
0x57: {  	s12 =	sand.u32 $0x3800, s1;
	s13 =	sand.u32 $0x380, s1;
	[sflag:s7] =	ssyncadd.s32 $0xFFFFE700  }
0x58: {  	s12 =	sor.u32 s13, s12;
	[tilespmem:$0x1D900] =	vst v0  }
0x59: {  	[tilespmem:s12+$0x470] =	vst v1  }
0x5a: {  	[tilespmem:s12+$0x0] =	vst v1  }
0x5b: {  	[tilespmem:s12+$0x10] =	vst v1  }
0x5c: {  	[tilespmem:s12+$0x20] =	vst v1  }
0x5d: {  	[tilespmem:s12+$0x30] =	vst v1  }
0x5e: {  	[tilespmem:s12+$0x40] =	vst v1  }
0x5f: {  	[tilespmem:s12+$0x50] =	vst v1  }
0x60: {  	[tilespmem:s12+$0x60] =	vst v1  }
0x61: {  	[tilespmem:s12+$0x70] =	vst v1  }
0x62: {  	[tilespmem:s12+$0x400] =	vst v1  }
0x63: {  	[tilespmem:s12+$0x410] =	vst v1  }
0x64: {  	[tilespmem:s12+$0x420] =	vst v1  }
0x65: {  	[tilespmem:s12+$0x430] =	vst v1  }
0x66: {  	s14 =	simm.s32 $0x100;
	s13 =	simm.s32 $0x80;
	[tilespmem:s12+$0x440] =	vst v1  }
0x67: {  	s15 =	sand.u32 $0x3800, s14;
	s14 =	simm.s32 $0x200;
	s16 =	sand.u32 $0x380, s13;
	[tilespmem:s12+$0x450] =	vst v1  }
.LBB2_2:
0x68: {  	p0 =	sne.s32 s14, $0x3100;
	[tilespmem:s12+$0x460] =	vst v1;
	s12 =	sor.u32 s16, s15  }
0x69: {  	[tilespmem:s12+$0x470] =	vst v1  }
0x6a: {  	[tilespmem:s12+$0x0] =	vst v1  }
0x6b: {  	[tilespmem:s12+$0x10] =	vst v1  }
0x6c: {  	[tilespmem:s12+$0x20] =	vst v1  }
0x6d: {  	[tilespmem:s12+$0x30] =	vst v1  }
0x6e: {  	[tilespmem:s12+$0x40] =	vst v1  }
0x6f: {  	[tilespmem:s12+$0x50] =	vst v1  }
0x70: {  	[tilespmem:s12+$0x60] =	vst v1  }
0x71: {  	[tilespmem:s12+$0x70] =	vst v1  }
0x72: {  	[tilespmem:s12+$0x400] =	vst v1  }
.Ltmp2:
0x73: {  	[tilespmem:s12+$0x410] =	vst v1;
	(pc) =	sbr.rel @p0 .LBB2_2-.Ltmp2, $4  }
0x74: {  	[tilespmem:s12+$0x420] =	vst v1  }
0x75: {  	[tilespmem:s12+$0x430] =	vst v1  }
0x76: {  	s13 =	sadd.s32 $0x80, s13;
	[tilespmem:s12+$0x440] =	vst v1  }
0x77: {  	s15 =	sand.u32 $0x3800, s14;
	s14 =	sadd.s32 $0x100, s14;
	s16 =	sand.u32 $0x380, s13;
	[tilespmem:s12+$0x450] =	vst v1  }
0x78: {  	s14 =	sor.u32 s16, s15;
	[tilespmem:s12+$0x460] =	vst v1  }
0x79: {  	[tilespmem:s14+$0x470] =	vst v1  }
0x7a: {  	[tilespmem:s14+$0x0] =	vst v1  }
0x7b: {  	[tilespmem:s14+$0x10] =	vst v1  }
0x7c: {  	[tilespmem:s14+$0x20] =	vst v1  }
0x7d: {  	[tilespmem:s14+$0x30] =	vst v1  }
0x7e: {  	[tilespmem:s14+$0x40] =	vst v1  }
0x7f: {  	[tilespmem:s14+$0x50] =	vst v1  }
0x80: {  	[tilespmem:s14+$0x60] =	vst v1  }
0x81: {  	[tilespmem:s14+$0x70] =	vst v1  }
0x82: {  	[tilespmem:s14+$0x400] =	vst v1  }
0x83: {  	p1 =	por $0x1, $0x1;
	[tilespmem:s14+$0x410] =	vst v1  }
.Ltmp3:
0x84: {  	[tilespmem:s14+$0x420] =	vst v1;
	(pc) =	sbr.rel @!p1 .LBB2_6-.Ltmp3, $4  }
0x85: {  	[tilespmem:s14+$0x430] =	vst v1  }
0x86: {  	s13 =	simm.s32 $0x0;
	p0 =	por $0x0, $0x0;
	[tilespmem:s14+$0x440] =	vst v1  }
0x87: {  	p2 =	por $0x0, $0x0;
	[tilespmem:s14+$0x450] =	vst v1;
	s12 =	sand.u32 $0x3800, s13;
	s13 =	sand.u32 $0x380, s13  }
0x88: {  	[tilespmem:s14+$0x460] =	vst v1;
	s14 =	simm.s32 $0x100;
	s18 =	smov.u32 s12;
	s19 =	smov.u32 s13  }
0x89: {  	s15 =	sor.u32 s13, s12  }
0x8a: {  	[tilespmem:s15+$0x3C70] =	vst v1  }
0x8b: {  	[tilespmem:s15+$0x3800] =	vst v1  }
0x8c: {  	[tilespmem:s15+$0x3810] =	vst v1  }
0x8d: {  	[tilespmem:s15+$0x3820] =	vst v1  }
0x8e: {  	[tilespmem:s15+$0x3830] =	vst v1  }
0x8f: {  	[tilespmem:s15+$0x3840] =	vst v1  }
0x90: {  	[tilespmem:s15+$0x3850] =	vst v1  }
0x91: {  	[tilespmem:s15+$0x3860] =	vst v1  }
0x92: {  	[tilespmem:s15+$0x3870] =	vst v1  }
0x93: {  	p3 =	por $0x1, $0x1;
	[tilespmem:s15+$0x3C00] =	vst v1  }
.Ltmp4:
0x94: {  	[tilespmem:s15+$0x3C10] =	vst v1;
	(pc) =	sbr.rel @!p3 .LBB2_6-.Ltmp4, $4  }
0x95: {  	[tilespmem:s15+$0x3C20] =	vst v1  }
0x96: {  	[tilespmem:s15+$0x3C30] =	vst v1  }
0x97: {  	s16 =	simm.s32 $0x80;
	s18 =	sand.u32 $0x3800, s14;
	[tilespmem:s15+$0x3C40] =	vst v1  }
0x98: {  	s17 =	simm.s32 $0x200;
	p2 =	por $0x1, $0x1;
	s19 =	sand.u32 $0x380, s16;
	[tilespmem:s15+$0x3C50] =	vst v1  }
.LBB2_5:
0x99: {  	p3 =	sne.s32 s17, $0x3100;
	[tilespmem:s15+$0x3C60] =	vst v1;
	s15 =	sor.u32 s19, s18  }
0x9a: {  	[tilespmem:s15+$0x3C70] =	vst v1  }
0x9b: {  	[tilespmem:s15+$0x3800] =	vst v1  }
0x9c: {  	[tilespmem:s15+$0x3810] =	vst v1  }
0x9d: {  	[tilespmem:s15+$0x3820] =	vst v1  }
0x9e: {  	[tilespmem:s15+$0x3830] =	vst v1  }
0x9f: {  	[tilespmem:s15+$0x3840] =	vst v1  }
0xa0: {  	[tilespmem:s15+$0x3850] =	vst v1  }
0xa1: {  	[tilespmem:s15+$0x3860] =	vst v1  }
0xa2: {  	[tilespmem:s15+$0x3870] =	vst v1  }
0xa3: {  	[tilespmem:s15+$0x3C00] =	vst v1  }
.Ltmp5:
0xa4: {  	[tilespmem:s15+$0x3C10] =	vst v1;
	(pc) =	sbr.rel @p3 .LBB2_5-.Ltmp5, $4  }
0xa5: {  	[tilespmem:s15+$0x3C20] =	vst v1  }
0xa6: {  	[tilespmem:s15+$0x3C30] =	vst v1  }
0xa7: {  	s16 =	sadd.s32 $0x80, s16;
	[tilespmem:s15+$0x3C40] =	vst v1  }
0xa8: {  	s18 =	sand.u32 $0x3800, s17;
	s17 =	sadd.s32 $0x100, s17;
	s19 =	sand.u32 $0x380, s16;
	[tilespmem:s15+$0x3C50] =	vst v1  }
.LBB2_6:
0xa9: {  	s16 =	sor.u32 s19, s18;
	[tilespmem:s15+$0x3C60] =	vst @p2 v1  }
0xaa: {  	[tilespmem:s16+$0x3C70] =	vst v1  }
0xab: {  	[tilespmem:s16+$0x3800] =	vst v1  }
0xac: {  	[tilespmem:s16+$0x3810] =	vst v1  }
0xad: {  	[tilespmem:s16+$0x3820] =	vst v1  }
0xae: {  	[tilespmem:s16+$0x3830] =	vst v1  }
0xaf: {  	[tilespmem:s16+$0x3840] =	vst v1  }
0xb0: {  	[tilespmem:s16+$0x3850] =	vst v1  }
0xb1: {  	[tilespmem:s16+$0x3860] =	vst v1  }
0xb2: {  	[tilespmem:s16+$0x3870] =	vst v1  }
0xb3: {  	[tilespmem:s16+$0x3C00] =	vst v1  }
0xb4: {  	[tilespmem:s16+$0x3C10] =	vst v1  }
.Ltmp6:
0xb5: {  	[tilespmem:s16+$0x3C20] =	vst v1;
	(pc) =	sbr.rel @!p1 .LBB2_7-.Ltmp6, $4  }
0xb6: {  	[tilespmem:s16+$0x3C30] =	vst v1  }
0xb7: {  	[tilespmem:s16+$0x3C40] =	vst v1  }
0xb8: {  	[tilespmem:s16+$0x3C50] =	vst v1  }
0xb9: {  	[tilespmem:s16+$0x3C60] =	vst v1  }
0xba: {  	s15 =	sor.u32 s13, s12  }
0xbb: {  	[tilespmem:s15+$0x7470] =	vst v1  }
0xbc: {  	[tilespmem:s15+$0x7000] =	vst v1  }
0xbd: {  	[tilespmem:s15+$0x7010] =	vst v1  }
0xbe: {  	[tilespmem:s15+$0x7020] =	vst v1  }
0xbf: {  	[tilespmem:s15+$0x7030] =	vst v1  }
0xc0: {  	[tilespmem:s15+$0x7040] =	vst v1  }
0xc1: {  	[tilespmem:s15+$0x7050] =	vst v1  }
0xc2: {  	[tilespmem:s15+$0x7060] =	vst v1  }
0xc3: {  	[tilespmem:s15+$0x7070] =	vst v1  }
0xc4: {  	p1 =	por $0x1, $0x1;
	[tilespmem:s15+$0x7400] =	vst v1  }
.Ltmp7:
0xc5: {  	[tilespmem:s15+$0x7410] =	vst v1;
	(pc) =	sbr.rel @!p1 .LBB2_10-.Ltmp7, $4  }
0xc6: {  	[tilespmem:s15+$0x7420] =	vst v1  }
0xc7: {  	[tilespmem:s15+$0x7430] =	vst v1  }
0xc8: {  	s16 =	simm.s32 $0x80;
	s12 =	sand.u32 $0x3800, s14;
	[tilespmem:s15+$0x7440] =	vst v1  }
0xc9: {  	s14 =	simm.s32 $0x200;
	p0 =	por $0x1, $0x1;
	s13 =	sand.u32 $0x380, s16;
	[tilespmem:s15+$0x7450] =	vst v1  }
.LBB2_9:
0xca: {  	p1 =	sne.s32 s14, $0x3100;
	[tilespmem:s15+$0x7460] =	vst v1;
	s15 =	sor.u32 s13, s12  }
0xcb: {  	[tilespmem:s15+$0x7470] =	vst v1  }
0xcc: {  	[tilespmem:s15+$0x7000] =	vst v1  }
0xcd: {  	[tilespmem:s15+$0x7010] =	vst v1  }
0xce: {  	[tilespmem:s15+$0x7020] =	vst v1  }
0xcf: {  	[tilespmem:s15+$0x7030] =	vst v1  }
0xd0: {  	[tilespmem:s15+$0x7040] =	vst v1  }
0xd1: {  	[tilespmem:s15+$0x7050] =	vst v1  }
0xd2: {  	[tilespmem:s15+$0x7060] =	vst v1  }
0xd3: {  	[tilespmem:s15+$0x7070] =	vst v1  }
0xd4: {  	[tilespmem:s15+$0x7400] =	vst v1  }
.Ltmp8:
0xd5: {  	[tilespmem:s15+$0x7410] =	vst v1;
	(pc) =	sbr.rel @p1 .LBB2_9-.Ltmp8, $4  }
0xd6: {  	[tilespmem:s15+$0x7420] =	vst v1  }
0xd7: {  	[tilespmem:s15+$0x7430] =	vst v1  }
0xd8: {  	s16 =	sadd.s32 $0x80, s16;
	[tilespmem:s15+$0x7440] =	vst v1  }
0xd9: {  	s12 =	sand.u32 $0x3800, s14;
	s14 =	sadd.s32 $0x100, s14;
	s13 =	sand.u32 $0x380, s16;
	[tilespmem:s15+$0x7450] =	vst v1  }
.LBB2_10:
0xda: {  	s14 =	sor.u32 s13, s12;
	[tilespmem:s15+$0x7460] =	vst @p0 v1  }
0xdb: {  	[tilespmem:s14+$0x7470] =	vst v1  }
0xdc: {  	[tilespmem:s14+$0x7000] =	vst v1  }
0xdd: {  	[tilespmem:s14+$0x7010] =	vst v1  }
0xde: {  	[tilespmem:s14+$0x7020] =	vst v1  }
0xdf: {  	[tilespmem:s14+$0x7030] =	vst v1  }
0xe0: {  	[tilespmem:s14+$0x7040] =	vst v1  }
0xe1: {  	[tilespmem:s14+$0x7050] =	vst v1  }
0xe2: {  	[tilespmem:s14+$0x7060] =	vst v1  }
0xe3: {  	[tilespmem:s14+$0x7070] =	vst v1  }
0xe4: {  	[tilespmem:s14+$0x7400] =	vst v1  }
0xe5: {  	p1 =	por $0x1, $0x1;
	[tilespmem:s14+$0x7410] =	vst v1  }
.Ltmp9:
0xe6: {  	[tilespmem:s14+$0x7420] =	vst v1;
	(pc) =	sbr.rel @!p1 .LBB2_13-.Ltmp9, $4  }
0xe7: {  	[tilespmem:s14+$0x7430] =	vst v1  }
0xe8: {  	s31 =	simm.s32 $0x0;
	p0 =	por $0x0, $0x0;
	[tilespmem:s14+$0x7440] =	vst v1  }
0xe9: {  	p2 =	por $0x0, $0x0;
	[tilespmem:s14+$0x7450] =	vst v1;
	s12 =	sand.u32 $0x3800, s31;
	s13 =	sand.u32 $0x380, s31  }
0xea: {  	[tilespmem:s14+$0x7460] =	vst v1;
	s14 =	simm.s32 $0x100;
	s18 =	smov.u32 s12;
	s19 =	smov.u32 s13  }
0xeb: {  	s15 =	sor.u32 s13, s12  }
0xec: {  	[tilespmem:s15+$0xAC70] =	vst v1  }
0xed: {  	[tilespmem:s15+$0xA800] =	vst v1  }
0xee: {  	[tilespmem:s15+$0xA810] =	vst v1  }
0xef: {  	[tilespmem:s15+$0xA820] =	vst v1  }
0xf0: {  	[tilespmem:s15+$0xA830] =	vst v1  }
0xf1: {  	[tilespmem:s15+$0xA840] =	vst v1  }
0xf2: {  	[tilespmem:s15+$0xA850] =	vst v1  }
0xf3: {  	[tilespmem:s15+$0xA860] =	vst v1  }
0xf4: {  	[tilespmem:s15+$0xA870] =	vst v1  }
0xf5: {  	p3 =	por $0x1, $0x1;
	[tilespmem:s15+$0xAC00] =	vst v1  }
.Ltmp10:
0xf6: {  	[tilespmem:s15+$0xAC10] =	vst v1;
	(pc) =	sbr.rel @!p3 .LBB2_13-.Ltmp10, $4  }
0xf7: {  	[tilespmem:s15+$0xAC20] =	vst v1  }
0xf8: {  	[tilespmem:s15+$0xAC30] =	vst v1  }
0xf9: {  	s16 =	simm.s32 $0x80;
	s18 =	sand.u32 $0x3800, s14;
	[tilespmem:s15+$0xAC40] =	vst v1  }
0xfa: {  	s17 =	simm.s32 $0x200;
	p2 =	por $0x1, $0x1;
	s19 =	sand.u32 $0x380, s16;
	[tilespmem:s15+$0xAC50] =	vst v1  }
.LBB2_12:
0xfb: {  	p3 =	sne.s32 s17, $0x3100;
	[tilespmem:s15+$0xAC60] =	vst v1;
	s15 =	sor.u32 s19, s18  }
0xfc: {  	[tilespmem:s15+$0xAC70] =	vst v1  }
0xfd: {  	[tilespmem:s15+$0xA800] =	vst v1  }
0xfe: {  	[tilespmem:s15+$0xA810] =	vst v1  }
0xff: {  	[tilespmem:s15+$0xA820] =	vst v1  }
0x100: {  	[tilespmem:s15+$0xA830] =	vst v1  }
0x101: {  	[tilespmem:s15+$0xA840] =	vst v1  }
0x102: {  	[tilespmem:s15+$0xA850] =	vst v1  }
0x103: {  	[tilespmem:s15+$0xA860] =	vst v1  }
0x104: {  	[tilespmem:s15+$0xA870] =	vst v1  }
0x105: {  	[tilespmem:s15+$0xAC00] =	vst v1  }
.Ltmp11:
0x106: {  	[tilespmem:s15+$0xAC10] =	vst v1;
	(pc) =	sbr.rel @p3 .LBB2_12-.Ltmp11, $4  }
0x107: {  	[tilespmem:s15+$0xAC20] =	vst v1  }
0x108: {  	[tilespmem:s15+$0xAC30] =	vst v1  }
0x109: {  	s16 =	sadd.s32 $0x80, s16;
	[tilespmem:s15+$0xAC40] =	vst v1  }
0x10a: {  	s18 =	sand.u32 $0x3800, s17;
	s17 =	sadd.s32 $0x100, s17;
	s19 =	sand.u32 $0x380, s16;
	[tilespmem:s15+$0xAC50] =	vst v1  }
.LBB2_13:
0x10b: {  	s16 =	sor.u32 s19, s18;
	[tilespmem:s15+$0xAC60] =	vst @p2 v1  }
0x10c: {  	[tilespmem:s16+$0xAC70] =	vst v1  }
0x10d: {  	[tilespmem:s16+$0xA800] =	vst v1  }
0x10e: {  	[tilespmem:s16+$0xA810] =	vst v1  }
0x10f: {  	[tilespmem:s16+$0xA820] =	vst v1  }
0x110: {  	[tilespmem:s16+$0xA830] =	vst v1  }
0x111: {  	[tilespmem:s16+$0xA840] =	vst v1  }
0x112: {  	[tilespmem:s16+$0xA850] =	vst v1  }
0x113: {  	[tilespmem:s16+$0xA860] =	vst v1  }
0x114: {  	[tilespmem:s16+$0xA870] =	vst v1  }
0x115: {  	[tilespmem:s16+$0xAC00] =	vst v1  }
0x116: {  	[tilespmem:s16+$0xAC10] =	vst v1  }
.Ltmp12:
0x117: {  	[tilespmem:s16+$0xAC20] =	vst v1;
	(pc) =	sbr.rel @!p1 .LBB2_14-.Ltmp12, $4  }
0x118: {  	[tilespmem:s16+$0xAC30] =	vst v1  }
0x119: {  	[tilespmem:s16+$0xAC40] =	vst v1  }
0x11a: {  	[tilespmem:s16+$0xAC50] =	vst v1  }
0x11b: {  	[tilespmem:s16+$0xAC60] =	vst v1  }
0x11c: {  	s15 =	sor.u32 s13, s12  }
0x11d: {  	[tilespmem:s15+$0xE470] =	vst v1  }
0x11e: {  	[tilespmem:s15+$0xE000] =	vst v1  }
0x11f: {  	[tilespmem:s15+$0xE010] =	vst v1  }
0x120: {  	[tilespmem:s15+$0xE020] =	vst v1  }
0x121: {  	[tilespmem:s15+$0xE030] =	vst v1  }
0x122: {  	[tilespmem:s15+$0xE040] =	vst v1  }
0x123: {  	[tilespmem:s15+$0xE050] =	vst v1  }
0x124: {  	[tilespmem:s15+$0xE060] =	vst v1  }
0x125: {  	[tilespmem:s15+$0xE070] =	vst v1  }
0x126: {  	p1 =	por $0x1, $0x1;
	[tilespmem:s15+$0xE400] =	vst v1  }
.Ltmp13:
0x127: {  	[tilespmem:s15+$0xE410] =	vst v1;
	(pc) =	sbr.rel @!p1 .LBB2_17-.Ltmp13, $4  }
0x128: {  	[tilespmem:s15+$0xE420] =	vst v1  }
0x129: {  	[tilespmem:s15+$0xE430] =	vst v1  }
0x12a: {  	s16 =	simm.s32 $0x80;
	s12 =	sand.u32 $0x3800, s14;
	[tilespmem:s15+$0xE440] =	vst v1  }
0x12b: {  	s14 =	simm.s32 $0x200;
	p0 =	por $0x1, $0x1;
	s13 =	sand.u32 $0x380, s16;
	[tilespmem:s15+$0xE450] =	vst v1  }
.LBB2_16:
0x12c: {  	p1 =	sne.s32 s14, $0x3100;
	[tilespmem:s15+$0xE460] =	vst v1;
	s15 =	sor.u32 s13, s12  }
0x12d: {  	[tilespmem:s15+$0xE470] =	vst v1  }
0x12e: {  	[tilespmem:s15+$0xE000] =	vst v1  }
0x12f: {  	[tilespmem:s15+$0xE010] =	vst v1  }
0x130: {  	[tilespmem:s15+$0xE020] =	vst v1  }
0x131: {  	[tilespmem:s15+$0xE030] =	vst v1  }
0x132: {  	[tilespmem:s15+$0xE040] =	vst v1  }
0x133: {  	[tilespmem:s15+$0xE050] =	vst v1  }
0x134: {  	[tilespmem:s15+$0xE060] =	vst v1  }
0x135: {  	[tilespmem:s15+$0xE070] =	vst v1  }
0x136: {  	[tilespmem:s15+$0xE400] =	vst v1  }
.Ltmp14:
0x137: {  	[tilespmem:s15+$0xE410] =	vst v1;
	(pc) =	sbr.rel @p1 .LBB2_16-.Ltmp14, $4  }
0x138: {  	[tilespmem:s15+$0xE420] =	vst v1  }
0x139: {  	[tilespmem:s15+$0xE430] =	vst v1  }
0x13a: {  	s16 =	sadd.s32 $0x80, s16;
	[tilespmem:s15+$0xE440] =	vst v1  }
0x13b: {  	s12 =	sand.u32 $0x3800, s14;
	s14 =	sadd.s32 $0x100, s14;
	s13 =	sand.u32 $0x380, s16;
	[tilespmem:s15+$0xE450] =	vst v1  }
.LBB2_17:
0x13c: {  	s13 =	sor.u32 s13, s12;
	[tilespmem:s15+$0xE460] =	vst @p0 v1  }
0x13d: {  	[tilespmem:s13+$0xE470] =	vst v1  }
0x13e: {  	[tilespmem:s13+$0xE000] =	vst v1  }
0x13f: {  	[tilespmem:s13+$0xE010] =	vst v1  }
0x140: {  	[tilespmem:s13+$0xE020] =	vst v1  }
0x141: {  	[tilespmem:s13+$0xE030] =	vst v1  }
0x142: {  	[tilespmem:s13+$0xE040] =	vst v1  }
0x143: {  	[tilespmem:s13+$0xE050] =	vst v1  }
0x144: {  	[tilespmem:s13+$0xE060] =	vst v1  }
0x145: {  	[tilespmem:s13+$0xE070] =	vst v1  }
0x146: {  	[tilespmem:s13+$0xE400] =	vst v1  }
0x147: {  	[tilespmem:s13+$0xE410] =	vst v1  }
0x148: {  	[tilespmem:s13+$0xE420] =	vst v1  }
0x149: {  	[tilespmem:s13+$0xE430] =	vst v1  }
0x14a: {  	s12 =	simm.s32 $0x0;
	[tilespmem:s13+$0xE440] =	vst v1  }
0x14b: {  	[tilespmem:s13+$0xE450] =	vst v1;
	s14 =	sand.u32 $0x3800, s12;
	s31 =	sand.u32 $0x380, s12  }
0x14c: {  	[tilespmem:s13+$0xE460] =	vst v1;
	s13 =	sor.u32 s31, s14  }
0x14d: {  	s14 =	sadd.s32 $0x11800, s13;
	[tilespmem:s13+$0x11800] =	vst v1  }
0x14e: {  	[tilespmem:s14+$0x70] =	vst v1  }
0x14f: {  	[tilespmem:s14+$0x60] =	vst v1  }
0x150: {  	[tilespmem:s14+$0x40] =	vst v1  }
0x151: {  	[tilespmem:s14+$0x30] =	vst v1  }
0x152: {  	[tilespmem:s14+$0x20] =	vst v1  }
0x153: {  	[tilespmem:s14+$0x10] =	vst v1  }
0x154: {  	s15 =	sadd.s32 $0x11C00, s13;
	[tilespmem:s14+$0x50] =	vst v1  }
0x155: {  	p0 =	por $0x1, $0x1;
	[tilespmem:s15+$0x60] =	vst v1  }
.Ltmp15:
0x156: {  	[tilespmem:s15+$0x50] =	vst v1;
	(pc) =	sbr.rel @!p0 .LBB2_19-.Ltmp15, $4  }
0x157: {  	[tilespmem:s15+$0x40] =	vst v1  }
0x158: {  	[tilespmem:s13+$0x11C00] =	vst v1  }
0x159: {  	[tilespmem:s15+$0x30] =	vst v1  }
0x15a: {  	s16 =	simm.s32 $0x100;
	s14 =	simm.s32 $0x80;
	[tilespmem:s15+$0x20] =	vst v1  }
.LBB2_18:
0x15b: {  	s19 =	smov.u32 s16  }
0x15c: {  	s17 =	sand.u32 $0x3800, s16;
	s18 =	sand.u32 $0x380, s14;
	[tilespmem:s15+$0x10] =	vst v1;
	s19 =	sadd.s32 $0x100, s16  }
0x15d: {  	p1 =	sne.s32 s16, $0x3100;
	s17 =	sor.u32 s18, s17;
	[tilespmem:s15+$0x70] =	vst v1  }
0x15e: {  	s15 =	sadd.s32 $0x11800, s17;
	[tilespmem:s17+$0x11800] =	vst v1  }
0x15f: {  	[tilespmem:s15+$0x70] =	vst v1  }
0x160: {  	[tilespmem:s15+$0x60] =	vst v1  }
0x161: {  	[tilespmem:s15+$0x40] =	vst v1  }
0x162: {  	[tilespmem:s15+$0x30] =	vst v1  }
0x163: {  	[tilespmem:s15+$0x20] =	vst v1  }
0x164: {  	[tilespmem:s15+$0x10] =	vst v1  }
0x165: {  	[tilespmem:s15+$0x50] =	vst v1;
	s15 =	sadd.s32 $0x11C00, s17  }
0x166: {  	[tilespmem:s15+$0x60] =	vst v1  }
.Ltmp16:
0x167: {  	[tilespmem:s15+$0x50] =	vst v1;
	(pc) =	sbr.rel @p1 .LBB2_18-.Ltmp16, $4  }
0x168: {  	[tilespmem:s15+$0x40] =	vst v1  }
0x169: {  	[tilespmem:s17+$0x11C00] =	vst v1  }
0x16a: {  	[tilespmem:s15+$0x30] =	vst v1  }
0x16b: {  	s14 =	sadd.s32 $0x80, s14;
	s16 =	smov.u32 s19;
	[tilespmem:s15+$0x20] =	vst v1  }
.LBB2_19:
0x16c: {  	[tilespmem:s15+$0x10] =	vst v1  }
0x16d: {  	[tilespmem:s15+$0x70] =	vst v1  }
0x16e: {  	s14 =	sadd.s32 $0x15000, s13;
	[tilespmem:s13+$0x15000] =	vst v1  }
0x16f: {  	[tilespmem:s14+$0x60] =	vst v1  }
0x170: {  	[tilespmem:s14+$0x70] =	vst v1  }
0x171: {  	[tilespmem:s14+$0x40] =	vst v1  }
0x172: {  	[tilespmem:s14+$0x50] =	vst v1  }
0x173: {  	[tilespmem:s14+$0x30] =	vst v1  }
0x174: {  	[tilespmem:s14+$0x20] =	vst v1  }
0x175: {  	[tilespmem:s14+$0x10] =	vst v1;
	s14 =	sadd.s32 $0x15400, s13  }
0x176: {  	[tilespmem:s14+$0x60] =	vst v1  }
.Ltmp17:
0x177: {  	[tilespmem:s14+$0x50] =	vst v1;
	(pc) =	sbr.rel @!p0 .LBB2_21-.Ltmp17, $4  }
0x178: {  	[tilespmem:s14+$0x40] =	vst v1  }
0x179: {  	[tilespmem:s13+$0x15400] =	vst v1  }
0x17a: {  	[tilespmem:s14+$0x30] =	vst v1  }
0x17b: {  	s15 =	simm.s32 $0x100;
	s13 =	simm.s32 $0x80;
	[tilespmem:s14+$0x20] =	vst v1  }
.LBB2_20:
0x17c: {  	s18 =	smov.u32 s15  }
0x17d: {  	s16 =	sand.u32 $0x3800, s15;
	s17 =	sand.u32 $0x380, s13;
	[tilespmem:s14+$0x10] =	vst v1;
	s18 =	sadd.s32 $0x100, s15  }
0x17e: {  	p0 =	sne.s32 s15, $0x3100;
	s16 =	sor.u32 s17, s16;
	[tilespmem:s14+$0x70] =	vst v1  }
0x17f: {  	s14 =	sadd.s32 $0x15000, s16;
	[tilespmem:s16+$0x15000] =	vst v1  }
0x180: {  	[tilespmem:s14+$0x60] =	vst v1  }
0x181: {  	[tilespmem:s14+$0x70] =	vst v1  }
0x182: {  	[tilespmem:s14+$0x40] =	vst v1  }
0x183: {  	[tilespmem:s14+$0x30] =	vst v1  }
0x184: {  	[tilespmem:s14+$0x20] =	vst v1  }
0x185: {  	[tilespmem:s14+$0x10] =	vst v1  }
0x186: {  	[tilespmem:s14+$0x50] =	vst v1;
	s14 =	sadd.s32 $0x15400, s16  }
0x187: {  	[tilespmem:s14+$0x60] =	vst v1  }
.Ltmp18:
0x188: {  	[tilespmem:s14+$0x50] =	vst v1;
	(pc) =	sbr.rel @p0 .LBB2_20-.Ltmp18, $4  }
0x189: {  	[tilespmem:s14+$0x40] =	vst v1  }
0x18a: {  	[tilespmem:s16+$0x15400] =	vst v1  }
0x18b: {  	[tilespmem:s14+$0x30] =	vst v1  }
0x18c: {  	s13 =	sadd.s32 $0x80, s13;
	s15 =	smov.u32 s18;
	[tilespmem:s14+$0x20] =	vst v1  }
.LBB2_21:
0x18d: {  	[tilespmem:s14+$0x10] =	vst v1;
	s13 =	sand.u32 $0x3800, s12;
	s15 =	sand.u32 $0x380, s12  }
0x18e: {  	[tilespmem:s14+$0x70] =	vst v1;
	s13 =	sor.u32 s15, s13  }
0x18f: {  	s31 =	sadd.s32 $0x18800, s13;
	[tilespmem:s13+$0x18800] =	vst v1  }
0x190: {  	[tilespmem:s31+$0x70] =	vst v1  }
0x191: {  	[tilespmem:s31+$0x60] =	vst v1  }
0x192: {  	[tilespmem:s31+$0x40] =	vst v1  }
0x193: {  	[tilespmem:s31+$0x30] =	vst v1  }
0x194: {  	[tilespmem:s31+$0x20] =	vst v1  }
0x195: {  	[tilespmem:s31+$0x10] =	vst v1  }
0x196: {  	s14 =	sadd.s32 $0x18C00, s13;
	[tilespmem:s31+$0x50] =	vst v1  }
0x197: {  	p0 =	sne.s32 s12, $0x3100;
	[tilespmem:s14+$0x60] =	vst v1  }
.Ltmp19:
0x198: {  	[tilespmem:s14+$0x50] =	vst v1;
	(pc) =	sbr.rel @!p0 .LBB2_23-.Ltmp19, $4  }
0x199: {  	[tilespmem:s14+$0x40] =	vst v1  }
0x19a: {  	[tilespmem:s13+$0x18C00] =	vst v1  }
0x19b: {  	[tilespmem:s14+$0x30] =	vst v1  }
0x19c: {  	s15 =	sadd.s32 $0x100, s12;
	s13 =	sadd.s32 $0x80, s12;
	[tilespmem:s14+$0x20] =	vst v1  }
.LBB2_22:
0x19d: {  	s18 =	smov.u32 s15  }
0x19e: {  	s16 =	sand.u32 $0x3800, s15;
	s17 =	sand.u32 $0x380, s13;
	[tilespmem:s14+$0x10] =	vst v1;
	s18 =	sadd.s32 $0x100, s15  }
0x19f: {  	p0 =	sne.s32 s15, $0x3100;
	s16 =	sor.u32 s17, s16;
	[tilespmem:s14+$0x70] =	vst v1  }
0x1a0: {  	s14 =	sadd.s32 $0x18800, s16;
	[tilespmem:s16+$0x18800] =	vst v1  }
0x1a1: {  	[tilespmem:s14+$0x70] =	vst v1  }
0x1a2: {  	[tilespmem:s14+$0x60] =	vst v1  }
0x1a3: {  	[tilespmem:s14+$0x40] =	vst v1  }
0x1a4: {  	[tilespmem:s14+$0x30] =	vst v1  }
0x1a5: {  	[tilespmem:s14+$0x20] =	vst v1  }
0x1a6: {  	[tilespmem:s14+$0x10] =	vst v1  }
0x1a7: {  	[tilespmem:s14+$0x50] =	vst v1;
	s14 =	sadd.s32 $0x18C00, s16  }
0x1a8: {  	[tilespmem:s14+$0x60] =	vst v1  }
.Ltmp20:
0x1a9: {  	[tilespmem:s14+$0x50] =	vst v1;
	(pc) =	sbr.rel @p0 .LBB2_22-.Ltmp20, $4  }
0x1aa: {  	[tilespmem:s14+$0x40] =	vst v1  }
0x1ab: {  	[tilespmem:s16+$0x18C00] =	vst v1  }
0x1ac: {  	[tilespmem:s14+$0x30] =	vst v1  }
0x1ad: {  	s13 =	sadd.s32 $0x80, s13;
	s15 =	smov.u32 s18;
	[tilespmem:s14+$0x20] =	vst v1  }
.LBB2_23:
.Ltmp21:
0x1ae: {  	(pc) =	sbr.rel .LBB2_24-.Ltmp21, $3  }
0x1af: {  	_ =	sdelay $0x1  }
0x1b0: {  	[tilespmem:s14+$0x10] =	vst v1  }
0x1b1: {  	[tilespmem:s14+$0x70] =	vst v1;
	s13 =	simm.s32 $0x1C188;
	s14 =	smov.u32 s5  }
.LBB2_29:
0x1b2: {  	v16 =	vld [tilespmem:s13+$0xFFFFFF40];
	_ =	sdelay $0x4  }
0x1b3: {  	v17 =	vshll.u32 v16, $0x3  }
0x1b4: {  	v16 =	vand.u32 $0x7F, v16;
	v17 =	vand.u32 $0xFFFFFC00, v17  }
0x1b5: {  	v16 =	vor.u32 v16, v17  }
0x1b6: {  	v16 =	vadd.s32 v2, v16;
	_ =	sdelay $0x4  }
0x1b7: {  	[tilespmem:v16+s8+$0x0] =	vst.idx.msk $0xffff, v3  }
0x1b8: {  	v16 =	vld [tilespmem:s13+$0xFFFFFF50];
	_ =	sdelay $0x4  }
0x1b9: {  	v17 =	vshll.u32 v16, $0x3  }
0x1ba: {  	v16 =	vand.u32 $0x7F, v16;
	v17 =	vand.u32 $0xFFFFFC00, v17  }
0x1bb: {  	v16 =	vor.u32 v16, v17  }
0x1bc: {  	v16 =	vadd.s32 v4, v16;
	_ =	sdelay $0x4  }
0x1bd: {  	[tilespmem:v16+s8+$0x0] =	vst.idx.msk $0xffff, v3  }
0x1be: {  	v16 =	vld [tilespmem:s13+$0xFFFFFF60];
	_ =	sdelay $0x4  }
0x1bf: {  	v17 =	vshll.u32 v16, $0x3  }
0x1c0: {  	v16 =	vand.u32 $0x7F, v16;
	v17 =	vand.u32 $0xFFFFFC00, v17  }
0x1c1: {  	v16 =	vor.u32 v16, v17  }
0x1c2: {  	v16 =	vadd.s32 v5, v16;
	_ =	sdelay $0x4  }
0x1c3: {  	[tilespmem:v16+s8+$0x0] =	vst.idx.msk $0xffff, v3  }
0x1c4: {  	v16 =	vld [tilespmem:s13+$0xFFFFFF70];
	_ =	sdelay $0x4  }
0x1c5: {  	v17 =	vshll.u32 v16, $0x3  }
0x1c6: {  	v16 =	vand.u32 $0x7F, v16;
	v17 =	vand.u32 $0xFFFFFC00, v17  }
0x1c7: {  	v16 =	vor.u32 v16, v17  }
0x1c8: {  	v16 =	vadd.s32 v6, v16;
	_ =	sdelay $0x4  }
0x1c9: {  	[tilespmem:v16+s8+$0x0] =	vst.idx.msk $0xffff, v3  }
0x1ca: {  	v16 =	vld [tilespmem:s13+$0xFFFFFF80];
	_ =	sdelay $0x4  }
0x1cb: {  	v17 =	vshll.u32 v16, $0x3  }
0x1cc: {  	v16 =	vand.u32 $0x7F, v16;
	v17 =	vand.u32 $0xFFFFFC00, v17  }
0x1cd: {  	v16 =	vor.u32 v16, v17  }
0x1ce: {  	v16 =	vadd.s32 v7, v16;
	_ =	sdelay $0x4  }
0x1cf: {  	[tilespmem:v16+s8+$0x0] =	vst.idx.msk $0xffff, v3  }
0x1d0: {  	v16 =	vld [tilespmem:s13+$0xFFFFFF90];
	_ =	sdelay $0x4  }
0x1d1: {  	v17 =	vshll.u32 v16, $0x3  }
0x1d2: {  	v16 =	vand.u32 $0x7F, v16;
	v17 =	vand.u32 $0xFFFFFC00, v17  }
0x1d3: {  	v16 =	vor.u32 v16, v17  }
0x1d4: {  	v16 =	vadd.s32 v8, v16;
	_ =	sdelay $0x4  }
0x1d5: {  	[tilespmem:v16+s8+$0x0] =	vst.idx.msk $0xffff, v3  }
0x1d6: {  	v16 =	vld [tilespmem:s13+$0xFFFFFFA0];
	_ =	sdelay $0x4  }
0x1d7: {  	v17 =	vshll.u32 v16, $0x3  }
0x1d8: {  	v16 =	vand.u32 $0x7F, v16;
	v17 =	vand.u32 $0xFFFFFC00, v17  }
0x1d9: {  	v16 =	vor.u32 v16, v17  }
0x1da: {  	v16 =	vadd.s32 v9, v16;
	_ =	sdelay $0x4  }
0x1db: {  	[tilespmem:v16+s8+$0x0] =	vst.idx.msk $0xffff, v3  }
0x1dc: {  	v16 =	vld [tilespmem:s13+$0xFFFFFFB0];
	_ =	sdelay $0x4  }
0x1dd: {  	v17 =	vshll.u32 v16, $0x3  }
0x1de: {  	v16 =	vand.u32 $0x7F, v16;
	v17 =	vand.u32 $0xFFFFFC00, v17  }
0x1df: {  	v16 =	vor.u32 v16, v17  }
0x1e0: {  	v16 =	vadd.s32 v10, v16;
	_ =	sdelay $0x3  }
0x1e1: {  	s15 =	sadd.s32 $0xC8, s12  }
0x1e2: {  	s15 =	sand.u32 $0x1FF8, s15;
	[tilespmem:v16+s8+$0x0] =	vst.idx.msk $0xffff, v3  }
0x1e3: {  	v16 =	vld [tilespmem:s15+$0x1C080];
	_ =	sdelay $0x4  }
0x1e4: {  	v17 =	vshll.u32 v16, $0x3  }
0x1e5: {  	v16 =	vand.u32 $0x7F, v16;
	v17 =	vand.u32 $0xFFFFFC00, v17  }
0x1e6: {  	v16 =	vor.u32 v16, v17  }
0x1e7: {  	v16 =	vadd.s32 v11, v16;
	_ =	sdelay $0x4  }
0x1e8: {  	[tilespmem:v16+s8+$0x0] =	vst.idx.msk $0xffff, v3  }
0x1e9: {  	v16 =	vld [tilespmem:s13+$0xFFFFFFD0];
	_ =	sdelay $0x4  }
0x1ea: {  	v17 =	vshll.u32 v16, $0x3  }
0x1eb: {  	v16 =	vand.u32 $0x7F, v16;
	v17 =	vand.u32 $0xFFFFFC00, v17  }
0x1ec: {  	v16 =	vor.u32 v16, v17  }
0x1ed: {  	v16 =	vadd.s32 v12, v16;
	_ =	sdelay $0x4  }
0x1ee: {  	[tilespmem:v16+s8+$0x0] =	vst.idx.msk $0xffff, v3  }
0x1ef: {  	v16 =	vld [tilespmem:s13+$0xFFFFFFE0];
	_ =	sdelay $0x4  }
0x1f0: {  	v17 =	vshll.u32 v16, $0x3  }
0x1f1: {  	v16 =	vand.u32 $0x7F, v16;
	v17 =	vand.u32 $0xFFFFFC00, v17  }
0x1f2: {  	v16 =	vor.u32 v16, v17  }
0x1f3: {  	v16 =	vadd.s32 v13, v16;
	_ =	sdelay $0x4  }
0x1f4: {  	[tilespmem:v16+s8+$0x0] =	vst.idx.msk $0xffff, v3  }
0x1f5: {  	v16 =	vld [tilespmem:s13+$0xFFFFFFF0];
	_ =	sdelay $0x4  }
0x1f6: {  	v17 =	vshll.u32 v16, $0x3  }
0x1f7: {  	v16 =	vand.u32 $0x7F, v16;
	v17 =	vand.u32 $0xFFFFFC00, v17  }
0x1f8: {  	v16 =	vor.u32 v16, v17  }
0x1f9: {  	v16 =	vadd.s32 v14, v16;
	_ =	sdelay $0x4  }
0x1fa: {  	[tilespmem:v16+s8+$0x0] =	vst.idx.msk $0xffff, v3  }
0x1fb: {  	v16 =	vld [tilespmem:s13+$0x0];
	_ =	sdelay $0x4  }
0x1fc: {  	v17 =	vshll.u32 v16, $0x3  }
0x1fd: {  	v16 =	vand.u32 $0x7F, v16;
	v17 =	vand.u32 $0xFFFFFC00, v17  }
0x1fe: {  	v16 =	vor.u32 v16, v17  }
0x1ff: {  	v16 =	vadd.s32 v15, v16  }
0x200: {  	s12 =	sadd.s32 $0x190, s12  }
0x201: {  	p0 =	sne.s32 s12, $0x1900  }
.Ltmp22:
0x202: {  	_ = 	snop;
	(pc) =	sbr.rel @!p0 .LBB2_30-.Ltmp22, $4  }
0x203: {  	_ = 	snop  }
0x204: {  	[tilespmem:v16+s8+$0x0] =	vst.idx.msk $0xff, v3  }
0x205: {  	[hbm4b:s14+s1] =	stream.linear.scatter [tilespmem:s8], [sflag:$0x2], $0xE000, $0x38;
	[tilespmem:$0x1D980] =	vst v63  }
0x206: {  	s13 =	sadd.s32 $0x190, s13;
	s14 =	sadd.s32 $0x3800, s14  }
.LBB2_24:
0x207: {  	p0 =	seq.s32 s12, $0x0  }
.Ltmp23:
0x208: {  	_ = 	snop;
	(pc) =	sbr.rel @p0 .LBB2_25-.Ltmp23, $1  }
0x209: {  	_ =	sdelay $0x3  }
0x20a: {  	_ =	swait.ge [sflag:s9], $0xE000  }
0x20b: {  	[sflag:s9] =	ssyncset.done $0x0  }
0x20c: {  	[sflag:s9] =	ssyncadd.s32 $0xFFFF2000  }
0x20d: {  	v16 =	vld [tilespmem:s13+$0xFFFFFCE8];
	_ =	sdelay $0x4  }
0x20e: {  	v17 =	vshll.u32 v16, $0x3  }
0x20f: {  	v16 =	vand.u32 $0x7F, v16;
	v17 =	vand.u32 $0xFFFFFC00, v17  }
0x210: {  	v16 =	vor.u32 v16, v17  }
0x211: {  	v16 =	vadd.s32 v2, v16;
	_ =	sdelay $0x3  }
0x212: {  	s17 =	sand.u32 $0x1F80, s12;
	s16 =	sand.u32 $0x70, s12  }
0x213: {  	s15 =	sor.u32 s16, s17;
	[tilespmem:v16+s1+$0x0] =	vst.idx.msk $0xffff, v1  }
0x214: {  	v16 =	vld [tilespmem:s15+$0x1BE80];
	_ =	sdelay $0x4  }
0x215: {  	v17 =	vshll.u32 v16, $0x3  }
0x216: {  	v16 =	vand.u32 $0x7F, v16;
	v17 =	vand.u32 $0xFFFFFC00, v17  }
0x217: {  	v16 =	vor.u32 v16, v17  }
0x218: {  	v16 =	vadd.s32 v4, v16;
	_ =	sdelay $0x4  }
0x219: {  	[tilespmem:v16+s1+$0x0] =	vst.idx.msk $0xffff, v1  }
0x21a: {  	v16 =	vld [tilespmem:s13+$0xFFFFFD08];
	_ =	sdelay $0x4  }
0x21b: {  	v17 =	vshll.u32 v16, $0x3  }
0x21c: {  	v16 =	vand.u32 $0x7F, v16;
	v17 =	vand.u32 $0xFFFFFC00, v17  }
0x21d: {  	v16 =	vor.u32 v16, v17  }
0x21e: {  	v16 =	vadd.s32 v5, v16;
	_ =	sdelay $0x4  }
0x21f: {  	[tilespmem:v16+s1+$0x0] =	vst.idx.msk $0xffff, v1  }
0x220: {  	v16 =	vld [tilespmem:s13+$0xFFFFFD18];
	_ =	sdelay $0x4  }
0x221: {  	v17 =	vshll.u32 v16, $0x3  }
0x222: {  	v16 =	vand.u32 $0x7F, v16;
	v17 =	vand.u32 $0xFFFFFC00, v17  }
0x223: {  	v16 =	vor.u32 v16, v17  }
0x224: {  	v16 =	vadd.s32 v6, v16;
	_ =	sdelay $0x4  }
0x225: {  	[tilespmem:v16+s1+$0x0] =	vst.idx.msk $0xffff, v1  }
0x226: {  	v16 =	vld [tilespmem:s13+$0xFFFFFD28];
	_ =	sdelay $0x4  }
0x227: {  	v17 =	vshll.u32 v16, $0x3  }
0x228: {  	v16 =	vand.u32 $0x7F, v16;
	v17 =	vand.u32 $0xFFFFFC00, v17  }
0x229: {  	v16 =	vor.u32 v16, v17  }
0x22a: {  	v16 =	vadd.s32 v7, v16;
	_ =	sdelay $0x4  }
0x22b: {  	[tilespmem:v16+s1+$0x0] =	vst.idx.msk $0xffff, v1  }
0x22c: {  	v16 =	vld [tilespmem:s13+$0xFFFFFD38];
	_ =	sdelay $0x4  }
0x22d: {  	v17 =	vshll.u32 v16, $0x3  }
0x22e: {  	v16 =	vand.u32 $0x7F, v16;
	v17 =	vand.u32 $0xFFFFFC00, v17  }
0x22f: {  	v16 =	vor.u32 v16, v17  }
0x230: {  	v16 =	vadd.s32 v8, v16;
	_ =	sdelay $0x4  }
0x231: {  	[tilespmem:v16+s1+$0x0] =	vst.idx.msk $0xffff, v1  }
0x232: {  	v16 =	vld [tilespmem:s13+$0xFFFFFD48];
	_ =	sdelay $0x4  }
0x233: {  	v17 =	vshll.u32 v16, $0x3  }
0x234: {  	v16 =	vand.u32 $0x7F, v16;
	v17 =	vand.u32 $0xFFFFFC00, v17  }
0x235: {  	v16 =	vor.u32 v16, v17  }
0x236: {  	v16 =	vadd.s32 v9, v16;
	_ =	sdelay $0x4  }
0x237: {  	[tilespmem:v16+s1+$0x0] =	vst.idx.msk $0xffff, v1  }
0x238: {  	v16 =	vld [tilespmem:s13+$0xFFFFFD58];
	_ =	sdelay $0x4  }
0x239: {  	v17 =	vshll.u32 v16, $0x3  }
0x23a: {  	v16 =	vand.u32 $0x7F, v16;
	v17 =	vand.u32 $0xFFFFFC00, v17  }
0x23b: {  	v16 =	vor.u32 v16, v17  }
0x23c: {  	v16 =	vadd.s32 v10, v16;
	_ =	sdelay $0x4  }
0x23d: {  	[tilespmem:v16+s1+$0x0] =	vst.idx.msk $0xffff, v1  }
0x23e: {  	v16 =	vld [tilespmem:s13+$0xFFFFFD68];
	_ =	sdelay $0x4  }
0x23f: {  	v17 =	vshll.u32 v16, $0x3  }
0x240: {  	v16 =	vand.u32 $0x7F, v16;
	v17 =	vand.u32 $0xFFFFFC00, v17  }
0x241: {  	v16 =	vor.u32 v16, v17  }
0x242: {  	v16 =	vadd.s32 v11, v16;
	_ =	sdelay $0x4  }
0x243: {  	[tilespmem:v16+s1+$0x0] =	vst.idx.msk $0xffff, v1  }
0x244: {  	v16 =	vld [tilespmem:s15+$0x1BF00];
	_ =	sdelay $0x4  }
0x245: {  	v17 =	vshll.u32 v16, $0x3  }
0x246: {  	v16 =	vand.u32 $0x7F, v16;
	v17 =	vand.u32 $0xFFFFFC00, v17  }
0x247: {  	v16 =	vor.u32 v16, v17  }
0x248: {  	v16 =	vadd.s32 v12, v16;
	_ =	sdelay $0x4  }
0x249: {  	[tilespmem:v16+s1+$0x0] =	vst.idx.msk $0xffff, v1  }
0x24a: {  	v16 =	vld [tilespmem:s13+$0xFFFFFD88];
	_ =	sdelay $0x4  }
0x24b: {  	v17 =	vshll.u32 v16, $0x3  }
0x24c: {  	v16 =	vand.u32 $0x7F, v16;
	v17 =	vand.u32 $0xFFFFFC00, v17  }
0x24d: {  	v16 =	vor.u32 v16, v17  }
0x24e: {  	v16 =	vadd.s32 v13, v16;
	_ =	sdelay $0x4  }
0x24f: {  	[tilespmem:v16+s1+$0x0] =	vst.idx.msk $0xffff, v1  }
0x250: {  	v16 =	vld [tilespmem:s13+$0xFFFFFD98];
	_ =	sdelay $0x4  }
0x251: {  	v17 =	vshll.u32 v16, $0x3  }
0x252: {  	v16 =	vand.u32 $0x7F, v16;
	v17 =	vand.u32 $0xFFFFFC00, v17  }
0x253: {  	v16 =	vor.u32 v16, v17  }
0x254: {  	v16 =	vadd.s32 v14, v16;
	_ =	sdelay $0x4  }
0x255: {  	[tilespmem:v16+s1+$0x0] =	vst.idx.msk $0xffff, v1  }
0x256: {  	v16 =	vld [tilespmem:s13+$0xFFFFFDA8];
	_ =	sdelay $0x4  }
0x257: {  	v17 =	vshll.u32 v16, $0x3  }
0x258: {  	v16 =	vand.u32 $0x7F, v16;
	v17 =	vand.u32 $0xFFFFFC00, v17  }
0x259: {  	v16 =	vor.u32 v16, v17  }
0x25a: {  	v16 =	vadd.s32 v15, v16  }
.Ltmp24:
0x25b: {  	_ = 	snop;
	(pc) =	sbr.rel .LBB2_27-.Ltmp24, $2  }
0x25c: {  	_ =	sdelay $0x2  }
0x25d: {  	s15 =	smov.u32 s12;
	[tilespmem:v16+s1+$0x0] =	vst.idx.msk $0xff, v1  }
.LBB2_25:
0x25e: {  	s16 =	simm.s32 $0x0;
	s17 =	simm.s32 $0x0;
	s15 =	simm.s32 $0x0  }
.LBB2_27:
0x25f: {  	v16 =	vld [tilespmem:s15+$0x1C000];
	_ =	sdelay $0x4  }
0x260: {  	v17 =	vshll.u32 v16, $0x3  }
0x261: {  	v16 =	vand.u32 $0x7F, v16;
	v17 =	vand.u32 $0xFFFFFC00, v17  }
0x262: {  	v16 =	vor.u32 v16, v17  }
0x263: {  	v16 =	vadd.s32 v2, v16;
	_ =	sdelay $0x4  }
0x264: {  	[tilespmem:v16+s1+$0x0] =	vst.idx.msk $0xffff, v3  }
0x265: {  	v16 =	vld [tilespmem:s15+$0x1C010];
	_ =	sdelay $0x4  }
0x266: {  	v17 =	vshll.u32 v16, $0x3  }
0x267: {  	v16 =	vand.u32 $0x7F, v16;
	v17 =	vand.u32 $0xFFFFFC00, v17  }
0x268: {  	v16 =	vor.u32 v16, v17  }
0x269: {  	v16 =	vadd.s32 v4, v16;
	_ =	sdelay $0x4  }
0x26a: {  	[tilespmem:v16+s1+$0x0] =	vst.idx.msk $0xffff, v3  }
0x26b: {  	v16 =	vld [tilespmem:s15+$0x1C020];
	_ =	sdelay $0x4  }
0x26c: {  	v17 =	vshll.u32 v16, $0x3  }
0x26d: {  	v16 =	vand.u32 $0x7F, v16;
	v17 =	vand.u32 $0xFFFFFC00, v17  }
0x26e: {  	v16 =	vor.u32 v16, v17  }
0x26f: {  	v16 =	vadd.s32 v5, v16;
	_ =	sdelay $0x4  }
0x270: {  	[tilespmem:v16+s1+$0x0] =	vst.idx.msk $0xffff, v3  }
0x271: {  	v16 =	vld [tilespmem:s15+$0x1C030];
	_ =	sdelay $0x4  }
0x272: {  	v17 =	vshll.u32 v16, $0x3  }
0x273: {  	v16 =	vand.u32 $0x7F, v16;
	v17 =	vand.u32 $0xFFFFFC00, v17  }
0x274: {  	v16 =	vor.u32 v16, v17  }
0x275: {  	v16 =	vadd.s32 v6, v16;
	_ =	sdelay $0x4  }
0x276: {  	[tilespmem:v16+s1+$0x0] =	vst.idx.msk $0xffff, v3  }
0x277: {  	v16 =	vld [tilespmem:s15+$0x1C040];
	_ =	sdelay $0x4  }
0x278: {  	v17 =	vshll.u32 v16, $0x3  }
0x279: {  	v16 =	vand.u32 $0x7F, v16;
	v17 =	vand.u32 $0xFFFFFC00, v17  }
0x27a: {  	v16 =	vor.u32 v16, v17  }
0x27b: {  	v16 =	vadd.s32 v7, v16;
	_ =	sdelay $0x4  }
0x27c: {  	[tilespmem:v16+s1+$0x0] =	vst.idx.msk $0xffff, v3  }
0x27d: {  	v16 =	vld [tilespmem:s15+$0x1C050];
	_ =	sdelay $0x4  }
0x27e: {  	v17 =	vshll.u32 v16, $0x3  }
0x27f: {  	v16 =	vand.u32 $0x7F, v16;
	v17 =	vand.u32 $0xFFFFFC00, v17  }
0x280: {  	v16 =	vor.u32 v16, v17  }
0x281: {  	v16 =	vadd.s32 v8, v16;
	_ =	sdelay $0x4  }
0x282: {  	[tilespmem:v16+s1+$0x0] =	vst.idx.msk $0xffff, v3  }
0x283: {  	v16 =	vld [tilespmem:s15+$0x1C060];
	_ =	sdelay $0x4  }
0x284: {  	v17 =	vshll.u32 v16, $0x3  }
0x285: {  	v16 =	vand.u32 $0x7F, v16;
	v17 =	vand.u32 $0xFFFFFC00, v17  }
0x286: {  	v16 =	vor.u32 v16, v17  }
0x287: {  	v16 =	vadd.s32 v9, v16;
	_ =	sdelay $0x4  }
0x288: {  	[tilespmem:v16+s1+$0x0] =	vst.idx.msk $0xffff, v3  }
0x289: {  	v16 =	vld [tilespmem:s15+$0x1C070];
	_ =	sdelay $0x4  }
0x28a: {  	v17 =	vshll.u32 v16, $0x3  }
0x28b: {  	v16 =	vand.u32 $0x7F, v16;
	v17 =	vand.u32 $0xFFFFFC00, v17  }
0x28c: {  	v16 =	vor.u32 v16, v17  }
0x28d: {  	v16 =	vadd.s32 v10, v16;
	_ =	sdelay $0x4  }
0x28e: {  	s16 =	sadd.s32 s16, s17;
	[tilespmem:v16+s1+$0x0] =	vst.idx.msk $0xffff, v3  }
0x28f: {  	v16 =	vld [tilespmem:s16+$0x1C080];
	_ =	sdelay $0x4  }
0x290: {  	v17 =	vshll.u32 v16, $0x3  }
0x291: {  	v16 =	vand.u32 $0x7F, v16;
	v17 =	vand.u32 $0xFFFFFC00, v17  }
0x292: {  	v16 =	vor.u32 v16, v17  }
0x293: {  	v16 =	vadd.s32 v11, v16;
	_ =	sdelay $0x4  }
0x294: {  	[tilespmem:v16+s1+$0x0] =	vst.idx.msk $0xffff, v3  }
0x295: {  	v16 =	vld [tilespmem:s15+$0x1C090];
	_ =	sdelay $0x4  }
0x296: {  	v17 =	vshll.u32 v16, $0x3  }
0x297: {  	v16 =	vand.u32 $0x7F, v16;
	v17 =	vand.u32 $0xFFFFFC00, v17  }
0x298: {  	v16 =	vor.u32 v16, v17  }
0x299: {  	v16 =	vadd.s32 v12, v16;
	_ =	sdelay $0x4  }
0x29a: {  	[tilespmem:v16+s1+$0x0] =	vst.idx.msk $0xffff, v3  }
0x29b: {  	v16 =	vld [tilespmem:s15+$0x1C0A0];
	_ =	sdelay $0x4  }
0x29c: {  	v17 =	vshll.u32 v16, $0x3  }
0x29d: {  	v16 =	vand.u32 $0x7F, v16;
	v17 =	vand.u32 $0xFFFFFC00, v17  }
0x29e: {  	v16 =	vor.u32 v16, v17  }
0x29f: {  	v16 =	vadd.s32 v13, v16;
	_ =	sdelay $0x4  }
0x2a0: {  	[tilespmem:v16+s1+$0x0] =	vst.idx.msk $0xffff, v3  }
0x2a1: {  	v16 =	vld [tilespmem:s15+$0x1C0B0];
	_ =	sdelay $0x4  }
0x2a2: {  	v17 =	vshll.u32 v16, $0x3  }
0x2a3: {  	v16 =	vand.u32 $0x7F, v16;
	v17 =	vand.u32 $0xFFFFFC00, v17  }
0x2a4: {  	v16 =	vor.u32 v16, v17  }
0x2a5: {  	v16 =	vadd.s32 v14, v16;
	_ =	sdelay $0x4  }
0x2a6: {  	[tilespmem:v16+s1+$0x0] =	vst.idx.msk $0xffff, v3  }
0x2a7: {  	v16 =	vld [tilespmem:s15+$0x1C0C0];
	_ =	sdelay $0x4  }
0x2a8: {  	v17 =	vshll.u32 v16, $0x3  }
0x2a9: {  	v16 =	vand.u32 $0x7F, v16;
	v17 =	vand.u32 $0xFFFFFC00, v17  }
0x2aa: {  	v16 =	vor.u32 v16, v17  }
0x2ab: {  	v16 =	vadd.s32 v15, v16;
	_ =	sdelay $0x1  }
.Ltmp25:
0x2ac: {  	_ = 	snop;
	(pc) =	sbr.rel @p0 .LBB2_29-.Ltmp25, $3  }
0x2ad: {  	_ =	sdelay $0x1  }
0x2ae: {  	s31 =	sadd.s32 $0xFFFFE400, s14;
	[tilespmem:v16+s1+$0x0] =	vst.idx.msk $0xff, v3  }
0x2af: {  	[hbm4b:s31+s1] =	stream.linear.scatter [tilespmem:s1], [sflag:$0x1], $0xE000, $0x38;
	[tilespmem:$0x1D980] =	vst v63  }
0x2b0: {  	_ =	swait.ge [sflag:s10], $0xE000  }
0x2b1: {  	[sflag:s10] =	ssyncset.done $0x0  }
0x2b2: {  	[sflag:s10] =	ssyncadd.s32 $0xFFFF2000  }
0x2b3: {  	v16 =	vld [tilespmem:s15+$0x1BF38];
	_ =	sdelay $0x4  }
0x2b4: {  	v17 =	vshll.u32 v16, $0x3  }
0x2b5: {  	v16 =	vand.u32 $0x7F, v16;
	v17 =	vand.u32 $0xFFFFFC00, v17  }
0x2b6: {  	v16 =	vor.u32 v16, v17  }
0x2b7: {  	v16 =	vadd.s32 v2, v16;
	_ =	sdelay $0x4  }
0x2b8: {  	[tilespmem:v16+s8+$0x0] =	vst.idx.msk $0xffff, v1  }
0x2b9: {  	v16 =	vld [tilespmem:s15+$0x1BF48];
	_ =	sdelay $0x4  }
0x2ba: {  	v17 =	vshll.u32 v16, $0x3  }
0x2bb: {  	v16 =	vand.u32 $0x7F, v16;
	v17 =	vand.u32 $0xFFFFFC00, v17  }
0x2bc: {  	v16 =	vor.u32 v16, v17  }
0x2bd: {  	v16 =	vadd.s32 v4, v16;
	_ =	sdelay $0x4  }
0x2be: {  	[tilespmem:v16+s8+$0x0] =	vst.idx.msk $0xffff, v1  }
0x2bf: {  	v16 =	vld [tilespmem:s15+$0x1BF58];
	_ =	sdelay $0x4  }
0x2c0: {  	v17 =	vshll.u32 v16, $0x3  }
0x2c1: {  	v16 =	vand.u32 $0x7F, v16;
	v17 =	vand.u32 $0xFFFFFC00, v17  }
0x2c2: {  	v16 =	vor.u32 v16, v17  }
0x2c3: {  	v16 =	vadd.s32 v5, v16;
	_ =	sdelay $0x4  }
0x2c4: {  	[tilespmem:v16+s8+$0x0] =	vst.idx.msk $0xffff, v1  }
0x2c5: {  	v16 =	vld [tilespmem:s15+$0x1BF68];
	_ =	sdelay $0x4  }
0x2c6: {  	v17 =	vshll.u32 v16, $0x3  }
0x2c7: {  	v16 =	vand.u32 $0x7F, v16;
	v17 =	vand.u32 $0xFFFFFC00, v17  }
0x2c8: {  	v16 =	vor.u32 v16, v17  }
0x2c9: {  	v16 =	vadd.s32 v6, v16;
	_ =	sdelay $0x4  }
0x2ca: {  	[tilespmem:v16+s8+$0x0] =	vst.idx.msk $0xffff, v1  }
0x2cb: {  	v16 =	vld [tilespmem:s15+$0x1BF78];
	_ =	sdelay $0x4  }
0x2cc: {  	v17 =	vshll.u32 v16, $0x3  }
0x2cd: {  	v16 =	vand.u32 $0x7F, v16;
	v17 =	vand.u32 $0xFFFFFC00, v17  }
0x2ce: {  	v16 =	vor.u32 v16, v17  }
0x2cf: {  	v16 =	vadd.s32 v7, v16;
	_ =	sdelay $0x4  }
0x2d0: {  	[tilespmem:v16+s8+$0x0] =	vst.idx.msk $0xffff, v1  }
0x2d1: {  	v16 =	vld [tilespmem:s15+$0x1BF88];
	_ =	sdelay $0x4  }
0x2d2: {  	v17 =	vshll.u32 v16, $0x3  }
0x2d3: {  	v16 =	vand.u32 $0x7F, v16;
	v17 =	vand.u32 $0xFFFFFC00, v17  }
0x2d4: {  	v16 =	vor.u32 v16, v17  }
0x2d5: {  	v16 =	vadd.s32 v8, v16;
	_ =	sdelay $0x4  }
0x2d6: {  	[tilespmem:v16+s8+$0x0] =	vst.idx.msk $0xffff, v1  }
0x2d7: {  	v16 =	vld [tilespmem:s15+$0x1BF98];
	_ =	sdelay $0x4  }
0x2d8: {  	v17 =	vshll.u32 v16, $0x3  }
0x2d9: {  	v16 =	vand.u32 $0x7F, v16;
	v17 =	vand.u32 $0xFFFFFC00, v17  }
0x2da: {  	v16 =	vor.u32 v16, v17  }
0x2db: {  	v16 =	vadd.s32 v9, v16;
	_ =	sdelay $0x4  }
0x2dc: {  	[tilespmem:v16+s8+$0x0] =	vst.idx.msk $0xffff, v1  }
0x2dd: {  	v16 =	vld [tilespmem:s15+$0x1BFA8];
	_ =	sdelay $0x4  }
0x2de: {  	v17 =	vshll.u32 v16, $0x3  }
0x2df: {  	v16 =	vand.u32 $0x7F, v16;
	v17 =	vand.u32 $0xFFFFFC00, v17  }
0x2e0: {  	v16 =	vor.u32 v16, v17  }
0x2e1: {  	v16 =	vadd.s32 v10, v16;
	_ =	sdelay $0x4  }
0x2e2: {  	[tilespmem:v16+s8+$0x0] =	vst.idx.msk $0xffff, v1  }
0x2e3: {  	v16 =	vld [tilespmem:s15+$0x1BFB8];
	_ =	sdelay $0x4  }
0x2e4: {  	v17 =	vshll.u32 v16, $0x3  }
0x2e5: {  	v16 =	vand.u32 $0x7F, v16;
	v17 =	vand.u32 $0xFFFFFC00, v17  }
0x2e6: {  	v16 =	vor.u32 v16, v17  }
0x2e7: {  	v16 =	vadd.s32 v11, v16;
	_ =	sdelay $0x4  }
0x2e8: {  	[tilespmem:v16+s8+$0x0] =	vst.idx.msk $0xffff, v1  }
0x2e9: {  	v16 =	vld [tilespmem:s15+$0x1BFC8];
	_ =	sdelay $0x4  }
0x2ea: {  	v17 =	vshll.u32 v16, $0x3  }
0x2eb: {  	v16 =	vand.u32 $0x7F, v16;
	v17 =	vand.u32 $0xFFFFFC00, v17  }
0x2ec: {  	v16 =	vor.u32 v16, v17  }
0x2ed: {  	v16 =	vadd.s32 v12, v16;
	_ =	sdelay $0x4  }
0x2ee: {  	[tilespmem:v16+s8+$0x0] =	vst.idx.msk $0xffff, v1  }
0x2ef: {  	v16 =	vld [tilespmem:s15+$0x1BFD8];
	_ =	sdelay $0x4  }
0x2f0: {  	v17 =	vshll.u32 v16, $0x3  }
0x2f1: {  	v16 =	vand.u32 $0x7F, v16;
	v17 =	vand.u32 $0xFFFFFC00, v17  }
0x2f2: {  	v16 =	vor.u32 v16, v17  }
0x2f3: {  	v16 =	vadd.s32 v13, v16;
	_ =	sdelay $0x4  }
0x2f4: {  	[tilespmem:v16+s8+$0x0] =	vst.idx.msk $0xffff, v1  }
0x2f5: {  	v16 =	vld [tilespmem:s15+$0x1BFE8];
	_ =	sdelay $0x4  }
0x2f6: {  	v17 =	vshll.u32 v16, $0x3  }
0x2f7: {  	v16 =	vand.u32 $0x7F, v16;
	v17 =	vand.u32 $0xFFFFFC00, v17  }
0x2f8: {  	v16 =	vor.u32 v16, v17  }
0x2f9: {  	v16 =	vadd.s32 v14, v16;
	_ =	sdelay $0x4  }
0x2fa: {  	[tilespmem:v16+s8+$0x0] =	vst.idx.msk $0xffff, v1  }
0x2fb: {  	v16 =	vld [tilespmem:s15+$0x1BFF8];
	_ =	sdelay $0x4  }
0x2fc: {  	v17 =	vshll.u32 v16, $0x3  }
0x2fd: {  	v16 =	vand.u32 $0x7F, v16;
	v17 =	vand.u32 $0xFFFFFC00, v17  }
0x2fe: {  	v16 =	vor.u32 v16, v17  }
0x2ff: {  	v16 =	vadd.s32 v15, v16  }
.Ltmp26:
0x300: {  	_ = 	snop;
	(pc) =	sbr.rel .LBB2_29-.Ltmp26, $2  }
0x301: {  	_ =	sdelay $0x2  }
0x302: {  	[tilespmem:v16+s8+$0x0] =	vst.idx.msk $0xff, v1  }
.LBB2_7:
.Ltmp27:
0x303: {  	(pc) =	sbr.rel .LBB2_10-.Ltmp27, $2  }
0x304: {  	_ =	sdelay $0x2  }
0x305: {  	_ = 	snop  }
.LBB2_14:
.Ltmp28:
0x306: {  	(pc) =	sbr.rel .LBB2_17-.Ltmp28, $2  }
0x307: {  	_ =	sdelay $0x2  }
0x308: {  	_ = 	snop  }
.LBB2_31:
0x309: {  	_ =	sfence.sel $0x180000  }
0x30a: {  	[bflag:$0x0] =	sbarrier.arrive $0xFFFF  }
0x30b: {  	p0 =	sne.s32 s2, $0x0;
	_ =	strace $0x90000047  }
0x30c: {  	s0 =	sadd.s32 @!p0 $0x100000, s0;
	[bflag:$0x2] =	sbarrier.arrive $0xFFFF  }
0x30d: {  	[sflag:s0] =	ssyncadd.tile.s32 @!p0 $0x1;
	_ =	shalt  }
.Lfunc_end2:
_tile_overlayer_lowered:
.L_overlay_start_2:
0x30e: {  	(tag) =	ssettag $0x2  }
0x30f: {  	s0 =	rddreg [dreg:$0x0];
	s2 =	stileid.u32  }
0x310: {  	s1 =	rddreg [dreg:$0x1];
	p0 =	sne.s32 s2, $0x0  }
0x311: {  	s3 =	rddreg [dreg:$0x2];
	[bflag:$0x3] =	sbarrier.arrive $0xFFFF;
	s2 =	simm.s32 @!p0 $0x1C03  }
0x312: {  	[timem:s3], [sflag:s2] =	dma.local @!p0 [hbm:s0], s1  }
0x313: {  	s0 =	simm.s32 @!p0 $0x3  }
0x314: {  	_ =	swait.ge @!p0 [sflag:s0], s1  }
0x315: {  	s1 =	ssub.s32 @!p0 $0x0, s1;
	[sflag:s0] =	ssyncset.done @!p0 $0x0  }
0x316: {  	[sflag:s0] =	ssyncadd.s32 @!p0 s1  }
0x317: {  	[bflag:$0x3] =	sbarrier.arrive $0xFFFF  }
0x318: {  	_ =	shalt  }

</sc_bundles>
